<compile_context>
chip_gen: v7x
topology: tpu7x:2x2x1
jax: 0.10.2.dev20260603
libtpu: 0.0.44.dev20260713+nightly
codegen_flags: <defaults>
</compile_context>

<pallas_src>
import functools

import jax
import jax.numpy as jnp
from jax import lax
from jax.experimental import pallas as pl
from jax.experimental.pallas import tpu as pltpu
from jax.experimental.pallas import tpu_sc as plsc

NN = 10000
EE = 320000
DIN = 128
NH = 8
CH = 16
D2 = 64
NEG = -1e30
BN = 1000
CHK = 100
NW = 32
RPT = 624
TAIL = NN - 16 * RPT
ZC = 96
W1C = DIN + 16
W2C = D2 + 16


def _tc1_body(x_r, w1_r, pa_r, pd_r, pads_r, hc_r, ad_r, ms_r, md_r):
    i = pl.program_id(0)
    h = jnp.dot(x_r[...], w1_r[...], preferred_element_type=jnp.float32)
    a_s = jnp.dot(h, pa_r[...], preferred_element_type=jnp.float32) + pads_r[...]
    a_d = jnp.dot(h, pd_r[...], preferred_element_type=jnp.float32)
    hc_r[...] = jnp.concatenate([h, a_s], axis=1)
    ad_r[...] = a_d
    cs = jnp.max(a_s, axis=0, keepdims=True)
    cd = jnp.max(a_d, axis=0, keepdims=True)

    @pl.when(i == 0)
    def _():
        ms_r[...] = cs
        md_r[...] = cd

    @pl.when(i != 0)
    def _():
        ms_r[...] = jnp.maximum(ms_r[...], cs)
        md_r[...] = jnp.maximum(md_r[...], cd)


def _tc1(x, w1, pa, pd, pads):
    return pl.pallas_call(
        _tc1_body,
        grid=(NN // BN,),
        in_specs=[
            pl.BlockSpec((BN, DIN), lambda i: (i, 0)),
            pl.BlockSpec((DIN, DIN), lambda i: (0, 0)),
            pl.BlockSpec((DIN, 16), lambda i: (0, 0)),
            pl.BlockSpec((DIN, 16), lambda i: (0, 0)),
            pl.BlockSpec((1, 16), lambda i: (0, 0)),
        ],
        out_specs=[
            pl.BlockSpec((BN, W1C), lambda i: (i, 0)),
            pl.BlockSpec((BN, 16), lambda i: (i, 0)),
            pl.BlockSpec((1, 16), lambda i: (0, 0)),
            pl.BlockSpec((1, 16), lambda i: (0, 0)),
        ],
        out_shape=[
            jax.ShapeDtypeStruct((NN, W1C), jnp.float32),
            jax.ShapeDtypeStruct((NN, 16), jnp.float32),
            jax.ShapeDtypeStruct((1, 16), jnp.float32),
            jax.ShapeDtypeStruct((1, 16), jnp.float32),
        ],
    )(x, w1, pa, pd, pads)


def _sc_edge_body(nfeat, chp, kb, nchk, nb,
                  src2_h, dst2_h, hc_h, ad_h, m_h, acc_hbm,
                  sidx_a, didx_a, ad0, h0, ad1, h1, m_b,
                  acc_sp, g0, g1, a0, a1):
    nv = nfeat // 16
    w = nfeat + 16
    cb = nb // 5
    cid = lax.axis_index("c")
    sid = lax.axis_index("s")
    wid = cid * 16 + sid

    def fire_gather(lb, ad_b, h_b, gs):
        for j in range(nchk):
            pltpu.async_copy(hc_h.at[sidx_a.at[lb + j]],
                             h_b.at[pl.ds(j * CHK, CHK)], gs)
            pltpu.async_copy(ad_h.at[didx_a.at[lb + j]],
                             ad_b.at[pl.ds(j * CHK, CHK)], gs)

    def drain_gather(ad_b, h_b, gs):
        pltpu.make_async_copy(hc_h.at[pl.ds(0, kb)], h_b, gs).wait()
        pltpu.make_async_copy(ad_h.at[pl.ds(0, kb)], ad_b, gs).wait()

    def fire_scatter(lb, h_b, sa):
        for j in range(nchk):
            pltpu.async_copy(h_b.at[pl.ds(j * CHK, CHK)],
                             acc_sp.at[didx_a.at[lb + j]], sa, add=True)

    def drain_scatter(h_b, sa):
        pltpu.make_async_copy(hc_h.at[pl.ds(0, kb)], h_b, sa).wait()

    def compute(ad_b, h_b, mv):
        dn = lax.GatherDimensionNumbers(
            offset_dims=(), collapsed_slice_dims=(0,), start_index_map=(0,))

        def edge_body(k, m):
            e = h_b[k, pl.ds(nfeat, 16)] + ad_b[k]
            e = jnp.maximum(e, 0.2 * e)
            ex = jnp.exp(e - m)
            h_b[k, pl.ds(nfeat, 16)] = ex
            for j in range(nv):
                idx = jnp.full((16, 1), j * 16 // chp, jnp.int32)
                s = lax.gather(ex, idx, dn, slice_sizes=(1,),
                               mode=lax.GatherScatterMode.PROMISE_IN_BOUNDS)
                h_b[k, pl.ds(j * 16, 16)] = h_b[k, pl.ds(j * 16, 16)] * s
            return m

        lax.fori_loop(0, kb, edge_body, mv)

    def z_body(k, c):
        for j in range(w // 16):
            h0[k, pl.ds(j * 16, 16)] = jnp.zeros((16,), jnp.float32)
        return c

    lax.fori_loop(0, kb, z_body, 0)
    r0 = sid * RPT

    def zi_body(i, c):
        pltpu.sync_copy(h0.at[pl.ds(0, ZC)], acc_sp.at[pl.ds(r0 + i * ZC, ZC)])
        return c

    lax.fori_loop(0, RPT // ZC, zi_body, 0)
    zr = RPT % ZC
    if zr:
        pltpu.sync_copy(h0.at[pl.ds(0, zr)], acc_sp.at[pl.ds(r0 + RPT - zr, zr)])

    @pl.when(sid == 15)
    def _():
        pltpu.sync_copy(h0.at[pl.ds(0, TAIL)], acc_sp.at[pl.ds(16 * RPT, TAIL)])

    pltpu.sync_copy(m_h, m_b)
    plsc.subcore_barrier()
    mv0 = m_b[...]
    rc = cb * nchk

    def chunk_body(c, mv):
        @pl.when(c > 0)
        def _():
            drain_scatter(h1, a1)

        row0 = (wid * nb + c * cb) * nchk
        pltpu.sync_copy(src2_h.at[pl.ds(row0, rc)], sidx_a)
        pltpu.sync_copy(dst2_h.at[pl.ds(row0, rc)], didx_a)
        fire_gather(0, ad0, h0, g0)

        def inner(i, mv2):
            lb0 = 2 * i * nchk
            lb1 = lb0 + nchk
            drain_gather(ad0, h0, g0)

            @pl.when(i > 0)
            def _():
                drain_scatter(h1, a1)

            fire_gather(lb1, ad1, h1, g1)
            compute(ad0, h0, mv2)
            fire_scatter(lb0, h0, a0)
            drain_gather(ad1, h1, g1)
            compute(ad1, h1, mv2)
            drain_scatter(h0, a0)

            @pl.when(i < cb // 2 - 1)
            def _():
                fire_gather(lb1 + nchk, ad0, h0, g0)

            fire_scatter(lb1, h1, a1)
            return mv2

        lax.fori_loop(0, cb // 2, inner, mv)
        return mv

    lax.fori_loop(0, 5, chunk_body, mv0)
    drain_scatter(h1, a1)
    plsc.subcore_barrier()
    pltpu.sync_copy(acc_sp.at[pl.ds(r0, RPT)], acc_hbm.at[cid, pl.ds(r0, RPT)])

    @pl.when(sid == 15)
    def _():
        pltpu.sync_copy(acc_sp.at[pl.ds(16 * RPT, TAIL)],
                        acc_hbm.at[cid, pl.ds(16 * RPT, TAIL)])


def _make_sc_edge(nfeat, chp, kb, nchk, nb):
    rc = (nb // 5) * nchk
    w = nfeat + 16
    mesh = plsc.VectorSubcoreMesh(core_axis_name="c", subcore_axis_name="s")
    return pl.kernel(
        functools.partial(_sc_edge_body, nfeat, chp, kb, nchk, nb),
        out_type=jax.ShapeDtypeStruct((2, NN, w), jnp.float32),
        mesh=mesh,
        scratch_types=[
            pltpu.VMEM((rc, CHK), jnp.int32),
            pltpu.VMEM((rc, CHK), jnp.int32),
            pltpu.VMEM((kb, 16), jnp.float32),
            pltpu.VMEM((kb, w), jnp.float32),
            pltpu.VMEM((kb, 16), jnp.float32),
            pltpu.VMEM((kb, w), jnp.float32),
            pltpu.VMEM((16,), jnp.float32),
            pltpu.VMEM_SHARED((NN, w), jnp.float32),
            pltpu.SemaphoreType.DMA,
            pltpu.SemaphoreType.DMA,
            pltpu.SemaphoreType.DMA,
            pltpu.SemaphoreType.DMA,
        ],
        compiler_params=pltpu.CompilerParams(use_tc_tiling_on_sc=False),
    )


def _tc2_body(accp_r, hc_r, ad_r, m1_r, b1_r, pt_r, w2_r,
              aa2_r, ad2_r, pad2_r, hc2_r, ad2o_r, ms2_r, md2_r):
    i = pl.program_id(0)
    hc = hc_r[...]
    h1 = hc[:, 0:DIN]
    a_s1 = hc[:, DIN:W1C]
    le = a_s1 + ad_r[...]
    le = jnp.maximum(le, 0.2 * le)
    lex = jnp.exp(le - m1_r[...])
    accp = accp_r[...]
    den16 = accp[0, :, DIN:W1C] + accp[1, :, DIN:W1C] + lex
    acc = accp[0, :, 0:DIN] + accp[1, :, 0:DIN] + h1 * jnp.dot(
        lex, pt_r[...], preferred_element_type=jnp.float32)
    den = jnp.dot(den16, pt_r[...], preferred_element_type=jnp.float32)
    out1 = acc / (den + 1e-16) + b1_r[...]
    x2 = jnp.where(out1 > 0, out1, jnp.exp(jnp.minimum(out1, 0.0)) - 1.0)
    h2 = jnp.dot(x2, w2_r[...], preferred_element_type=jnp.float32)
    a_s = jnp.dot(h2, aa2_r[...], preferred_element_type=jnp.float32) + pad2_r[...]
    a_d = jnp.dot(h2, ad2_r[...], preferred_element_type=jnp.float32)
    hc2_r[...] = jnp.concatenate([h2, a_s], axis=1)
    ad2o_r[...] = a_d
    cs = jnp.max(a_s, axis=0, keepdims=True)
    cd = jnp.max(a_d, axis=0, keepdims=True)

    @pl.when(i == 0)
    def _():
        ms2_r[...] = cs
        md2_r[...] = cd

    @pl.when(i != 0)
    def _():
        ms2_r[...] = jnp.maximum(ms2_r[...], cs)
        md2_r[...] = jnp.maximum(md2_r[...], cd)


def _tc2(accp, hc1, ad1p, m1v, b1, pt, w2, aa2, ad2, pad2):
    return pl.pallas_call(
        _tc2_body,
        grid=(NN // BN,),
        in_specs=[
            pl.BlockSpec((2, BN, W1C), lambda i: (0, i, 0)),
            pl.BlockSpec((BN, W1C), lambda i: (i, 0)),
            pl.BlockSpec((BN, 16), lambda i: (i, 0)),
            pl.BlockSpec((1, 16), lambda i: (0, 0)),
            pl.BlockSpec((1, DIN), lambda i: (0, 0)),
            pl.BlockSpec((16, DIN), lambda i: (0, 0)),
            pl.BlockSpec((DIN, D2), lambda i: (0, 0)),
            pl.BlockSpec((D2, 16), lambda i: (0, 0)),
            pl.BlockSpec((D2, 16), lambda i: (0, 0)),
            pl.BlockSpec((1, 16), lambda i: (0, 0)),
        ],
        out_specs=[
            pl.BlockSpec((BN, W2C), lambda i: (i, 0)),
            pl.BlockSpec((BN, 16), lambda i: (i, 0)),
            pl.BlockSpec((1, 16), lambda i: (0, 0)),
            pl.BlockSpec((1, 16), lambda i: (0, 0)),
        ],
        out_shape=[
            jax.ShapeDtypeStruct((NN, W2C), jnp.float32),
            jax.ShapeDtypeStruct((NN, 16), jnp.float32),
            jax.ShapeDtypeStruct((1, 16), jnp.float32),
            jax.ShapeDtypeStruct((1, 16), jnp.float32),
        ],
    )(accp, hc1, ad1p, m1v, b1, pt, w2, aa2, ad2, pad2)


def _tc3_body(accp_r, hc2_r, ad_r, m2_r, b2_r, pt2_r, out_r):
    hc2 = hc2_r[...]
    h2 = hc2[:, 0:D2]
    a_s2 = hc2[:, D2:W2C]
    le = a_s2 + ad_r[...]
    le = jnp.maximum(le, 0.2 * le)
    lex = jnp.exp(le - m2_r[...])
    accp = accp_r[...]
    den16 = accp[0, :, D2:W2C] + accp[1, :, D2:W2C] + lex
    den = jnp.dot(den16, pt2_r[...], preferred_element_type=jnp.float32)
    esp = jnp.dot(lex, pt2_r[...], preferred_element_type=jnp.float32)
    acc = accp[0, :, 0:D2] + accp[1, :, 0:D2] + h2 * esp
    out2 = acc / (den + 1e-16) + b2_r[...]
    mx = jnp.max(out2, axis=1, keepdims=True)
    sh = out2 - mx
    out_r[...] = sh - jnp.log(jnp.sum(jnp.exp(sh), axis=1, keepdims=True))


def _tc3(accp, hc2, ad2p, m2v, b2, pt2):
    return pl.pallas_call(
        _tc3_body,
        grid=(NN // BN,),
        in_specs=[
            pl.BlockSpec((2, BN, W2C), lambda i: (0, i, 0)),
            pl.BlockSpec((BN, W2C), lambda i: (i, 0)),
            pl.BlockSpec((BN, 16), lambda i: (i, 0)),
            pl.BlockSpec((1, 16), lambda i: (0, 0)),
            pl.BlockSpec((1, D2), lambda i: (0, 0)),
            pl.BlockSpec((16, D2), lambda i: (0, 0)),
        ],
        out_specs=pl.BlockSpec((BN, D2), lambda i: (i, 0)),
        out_shape=jax.ShapeDtypeStruct((NN, D2), jnp.float32),
    )(accp, hc2, ad2p, m2v, b2, pt2)


def kernel(x, edge_index, W1, att_src1, att_dst1, b1, W2, att_src2,
           att_dst2, b2):
    lane = jnp.arange(16)
    hof = jax.nn.one_hot(jnp.arange(DIN) // CH, 16, dtype=jnp.float32)
    pa = hof * att_src1.reshape(DIN)[:, None]
    pd = hof * att_dst1.reshape(DIN)[:, None]
    pads = jnp.where(lane < NH, 0.0, NEG).reshape(1, 16).astype(jnp.float32)
    pt = hof.T

    hc1, ad1p, ms1, md1 = _tc1(x, W1, pa, pd, pads)

    m1 = ms1 + md1
    m1 = jnp.maximum(m1, 0.2 * m1)
    m1v = jnp.where(lane < NH, m1, 1e30).astype(jnp.float32)

    src2 = edge_index[0].reshape(EE // CHK, CHK).astype(jnp.int32)
    dst2 = edge_index[1].reshape(EE // CHK, CHK).astype(jnp.int32)

    sc1 = _make_sc_edge(DIN, CH, 100, 1, EE // (NW * 100))
    accp = sc1(src2, dst2, hc1, ad1p, m1v.reshape(16))

    aa2 = jnp.where(lane[None, :] == 0, att_src2.reshape(D2)[:, None], 0.0)
    ad2 = jnp.where(lane[None, :] == 0, att_dst2.reshape(D2)[:, None], 0.0)
    pad2 = jnp.where(lane == 0, 0.0, NEG).reshape(1, 16).astype(jnp.float32)

    hc2, ad2p, ms2, md2 = _tc2(
        accp, hc1, ad1p, m1v.reshape(1, 16), b1.reshape(1, DIN),
        pt, W2, aa2, ad2, pad2)

    m2 = ms2 + md2
    m2 = jnp.maximum(m2, 0.2 * m2)
    m2v = jnp.where(lane == 0, m2, 1e30).astype(jnp.float32)

    sc2 = _make_sc_edge(D2, D2, 200, 2, EE // (NW * 200))
    acc2p = sc2(src2, dst2, hc2, ad2p, m2v.reshape(16))

    pt2 = jnp.where(lane[:, None] == 0, 1.0, 0.0) * jnp.ones((16, D2))
    return _tc3(acc2p, hc2, ad2p, m2v.reshape(1, 16),
                b2.reshape(1, D2), pt2.astype(jnp.float32))

# --- scband reference (transcript-rebuilt; emitter-appended) ---
"""Pipeline reference for scband-gat-57621281243369 (READ-ONLY COPY).

The authoritative reference and input builder live on the scoring server;
editing this copy changes nothing except your own understanding.
"""

import jax, jax.numpy as jnp
import numpy as np

N = 10000
E = 320000
D_IN = 128
H1, C1 = 8, 16
D_HID = 128
D_OUT = 64


def setup_inputs(seed: int = 0) -> dict:
    key = jax.random.key(seed)
    ks = jax.random.split(key, 12)
    x = jax.random.normal(ks[0], (N, D_IN), dtype=jnp.float32)
    edge_index = jax.random.randint(ks[1], (2, E), 0, N)
    s = 0.1
    W1 = jax.random.normal(ks[2], (D_IN, H1 * C1), dtype=jnp.float32) * s
    att_src1 = jax.random.normal(ks[3], (1, H1, C1), dtype=jnp.float32) * s
    att_dst1 = jax.random.normal(ks[4], (1, H1, C1), dtype=jnp.float32) * s
    b1 = jnp.zeros((H1 * C1,), dtype=jnp.float32)
    W2 = jax.random.normal(ks[5], (D_HID, D_OUT), dtype=jnp.float32) * s
    att_src2 = jax.random.normal(ks[6], (1, 1, D_OUT), dtype=jnp.float32) * s
    att_dst2 = jax.random.normal(ks[7], (1, 1, D_OUT), dtype=jnp.float32) * s
    b2 = jnp.zeros((D_OUT,), dtype=jnp.float32)
    return {"x": x, "edge_index": edge_index, "W1": W1, "att_src1": att_src1,
            "att_dst1": att_dst1, "b1": b1, "W2": W2, "att_src2": att_src2,
            "att_dst2": att_dst2, "b2": b2}


def _gat_conv(x, src, dst, W, a_src, a_dst, b, H, C, concat):
    n = x.shape[0]
    h = (x @ W).reshape(n, H, C)
    alpha_s = (h * a_src).sum(-1)  # [n, H]
    alpha_d = (h * a_dst).sum(-1)  # [n, H]
    e = alpha_s[src] + alpha_d[dst]  # [E', H]
    e = jax.nn.leaky_relu(e, negative_slope=0.2)
    m = jax.ops.segment_max(e, dst, num_segments=n)
    m = jnp.where(jnp.isfinite(m), m, 0.0)
    ex = jnp.exp(e - m[dst])
    den = jax.ops.segment_sum(ex, dst, num_segments=n)
    alpha = ex / (den[dst] + 1e-16)
    out = jax.ops.segment_sum(h[src] * alpha[:, :, None], dst, num_segments=n)
    if concat:
        out = out.reshape(n, H * C)
    else:
        out = out.mean(axis=1)
    return out + b


def reference(x, edge_index, W1, att_src1, att_dst1, b1, W2, att_src2, att_dst2, b2):
    # eval mode: dropouts are identity. GATConv default add_self_loops=True.
    loops = jnp.arange(N)
    src = jnp.concatenate([edge_index[0], loops])
    dst = jnp.concatenate([edge_index[1], loops])
    h = _gat_conv(x, src, dst, W1, att_src1, att_dst1, b1, H1, C1, True)
    h = jax.nn.elu(h)
    out = _gat_conv(h, src, dst, W2, att_src2, att_dst2, b2, 1, D_OUT, False)
    return jax.nn.log_softmax(out, axis=1)

if __name__ == "__main__":
    import jax
    _d = setup_inputs()
    print(jax.jit(kernel)(*tuple(_d.values())))

</pallas_src>

<mosaic_0001>
#map = affine_map<(d0, d1) -> (0, 0)>
#map1 = affine_map<(d0, d1) -> (0)>
#map2 = affine_map<(d0, d1) -> (0, 0, 0)>
module attributes {stable_mosaic.version = 14 : i64} {
  func.func @_sc_edge_body(%arg0: i32, %arg1: i32, %arg2: memref<3200x100xi32, #tpu.memory_space<hbm>>, %arg3: memref<3200x100xi32, #tpu.memory_space<hbm>>, %arg4: memref<10000x80xf32, #tpu.memory_space<hbm>>, %arg5: memref<10000x16xf32, #tpu.memory_space<hbm>>, %arg6: memref<16xf32, #tpu.memory_space<hbm>>, %arg7: memref<2x10000x80xf32, #tpu.memory_space<hbm>>, %arg8: memref<20x100xi32, #tpu.memory_space<vmem>>, %arg9: memref<20x100xi32, #tpu.memory_space<vmem>>, %arg10: memref<200x16xf32, #tpu.memory_space<vmem>>, %arg11: memref<200x80xf32, #tpu.memory_space<vmem>>, %arg12: memref<200x16xf32, #tpu.memory_space<vmem>>, %arg13: memref<200x80xf32, #tpu.memory_space<vmem>>, %arg14: memref<16xf32, #tpu.memory_space<vmem>>, %arg15: memref<10000x80xf32, #tpu.memory_space<vmem_shared>>, %arg16: memref<!tpu.dma_semaphore, #tpu.memory_space<semaphore_mem>>, %arg17: memref<!tpu.dma_semaphore, #tpu.memory_space<semaphore_mem>>, %arg18: memref<!tpu.dma_semaphore, #tpu.memory_space<semaphore_mem>>, %arg19: memref<!tpu.dma_semaphore, #tpu.memory_space<semaphore_mem>>) attributes {dimension_semantics = [#tpu.dimension_semantics<core_parallel>, #tpu.dimension_semantics<subcore_parallel>], iteration_bounds = array<i64: 2, 16>, scalar_prefetch = 0 : i64, scratch_operands = 12 : i64, tpu.core_type = #tpu.core_type<sc_vector_subcore>, window_params = [{transform_indices = #map}, {transform_indices = #map}, {transform_indices = #map}, {transform_indices = #map}, {transform_indices = #map1}, {transform_indices = #map2}]} {
    %mul3A = arith.constant 16 : i32
    %mul3A_0 = arith.muli %arg0, %mul3A : i32
    %add3A = arith.addi %mul3A_0, %arg1 : i32
    %scan3A = arith.constant 0 : i32
    %scan3A_1 = arith.constant 0 : i32
    %scan3A_2 = arith.constant 200 : i32
    %scan3A_3 = arith.addi %scan3A_1, %scan3A_2 : i32
    %scan3A_4 = arith.constant 1 : i32
    scf.for %scan3A_37 = %scan3A_1 to %scan3A_3 step %scan3A_4  : i32 {
      %broadcast_in_dim3A = arith.constant 0.000000e+00 : f32
      %broadcast_in_dim3A_38 = vector.broadcast %broadcast_in_dim3A : f32 to vector<16xf32>
      %swap3A = arith.index_cast %scan3A_37 : i32 to index
      %swap3A_39 = arith.constant 0 : index
      %swap3A_40 = tpu.vector_load %arg11[%swap3A, %swap3A_39] {strides = array<i32>} : memref<200x80xf32, #tpu.memory_space<vmem>>, vector<1x16xf32>,
      %swap3A_41 = vector.shape_cast %swap3A_40 : vector<1x16xf32> to vector<16xf32>
      %swap3A_42 = vector.shape_cast %broadcast_in_dim3A_38 : vector<16xf32> to vector<1x16xf32>
      tpu.vector_store %arg11[%swap3A, %swap3A_39], %swap3A_42 {strides = array<i32>} : memref<200x80xf32, #tpu.memory_space<vmem>>, vector<1x16xf32>,
      %broadcast_in_dim3A_43 = arith.constant 0.000000e+00 : f32
      %broadcast_in_dim3A_44 = vector.broadcast %broadcast_in_dim3A_43 : f32 to vector<16xf32>
      %swap3A_45 = arith.index_cast %scan3A_37 : i32 to index
      %swap3A_46 = arith.constant 16 : index
      %swap3A_47 = tpu.vector_load %arg11[%swap3A_45, %swap3A_46] {strides = array<i32>} : memref<200x80xf32, #tpu.memory_space<vmem>>, vector<1x16xf32>,
      %swap3A_48 = vector.shape_cast %swap3A_47 : vector<1x16xf32> to vector<16xf32>
      %swap3A_49 = vector.shape_cast %broadcast_in_dim3A_44 : vector<16xf32> to vector<1x16xf32>
      tpu.vector_store %arg11[%swap3A_45, %swap3A_46], %swap3A_49 {strides = array<i32>} : memref<200x80xf32, #tpu.memory_space<vmem>>, vector<1x16xf32>,
      %broadcast_in_dim3A_50 = arith.constant 0.000000e+00 : f32
      %broadcast_in_dim3A_51 = vector.broadcast %broadcast_in_dim3A_50 : f32 to vector<16xf32>
      %swap3A_52 = arith.index_cast %scan3A_37 : i32 to index
      %swap3A_53 = arith.constant 32 : index
      %swap3A_54 = tpu.vector_load %arg11[%swap3A_52, %swap3A_53] {strides = array<i32>} : memref<200x80xf32, #tpu.memory_space<vmem>>, vector<1x16xf32>,
      %swap3A_55 = vector.shape_cast %swap3A_54 : vector<1x16xf32> to vector<16xf32>
      %swap3A_56 = vector.shape_cast %broadcast_in_dim3A_51 : vector<16xf32> to vector<1x16xf32>
      tpu.vector_store %arg11[%swap3A_52, %swap3A_53], %swap3A_56 {strides = array<i32>} : memref<200x80xf32, #tpu.memory_space<vmem>>, vector<1x16xf32>,
      %broadcast_in_dim3A_57 = arith.constant 0.000000e+00 : f32
      %broadcast_in_dim3A_58 = vector.broadcast %broadcast_in_dim3A_57 : f32 to vector<16xf32>
      %swap3A_59 = arith.index_cast %scan3A_37 : i32 to index
      %swap3A_60 = arith.constant 48 : index
      %swap3A_61 = tpu.vector_load %arg11[%swap3A_59, %swap3A_60] {strides = array<i32>} : memref<200x80xf32, #tpu.memory_space<vmem>>, vector<1x16xf32>,
      %swap3A_62 = vector.shape_cast %swap3A_61 : vector<1x16xf32> to vector<16xf32>
      %swap3A_63 = vector.shape_cast %broadcast_in_dim3A_58 : vector<16xf32> to vector<1x16xf32>
      tpu.vector_store %arg11[%swap3A_59, %swap3A_60], %swap3A_63 {strides = array<i32>} : memref<200x80xf32, #tpu.memory_space<vmem>>, vector<1x16xf32>,
      %broadcast_in_dim3A_64 = arith.constant 0.000000e+00 : f32
      %broadcast_in_dim3A_65 = vector.broadcast %broadcast_in_dim3A_64 : f32 to vector<16xf32>
      %swap3A_66 = arith.index_cast %scan3A_37 : i32 to index
      %swap3A_67 = arith.constant 64 : index
      %swap3A_68 = tpu.vector_load %arg11[%swap3A_66, %swap3A_67] {strides = array<i32>} : memref<200x80xf32, #tpu.memory_space<vmem>>, vector<1x16xf32>,
      %swap3A_69 = vector.shape_cast %swap3A_68 : vector<1x16xf32> to vector<16xf32>
      %swap3A_70 = vector.shape_cast %broadcast_in_dim3A_65 : vector<16xf32> to vector<1x16xf32>
      tpu.vector_store %arg11[%swap3A_66, %swap3A_67], %swap3A_70 {strides = array<i32>} : memref<200x80xf32, #tpu.memory_space<vmem>>, vector<1x16xf32>,
    }
    %scan3A_5 = arith.constant 200 : i32
    %mul3A_6 = arith.constant 624 : i32
    %mul3A_7 = arith.muli %arg1, %mul3A_6 : i32
    %scan3A_8 = arith.constant 0 : i32
    %scan3A_9 = arith.constant 0 : i32
    %scan3A_10 = arith.constant 6 : i32
    %scan3A_11 = arith.addi %scan3A_9, %scan3A_10 : i32
    %scan3A_12 = arith.constant 1 : i32
    scf.for %scan3A_37 = %scan3A_9 to %scan3A_11 step %scan3A_12  : i32 {
      %mul3A_38 = arith.constant 96 : i32
      %mul3A_39 = arith.muli %scan3A_37, %mul3A_38 : i32
      %add3A_40 = arith.addi %mul3A_7, %mul3A_39 : i32
      "tpu.region"() ({
        %run_scoped3A = tpu.sem_alloc : memref<!tpu.dma_semaphore, #tpu.memory_space<semaphore_mem>>
        %dma_start3A = arith.constant 0 : i32
        %dma_start3A_41 = arith.constant 0 : i32
        %dma_start3A_42 = tpu.memref_slice %arg11[%dma_start3A, %dma_start3A_41] : memref<200x80xf32, #tpu.memory_space<vmem>> -> memref<96x80xf32, #tpu.memory_space<vmem>>
        %dma_start3A_43 = arith.constant 0 : i32
        %dma_start3A_44 = tpu.memref_slice %arg15[%add3A_40, %dma_start3A_43] : memref<10000x80xf32, #tpu.memory_space<vmem_shared>> -> memref<96x80xf32, #tpu.memory_space<vmem_shared>>
        %dma_start3A_45 = arith.constant 0 : i32
        %dma_start3A_46 = tpu.memref_slice %arg15[%add3A_40, %dma_start3A_45] : memref<10000x80xf32, #tpu.memory_space<vmem_shared>> -> memref<96x80xf32, #tpu.memory_space<vmem_shared>>
        %dma_start3A_47 = arith.constant 0 : i32
        %dma_start3A_48 = arith.constant 0 : i32
        %dma_start3A_49 = tpu.memref_slice %arg11[%dma_start3A_47, %dma_start3A_48] : memref<200x80xf32, #tpu.memory_space<vmem>> -> memref<96x80xf32, #tpu.memory_space<vmem>>
        tpu.enqueue_dma source(%dma_start3A_49 : memref<96x80xf32, #tpu.memory_space<vmem>>) target(%dma_start3A_46 : memref<96x80xf32, #tpu.memory_space<vmem_shared>>) target_semaphore(%run_scoped3A : memref<!tpu.dma_semaphore, #tpu.memory_space<semaphore_mem>>)
        %dma_wait3A_50 = arith.constant 0 : i32
        %dma_wait3A_51 = arith.constant 0 : i32
        %dma_wait3A_52 = tpu.memref_slice %arg11[%dma_wait3A_50, %dma_wait3A_51] : memref<200x80xf32, #tpu.memory_space<vmem>> -> memref<96x80xf32, #tpu.memory_space<vmem>>
        %dma_wait3A_53 = arith.constant 0 : i32
        %dma_wait3A_54 = tpu.memref_slice %arg15[%add3A_40, %dma_wait3A_53] : memref<10000x80xf32, #tpu.memory_space<vmem_shared>> -> memref<96x80xf32, #tpu.memory_space<vmem_shared>>
        %dma_wait3A_55 = arith.constant 0 : i32
        %dma_wait3A_56 = tpu.memref_slice %arg15[%add3A_40, %dma_wait3A_55] : memref<10000x80xf32, #tpu.memory_space<vmem_shared>> -> memref<96x80xf32, #tpu.memory_space<vmem_shared>>
        %dma_wait3A_57 = arith.constant 0 : i32
        %dma_wait3A_58 = arith.constant 0 : i32
        %dma_wait3A_59 = tpu.memref_slice %arg11[%dma_wait3A_57, %dma_wait3A_58] : memref<200x80xf32, #tpu.memory_space<vmem>> -> memref<96x80xf32, #tpu.memory_space<vmem>>
        tpu.wait_dma2 semaphore(%run_scoped3A : memref<!tpu.dma_semaphore, #tpu.memory_space<semaphore_mem>>) src(%dma_wait3A_59 : memref<96x80xf32, #tpu.memory_space<vmem>>) dst(%dma_wait3A_56 : memref<96x80xf32, #tpu.memory_space<vmem_shared>>)
        tpu.yield
      }) : () -> ()
    }
    %scan3A_13 = arith.constant 6 : i32
    %add3A_14 = arith.constant 624 : i32
    %add3A_15 = arith.addi %mul3A_7, %add3A_14 : i32
    %sub3A = arith.constant 48 : i32
    %sub3A_16 = arith.subi %add3A_15, %sub3A : i32
    "tpu.region"() ({
      %run_scoped3A = tpu.sem_alloc : memref<!tpu.dma_semaphore, #tpu.memory_space<semaphore_mem>>
      %dma_start3A = arith.constant 0 : i32
      %dma_start3A_37 = arith.constant 0 : i32
      %dma_start3A_38 = tpu.memref_slice %arg11[%dma_start3A, %dma_start3A_37] : memref<200x80xf32, #tpu.memory_space<vmem>> -> memref<48x80xf32, #tpu.memory_space<vmem>>
      %dma_start3A_39 = arith.constant 0 : i32
      %dma_start3A_40 = tpu.memref_slice %arg15[%sub3A_16, %dma_start3A_39] : memref<10000x80xf32, #tpu.memory_space<vmem_shared>> -> memref<48x80xf32, #tpu.memory_space<vmem_shared>>
      %dma_start3A_41 = arith.constant 0 : i32
      %dma_start3A_42 = tpu.memref_slice %arg15[%sub3A_16, %dma_start3A_41] : memref<10000x80xf32, #tpu.memory_space<vmem_shared>> -> memref<48x80xf32, #tpu.memory_space<vmem_shared>>
      %dma_start3A_43 = arith.constant 0 : i32
      %dma_start3A_44 = arith.constant 0 : i32
      %dma_start3A_45 = tpu.memref_slice %arg11[%dma_start3A_43, %dma_start3A_44] : memref<200x80xf32, #tpu.memory_space<vmem>> -> memref<48x80xf32, #tpu.memory_space<vmem>>
      tpu.enqueue_dma source(%dma_start3A_45 : memref<48x80xf32, #tpu.memory_space<vmem>>) target(%dma_start3A_42 : memref<48x80xf32, #tpu.memory_space<vmem_shared>>) target_semaphore(%run_scoped3A : memref<!tpu.dma_semaphore, #tpu.memory_space<semaphore_mem>>)
      %dma_wait3A_46 = arith.constant 0 : i32
      %dma_wait3A_47 = arith.constant 0 : i32
      %dma_wait3A_48 = tpu.memref_slice %arg11[%dma_wait3A_46, %dma_wait3A_47] : memref<200x80xf32, #tpu.memory_space<vmem>> -> memref<48x80xf32, #tpu.memory_space<vmem>>
      %dma_wait3A_49 = arith.constant 0 : i32
      %dma_wait3A_50 = tpu.memref_slice %arg15[%sub3A_16, %dma_wait3A_49] : memref<10000x80xf32, #tpu.memory_space<vmem_shared>> -> memref<48x80xf32, #tpu.memory_space<vmem_shared>>
      %dma_wait3A_51 = arith.constant 0 : i32
      %dma_wait3A_52 = tpu.memref_slice %arg15[%sub3A_16, %dma_wait3A_51] : memref<10000x80xf32, #tpu.memory_space<vmem_shared>> -> memref<48x80xf32, #tpu.memory_space<vmem_shared>>
      %dma_wait3A_53 = arith.constant 0 : i32
      %dma_wait3A_54 = arith.constant 0 : i32
      %dma_wait3A_55 = tpu.memref_slice %arg11[%dma_wait3A_53, %dma_wait3A_54] : memref<200x80xf32, #tpu.memory_space<vmem>> -> memref<48x80xf32, #tpu.memory_space<vmem>>
      tpu.wait_dma2 semaphore(%run_scoped3A : memref<!tpu.dma_semaphore, #tpu.memory_space<semaphore_mem>>) src(%dma_wait3A_55 : memref<48x80xf32, #tpu.memory_space<vmem>>) dst(%dma_wait3A_52 : memref<48x80xf32, #tpu.memory_space<vmem_shared>>)
      tpu.yield
    }) : () -> ()
    %eq3A = arith.constant 15 : i32
    %eq3A_17 = arith.cmpi eq, %arg1, %eq3A : i32
    %convert_element_type3A = arith.extui %eq3A_17 : i1 to i32
    %cond3A = arith.constant 0 : i32
    %cond3A_18 = arith.cmpi ne, %convert_element_type3A, %cond3A : i32
    scf.if %cond3A_18 {
      "tpu.region"() ({
        %run_scoped3A = tpu.sem_alloc : memref<!tpu.dma_semaphore, #tpu.memory_space<semaphore_mem>>
        %dma_start3A = arith.constant 0 : i32
        %dma_start3A_37 = arith.constant 0 : i32
        %dma_start3A_38 = tpu.memref_slice %arg11[%dma_start3A, %dma_start3A_37] : memref<200x80xf32, #tpu.memory_space<vmem>> -> memref<16x80xf32, #tpu.memory_space<vmem>>
        %dma_start3A_39 = arith.constant 9984 : i32
        %dma_start3A_40 = arith.constant 0 : i32
        %dma_start3A_41 = tpu.memref_slice %arg15[%dma_start3A_39, %dma_start3A_40] : memref<10000x80xf32, #tpu.memory_space<vmem_shared>> -> memref<16x80xf32, #tpu.memory_space<vmem_shared>>
        %dma_start3A_42 = arith.constant 9984 : i32
        %dma_start3A_43 = arith.constant 0 : i32
        %dma_start3A_44 = tpu.memref_slice %arg15[%dma_start3A_42, %dma_start3A_43] : memref<10000x80xf32, #tpu.memory_space<vmem_shared>> -> memref<16x80xf32, #tpu.memory_space<vmem_shared>>
        %dma_start3A_45 = arith.constant 0 : i32
        %dma_start3A_46 = arith.constant 0 : i32
        %dma_start3A_47 = tpu.memref_slice %arg11[%dma_start3A_45, %dma_start3A_46] : memref<200x80xf32, #tpu.memory_space<vmem>> -> memref<16x80xf32, #tpu.memory_space<vmem>>
        tpu.enqueue_dma source(%dma_start3A_47 : memref<16x80xf32, #tpu.memory_space<vmem>>) target(%dma_start3A_44 : memref<16x80xf32, #tpu.memory_space<vmem_shared>>) target_semaphore(%run_scoped3A : memref<!tpu.dma_semaphore, #tpu.memory_space<semaphore_mem>>)
        %dma_wait3A_48 = arith.constant 0 : i32
        %dma_wait3A_49 = arith.constant 0 : i32
        %dma_wait3A_50 = tpu.memref_slice %arg11[%dma_wait3A_48, %dma_wait3A_49] : memref<200x80xf32, #tpu.memory_space<vmem>> -> memref<16x80xf32, #tpu.memory_space<vmem>>
        %dma_wait3A_51 = arith.constant 9984 : i32
        %dma_wait3A_52 = arith.constant 0 : i32
        %dma_wait3A_53 = tpu.memref_slice %arg15[%dma_wait3A_51, %dma_wait3A_52] : memref<10000x80xf32, #tpu.memory_space<vmem_shared>> -> memref<16x80xf32, #tpu.memory_space<vmem_shared>>
        %dma_wait3A_54 = arith.constant 9984 : i32
        %dma_wait3A_55 = arith.constant 0 : i32
        %dma_wait3A_56 = tpu.memref_slice %arg15[%dma_wait3A_54, %dma_wait3A_55] : memref<10000x80xf32, #tpu.memory_space<vmem_shared>> -> memref<16x80xf32, #tpu.memory_space<vmem_shared>>
        %dma_wait3A_57 = arith.constant 0 : i32
        %dma_wait3A_58 = arith.constant 0 : i32
        %dma_wait3A_59 = tpu.memref_slice %arg11[%dma_wait3A_57, %dma_wait3A_58] : memref<200x80xf32, #tpu.memory_space<vmem>> -> memref<16x80xf32, #tpu.memory_space<vmem>>
        tpu.wait_dma2 semaphore(%run_scoped3A : memref<!tpu.dma_semaphore, #tpu.memory_space<semaphore_mem>>) src(%dma_wait3A_59 : memref<16x80xf32, #tpu.memory_space<vmem>>) dst(%dma_wait3A_56 : memref<16x80xf32, #tpu.memory_space<vmem_shared>>)
        tpu.yield
      }) : () -> ()
    } else {
    }
    "tpu.region"() ({
      %run_scoped3A = tpu.sem_alloc : memref<!tpu.dma_semaphore, #tpu.memory_space<semaphore_mem>>
      tpu.enqueue_dma source(%arg6 : memref<16xf32, #tpu.memory_space<hbm>>) target(%arg14 : memref<16xf32, #tpu.memory_space<vmem>>) target_semaphore(%run_scoped3A : memref<!tpu.dma_semaphore, #tpu.memory_space<semaphore_mem>>)
      tpu.wait_dma2 semaphore(%run_scoped3A : memref<!tpu.dma_semaphore, #tpu.memory_space<semaphore_mem>>) src(%arg6 : memref<16xf32, #tpu.memory_space<hbm>>) dst(%arg14 : memref<16xf32, #tpu.memory_space<vmem>>)
      tpu.yield
    }) : () -> ()
    %barrier3A = arith.constant 0 : index
    tpu.barrier barrier_id(%barrier3A)
    %get3A = arith.constant 0 : index
    %get3A_19 = tpu.vector_load %arg14[%get3A] {strides = array<i32>} : memref<16xf32, #tpu.memory_space<vmem>>, vector<16xf32>,
    %get3A_20 = vector.shape_cast %get3A_19 : vector<16xf32> to vector<16xf32>
    %scan3A_21 = arith.constant 0 : i32
    %scan3A_22 = arith.constant 5 : i32
    %scan3A_23 = arith.addi %scan3A_21, %scan3A_22 : i32
    %scan3A_24 = arith.constant 1 : i32
    scf.for %scan3A_37 = %scan3A_21 to %scan3A_23 step %scan3A_24  : i32 {
      %gt3A = arith.constant 0 : i32
      %gt3A_38 = arith.cmpi sgt, %scan3A_37, %gt3A : i32
      %convert_element_type3A_39 = arith.extui %gt3A_38 : i1 to i32
      %cond3A_40 = arith.constant 0 : i32
      %cond3A_41 = arith.cmpi ne, %convert_element_type3A_39, %cond3A_40 : i32
      scf.if %cond3A_41 {
        %dma_wait3A_93 = arith.constant 0 : i32
        %dma_wait3A_94 = arith.constant 0 : i32
        %dma_wait3A_95 = tpu.memref_slice %arg4[%dma_wait3A_93, %dma_wait3A_94] : memref<10000x80xf32, #tpu.memory_space<hbm>> -> memref<200x80xf32, #tpu.memory_space<hbm>>
        %dma_wait3A_96 = arith.constant 0 : i32
        %dma_wait3A_97 = arith.constant 0 : i32
        %dma_wait3A_98 = tpu.memref_slice %arg4[%dma_wait3A_96, %dma_wait3A_97] : memref<10000x80xf32, #tpu.memory_space<hbm>> -> memref<200x80xf32, #tpu.memory_space<hbm>>
        tpu.wait_dma2 semaphore(%arg19 : memref<!tpu.dma_semaphore, #tpu.memory_space<semaphore_mem>>) src(%dma_wait3A_98 : memref<200x80xf32, #tpu.memory_space<hbm>>) dst(%arg13 : memref<200x80xf32, #tpu.memory_space<vmem>>)
      } else {
      }
      %mul3A_42 = arith.constant 50 : i32
      %mul3A_43 = arith.muli %add3A, %mul3A_42 : i32
      %mul3A_44 = arith.constant 10 : i32
      %mul3A_45 = arith.muli %scan3A_37, %mul3A_44 : i32
      %add3A_46 = arith.addi %mul3A_43, %mul3A_45 : i32
      %mul3A_47 = arith.constant 2 : i32
      %mul3A_48 = arith.muli %add3A_46, %mul3A_47 : i32
      "tpu.region"() ({
        %run_scoped3A = tpu.sem_alloc : memref<!tpu.dma_semaphore, #tpu.memory_space<semaphore_mem>>
        %dma_start3A_93 = arith.constant 0 : i32
        %dma_start3A_94 = tpu.memref_slice %arg2[%mul3A_48, %dma_start3A_93] : memref<3200x100xi32, #tpu.memory_space<hbm>> -> memref<20x100xi32, #tpu.memory_space<hbm>>
        %dma_start3A_95 = arith.constant 0 : i32
        %dma_start3A_96 = tpu.memref_slice %arg2[%mul3A_48, %dma_start3A_95] : memref<3200x100xi32, #tpu.memory_space<hbm>> -> memref<20x100xi32, #tpu.memory_space<hbm>>
        tpu.enqueue_dma source(%dma_start3A_96 : memref<20x100xi32, #tpu.memory_space<hbm>>) target(%arg8 : memref<20x100xi32, #tpu.memory_space<vmem>>) target_semaphore(%run_scoped3A : memref<!tpu.dma_semaphore, #tpu.memory_space<semaphore_mem>>)
        %dma_wait3A_97 = arith.constant 0 : i32
        %dma_wait3A_98 = tpu.memref_slice %arg2[%mul3A_48, %dma_wait3A_97] : memref<3200x100xi32, #tpu.memory_space<hbm>> -> memref<20x100xi32, #tpu.memory_space<hbm>>
        %dma_wait3A_99 = arith.constant 0 : i32
        %dma_wait3A_100 = tpu.memref_slice %arg2[%mul3A_48, %dma_wait3A_99] : memref<3200x100xi32, #tpu.memory_space<hbm>> -> memref<20x100xi32, #tpu.memory_space<hbm>>
        tpu.wait_dma2 semaphore(%run_scoped3A : memref<!tpu.dma_semaphore, #tpu.memory_space<semaphore_mem>>) src(%dma_wait3A_100 : memref<20x100xi32, #tpu.memory_space<hbm>>) dst(%arg8 : memref<20x100xi32, #tpu.memory_space<vmem>>)
        tpu.yield
      }) : () -> ()
      "tpu.region"() ({
        %run_scoped3A = tpu.sem_alloc : memref<!tpu.dma_semaphore, #tpu.memory_space<semaphore_mem>>
        %dma_start3A_93 = arith.constant 0 : i32
        %dma_start3A_94 = tpu.memref_slice %arg3[%mul3A_48, %dma_start3A_93] : memref<3200x100xi32, #tpu.memory_space<hbm>> -> memref<20x100xi32, #tpu.memory_space<hbm>>
        %dma_start3A_95 = arith.constant 0 : i32
        %dma_start3A_96 = tpu.memref_slice %arg3[%mul3A_48, %dma_start3A_95] : memref<3200x100xi32, #tpu.memory_space<hbm>> -> memref<20x100xi32, #tpu.memory_space<hbm>>
        tpu.enqueue_dma source(%dma_start3A_96 : memref<20x100xi32, #tpu.memory_space<hbm>>) target(%arg9 : memref<20x100xi32, #tpu.memory_space<vmem>>) target_semaphore(%run_scoped3A : memref<!tpu.dma_semaphore, #tpu.memory_space<semaphore_mem>>)
        %dma_wait3A_97 = arith.constant 0 : i32
        %dma_wait3A_98 = tpu.memref_slice %arg3[%mul3A_48, %dma_wait3A_97] : memref<3200x100xi32, #tpu.memory_space<hbm>> -> memref<20x100xi32, #tpu.memory_space<hbm>>
        %dma_wait3A_99 = arith.constant 0 : i32
        %dma_wait3A_100 = tpu.memref_slice %arg3[%mul3A_48, %dma_wait3A_99] : memref<3200x100xi32, #tpu.memory_space<hbm>> -> memref<20x100xi32, #tpu.memory_space<hbm>>
        tpu.wait_dma2 semaphore(%run_scoped3A : memref<!tpu.dma_semaphore, #tpu.memory_space<semaphore_mem>>) src(%dma_wait3A_100 : memref<20x100xi32, #tpu.memory_space<hbm>>) dst(%arg9 : memref<20x100xi32, #tpu.memory_space<vmem>>)
        tpu.yield
      }) : () -> ()
      %dma_start3A = arith.constant 0 : i32
      %dma_start3A_49 = arith.constant 0 : i32
      %dma_start3A_50 = arith.constant 0 : i32
      %dma_start3A_51 = tpu.memref_slice %arg11[%dma_start3A_49, %dma_start3A_50] : memref<200x80xf32, #tpu.memory_space<vmem>> -> memref<100x80xf32, #tpu.memory_space<vmem>>
      %dma_start3A_52 = arith.constant 0 : i32
      %dma_start3A_53 = tpu.memref_slice %arg8[%dma_start3A, %dma_start3A_52] : memref<20x100xi32, #tpu.memory_space<vmem>> -> memref<1x100xi32, #tpu.memory_space<vmem>>
      %dma_start3A_54 = tpu.memref_squeeze %dma_start3A_53 : memref<1x100xi32, #tpu.memory_space<vmem>> -> memref<100xi32, #tpu.memory_space<vmem>>
      %dma_start3A_55 = arith.constant 0 : i32
      %dma_start3A_56 = arith.constant 0 : i32
      %dma_start3A_57 = tpu.memref_slice %arg4[%dma_start3A_55, %dma_start3A_56] : memref<10000x80xf32, #tpu.memory_space<hbm>> -> memref<10000x80xf32, #tpu.memory_space<hbm>>
      tpu.enqueue_indirect_dma source(%dma_start3A_57 : memref<10000x80xf32, #tpu.memory_space<hbm>>) target(%dma_start3A_51 : memref<100x80xf32, #tpu.memory_space<vmem>>) offsets(%dma_start3A_54 : memref<100xi32, #tpu.memory_space<vmem>>) semaphore(%arg16 : memref<!tpu.dma_semaphore, #tpu.memory_space<semaphore_mem>>)
      %dma_start3A_58 = arith.constant 0 : i32
      %dma_start3A_59 = arith.constant 0 : i32
      %dma_start3A_60 = arith.constant 0 : i32
      %dma_start3A_61 = tpu.memref_slice %arg10[%dma_start3A_59, %dma_start3A_60] : memref<200x16xf32, #tpu.memory_space<vmem>> -> memref<100x16xf32, #tpu.memory_space<vmem>>
      %dma_start3A_62 = arith.constant 0 : i32
      %dma_start3A_63 = tpu.memref_slice %arg9[%dma_start3A_58, %dma_start3A_62] : memref<20x100xi32, #tpu.memory_space<vmem>> -> memref<1x100xi32, #tpu.memory_space<vmem>>
      %dma_start3A_64 = tpu.memref_squeeze %dma_start3A_63 : memref<1x100xi32, #tpu.memory_space<vmem>> -> memref<100xi32, #tpu.memory_space<vmem>>
      %dma_start3A_65 = arith.constant 0 : i32
      %dma_start3A_66 = arith.constant 0 : i32
      %dma_start3A_67 = tpu.memref_slice %arg5[%dma_start3A_65, %dma_start3A_66] : memref<10000x16xf32, #tpu.memory_space<hbm>> -> memref<10000x16xf32, #tpu.memory_space<hbm>>
      tpu.enqueue_indirect_dma source(%dma_start3A_67 : memref<10000x16xf32, #tpu.memory_space<hbm>>) target(%dma_start3A_61 : memref<100x16xf32, #tpu.memory_space<vmem>>) offsets(%dma_start3A_64 : memref<100xi32, #tpu.memory_space<vmem>>) semaphore(%arg16 : memref<!tpu.dma_semaphore, #tpu.memory_space<semaphore_mem>>)
      %dma_start3A_68 = arith.constant 1 : i32
      %dma_start3A_69 = arith.constant 100 : i32
      %dma_start3A_70 = arith.constant 0 : i32
      %dma_start3A_71 = tpu.memref_slice %arg11[%dma_start3A_69, %dma_start3A_70] : memref<200x80xf32, #tpu.memory_space<vmem>> -> memref<100x80xf32, #tpu.memory_space<vmem>>
      %dma_start3A_72 = arith.constant 0 : i32
      %dma_start3A_73 = tpu.memref_slice %arg8[%dma_start3A_68, %dma_start3A_72] : memref<20x100xi32, #tpu.memory_space<vmem>> -> memref<1x100xi32, #tpu.memory_space<vmem>>
      %dma_start3A_74 = tpu.memref_squeeze %dma_start3A_73 : memref<1x100xi32, #tpu.memory_space<vmem>> -> memref<100xi32, #tpu.memory_space<vmem>>
      %dma_start3A_75 = arith.constant 0 : i32
      %dma_start3A_76 = arith.constant 0 : i32
      %dma_start3A_77 = tpu.memref_slice %arg4[%dma_start3A_75, %dma_start3A_76] : memref<10000x80xf32, #tpu.memory_space<hbm>> -> memref<10000x80xf32, #tpu.memory_space<hbm>>
      tpu.enqueue_indirect_dma source(%dma_start3A_77 : memref<10000x80xf32, #tpu.memory_space<hbm>>) target(%dma_start3A_71 : memref<100x80xf32, #tpu.memory_space<vmem>>) offsets(%dma_start3A_74 : memref<100xi32, #tpu.memory_space<vmem>>) semaphore(%arg16 : memref<!tpu.dma_semaphore, #tpu.memory_space<semaphore_mem>>)
      %dma_start3A_78 = arith.constant 1 : i32
      %dma_start3A_79 = arith.constant 100 : i32
      %dma_start3A_80 = arith.constant 0 : i32
      %dma_start3A_81 = tpu.memref_slice %arg10[%dma_start3A_79, %dma_start3A_80] : memref<200x16xf32, #tpu.memory_space<vmem>> -> memref<100x16xf32, #tpu.memory_space<vmem>>
      %dma_start3A_82 = arith.constant 0 : i32
      %dma_start3A_83 = tpu.memref_slice %arg9[%dma_start3A_78, %dma_start3A_82] : memref<20x100xi32, #tpu.memory_space<vmem>> -> memref<1x100xi32, #tpu.memory_space<vmem>>
      %dma_start3A_84 = tpu.memref_squeeze %dma_start3A_83 : memref<1x100xi32, #tpu.memory_space<vmem>> -> memref<100xi32, #tpu.memory_space<vmem>>
      %dma_start3A_85 = arith.constant 0 : i32
      %dma_start3A_86 = arith.constant 0 : i32
      %dma_start3A_87 = tpu.memref_slice %arg5[%dma_start3A_85, %dma_start3A_86] : memref<10000x16xf32, #tpu.memory_space<hbm>> -> memref<10000x16xf32, #tpu.memory_space<hbm>>
      tpu.enqueue_indirect_dma source(%dma_start3A_87 : memref<10000x16xf32, #tpu.memory_space<hbm>>) target(%dma_start3A_81 : memref<100x16xf32, #tpu.memory_space<vmem>>) offsets(%dma_start3A_84 : memref<100xi32, #tpu.memory_space<vmem>>) semaphore(%arg16 : memref<!tpu.dma_semaphore, #tpu.memory_space<semaphore_mem>>)
      %scan3A_88 = arith.constant 0 : i32
      %scan3A_89 = arith.constant 5 : i32
      %scan3A_90 = arith.addi %scan3A_88, %scan3A_89 : i32
      %scan3A_91 = arith.constant 1 : i32
      scf.for %scan3A_93 = %scan3A_88 to %scan3A_90 step %scan3A_91  : i32 {
        %mul3A_94 = arith.constant 2 : i32
        %mul3A_95 = arith.muli %mul3A_94, %scan3A_93 : i32
        %mul3A_96 = arith.constant 2 : i32
        %mul3A_97 = arith.muli %mul3A_95, %mul3A_96 : i32
        %add3A_98 = arith.constant 2 : i32
        %add3A_99 = arith.addi %mul3A_97, %add3A_98 : i32
        %dma_wait3A_100 = arith.constant 0 : i32
        %dma_wait3A_101 = arith.constant 0 : i32
        %dma_wait3A_102 = tpu.memref_slice %arg4[%dma_wait3A_100, %dma_wait3A_101] : memref<10000x80xf32, #tpu.memory_space<hbm>> -> memref<200x80xf32, #tpu.memory_space<hbm>>
        %dma_wait3A_103 = arith.constant 0 : i32
        %dma_wait3A_104 = arith.constant 0 : i32
        %dma_wait3A_105 = tpu.memref_slice %arg4[%dma_wait3A_103, %dma_wait3A_104] : memref<10000x80xf32, #tpu.memory_space<hbm>> -> memref<200x80xf32, #tpu.memory_space<hbm>>
        tpu.wait_dma2 semaphore(%arg16 : memref<!tpu.dma_semaphore, #tpu.memory_space<semaphore_mem>>) src(%dma_wait3A_105 : memref<200x80xf32, #tpu.memory_space<hbm>>) dst(%arg11 : memref<200x80xf32, #tpu.memory_space<vmem>>)
        %dma_wait3A_106 = arith.constant 0 : i32
        %dma_wait3A_107 = arith.constant 0 : i32
        %dma_wait3A_108 = tpu.memref_slice %arg5[%dma_wait3A_106, %dma_wait3A_107] : memref<10000x16xf32, #tpu.memory_space<hbm>> -> memref<200x16xf32, #tpu.memory_space<hbm>>
        %dma_wait3A_109 = arith.constant 0 : i32
        %dma_wait3A_110 = arith.constant 0 : i32
        %dma_wait3A_111 = tpu.memref_slice %arg5[%dma_wait3A_109, %dma_wait3A_110] : memref<10000x16xf32, #tpu.memory_space<hbm>> -> memref<200x16xf32, #tpu.memory_space<hbm>>
        tpu.wait_dma2 semaphore(%arg16 : memref<!tpu.dma_semaphore, #tpu.memory_space<semaphore_mem>>) src(%dma_wait3A_111 : memref<200x16xf32, #tpu.memory_space<hbm>>) dst(%arg10 : memref<200x16xf32, #tpu.memory_space<vmem>>)
        %gt3A_112 = arith.constant 0 : i32
        %gt3A_113 = arith.cmpi sgt, %scan3A_93, %gt3A_112 : i32
        %convert_element_type3A_114 = arith.extui %gt3A_113 : i1 to i32
        %cond3A_115 = arith.constant 0 : i32
        %cond3A_116 = arith.cmpi ne, %convert_element_type3A_114, %cond3A_115 : i32
        scf.if %cond3A_116 {
          %dma_wait3A_237 = arith.constant 0 : i32
          %dma_wait3A_238 = arith.constant 0 : i32
          %dma_wait3A_239 = tpu.memref_slice %arg4[%dma_wait3A_237, %dma_wait3A_238] : memref<10000x80xf32, #tpu.memory_space<hbm>> -> memref<200x80xf32, #tpu.memory_space<hbm>>
          %dma_wait3A_240 = arith.constant 0 : i32
          %dma_wait3A_241 = arith.constant 0 : i32
          %dma_wait3A_242 = tpu.memref_slice %arg4[%dma_wait3A_240, %dma_wait3A_241] : memref<10000x80xf32, #tpu.memory_space<hbm>> -> memref<200x80xf32, #tpu.memory_space<hbm>>
          tpu.wait_dma2 semaphore(%arg19 : memref<!tpu.dma_semaphore, #tpu.memory_space<semaphore_mem>>) src(%dma_wait3A_242 : memref<200x80xf32, #tpu.memory_space<hbm>>) dst(%arg13 : memref<200x80xf32, #tpu.memory_space<vmem>>)
        } else {
        }
        %add3A_117 = arith.constant 0 : i32
        %add3A_118 = arith.addi %add3A_99, %add3A_117 : i32
        %dma_start3A_119 = arith.constant 0 : i32
        %dma_start3A_120 = arith.constant 0 : i32
        %dma_start3A_121 = tpu.memref_slice %arg13[%dma_start3A_119, %dma_start3A_120] : memref<200x80xf32, #tpu.memory_space<vmem>> -> memref<100x80xf32, #tpu.memory_space<vmem>>
        %dma_start3A_122 = arith.constant 0 : i32
        %dma_start3A_123 = tpu.memref_slice %arg8[%add3A_118, %dma_start3A_122] : memref<20x100xi32, #tpu.memory_space<vmem>> -> memref<1x100xi32, #tpu.memory_space<vmem>>
        %dma_start3A_124 = tpu.memref_squeeze %dma_start3A_123 : memref<1x100xi32, #tpu.memory_space<vmem>> -> memref<100xi32, #tpu.memory_space<vmem>>
        %dma_start3A_125 = arith.constant 0 : i32
        %dma_start3A_126 = arith.constant 0 : i32
        %dma_start3A_127 = tpu.memref_slice %arg4[%dma_start3A_125, %dma_start3A_126] : memref<10000x80xf32, #tpu.memory_space<hbm>> -> memref<10000x80xf32, #tpu.memory_space<hbm>>
        tpu.enqueue_indirect_dma source(%dma_start3A_127 : memref<10000x80xf32, #tpu.memory_space<hbm>>) target(%dma_start3A_121 : memref<100x80xf32, #tpu.memory_space<vmem>>) offsets(%dma_start3A_124 : memref<100xi32, #tpu.memory_space<vmem>>) semaphore(%arg17 : memref<!tpu.dma_semaphore, #tpu.memory_space<semaphore_mem>>)
        %add3A_128 = arith.constant 0 : i32
        %add3A_129 = arith.addi %add3A_99, %add3A_128 : i32
        %dma_start3A_130 = arith.constant 0 : i32
        %dma_start3A_131 = arith.constant 0 : i32
        %dma_start3A_132 = tpu.memref_slice %arg12[%dma_start3A_130, %dma_start3A_131] : memref<200x16xf32, #tpu.memory_space<vmem>> -> memref<100x16xf32, #tpu.memory_space<vmem>>
        %dma_start3A_133 = arith.constant 0 : i32
        %dma_start3A_134 = tpu.memref_slice %arg9[%add3A_129, %dma_start3A_133] : memref<20x100xi32, #tpu.memory_space<vmem>> -> memref<1x100xi32, #tpu.memory_space<vmem>>
        %dma_start3A_135 = tpu.memref_squeeze %dma_start3A_134 : memref<1x100xi32, #tpu.memory_space<vmem>> -> memref<100xi32, #tpu.memory_space<vmem>>
        %dma_start3A_136 = arith.constant 0 : i32
        %dma_start3A_137 = arith.constant 0 : i32
        %dma_start3A_138 = tpu.memref_slice %arg5[%dma_start3A_136, %dma_start3A_137] : memref<10000x16xf32, #tpu.memory_space<hbm>> -> memref<10000x16xf32, #tpu.memory_space<hbm>>
        tpu.enqueue_indirect_dma source(%dma_start3A_138 : memref<10000x16xf32, #tpu.memory_space<hbm>>) target(%dma_start3A_132 : memref<100x16xf32, #tpu.memory_space<vmem>>) offsets(%dma_start3A_135 : memref<100xi32, #tpu.memory_space<vmem>>) semaphore(%arg17 : memref<!tpu.dma_semaphore, #tpu.memory_space<semaphore_mem>>)
        %add3A_139 = arith.constant 1 : i32
        %add3A_140 = arith.addi %add3A_99, %add3A_139 : i32
        %dma_start3A_141 = arith.constant 100 : i32
        %dma_start3A_142 = arith.constant 0 : i32
        %dma_start3A_143 = tpu.memref_slice %arg13[%dma_start3A_141, %dma_start3A_142] : memref<200x80xf32, #tpu.memory_space<vmem>> -> memref<100x80xf32, #tpu.memory_space<vmem>>
        %dma_start3A_144 = arith.constant 0 : i32
        %dma_start3A_145 = tpu.memref_slice %arg8[%add3A_140, %dma_start3A_144] : memref<20x100xi32, #tpu.memory_space<vmem>> -> memref<1x100xi32, #tpu.memory_space<vmem>>
        %dma_start3A_146 = tpu.memref_squeeze %dma_start3A_145 : memref<1x100xi32, #tpu.memory_space<vmem>> -> memref<100xi32, #tpu.memory_space<vmem>>
        %dma_start3A_147 = arith.constant 0 : i32
        %dma_start3A_148 = arith.constant 0 : i32
        %dma_start3A_149 = tpu.memref_slice %arg4[%dma_start3A_147, %dma_start3A_148] : memref<10000x80xf32, #tpu.memory_space<hbm>> -> memref<10000x80xf32, #tpu.memory_space<hbm>>
        tpu.enqueue_indirect_dma source(%dma_start3A_149 : memref<10000x80xf32, #tpu.memory_space<hbm>>) target(%dma_start3A_143 : memref<100x80xf32, #tpu.memory_space<vmem>>) offsets(%dma_start3A_146 : memref<100xi32, #tpu.memory_space<vmem>>) semaphore(%arg17 : memref<!tpu.dma_semaphore, #tpu.memory_space<semaphore_mem>>)
        %add3A_150 = arith.constant 1 : i32
        %add3A_151 = arith.addi %add3A_99, %add3A_150 : i32
        %dma_start3A_152 = arith.constant 100 : i32
        %dma_start3A_153 = arith.constant 0 : i32
        %dma_start3A_154 = tpu.memref_slice %arg12[%dma_start3A_152, %dma_start3A_153] : memref<200x16xf32, #tpu.memory_space<vmem>> -> memref<100x16xf32, #tpu.memory_space<vmem>>
        %dma_start3A_155 = arith.constant 0 : i32
        %dma_start3A_156 = tpu.memref_slice %arg9[%add3A_151, %dma_start3A_155] : memref<20x100xi32, #tpu.memory_space<vmem>> -> memref<1x100xi32, #tpu.memory_space<vmem>>
        %dma_start3A_157 = tpu.memref_squeeze %dma_start3A_156 : memref<1x100xi32, #tpu.memory_space<vmem>> -> memref<100xi32, #tpu.memory_space<vmem>>
        %dma_start3A_158 = arith.constant 0 : i32
        %dma_start3A_159 = arith.constant 0 : i32
        %dma_start3A_160 = tpu.memref_slice %arg5[%dma_start3A_158, %dma_start3A_159] : memref<10000x16xf32, #tpu.memory_space<hbm>> -> memref<10000x16xf32, #tpu.memory_space<hbm>>
        tpu.enqueue_indirect_dma source(%dma_start3A_160 : memref<10000x16xf32, #tpu.memory_space<hbm>>) target(%dma_start3A_154 : memref<100x16xf32, #tpu.memory_space<vmem>>) offsets(%dma_start3A_157 : memref<100xi32, #tpu.memory_space<vmem>>) semaphore(%arg17 : memref<!tpu.dma_semaphore, #tpu.memory_space<semaphore_mem>>)
        %scan3A_161 = arith.constant 0 : i32
        %scan3A_162 = arith.constant 200 : i32
        %scan3A_163 = arith.addi %scan3A_161, %scan3A_162 : i32
        %scan3A_164 = arith.constant 1 : i32
        scf.for %scan3A_237 = %scan3A_161 to %scan3A_163 step %scan3A_164  : i32 {
          %get3A_238 = arith.index_cast %scan3A_237 : i32 to index
          %get3A_239 = arith.constant 64 : index
          %get3A_240 = tpu.vector_load %arg11[%get3A_238, %get3A_239] {strides = array<i32>} : memref<200x80xf32, #tpu.memory_space<vmem>>, vector<1x16xf32>,
          %get3A_241 = vector.shape_cast %get3A_240 : vector<1x16xf32> to vector<16xf32>
          %get3A_242 = arith.index_cast %scan3A_237 : i32 to index
          %get3A_243 = arith.constant 0 : index
          %get3A_244 = tpu.vector_load %arg10[%get3A_242, %get3A_243] {strides = array<i32>} : memref<200x16xf32, #tpu.memory_space<vmem>>, vector<1x16xf32>,
          %get3A_245 = vector.shape_cast %get3A_244 : vector<1x16xf32> to vector<16xf32>
          %add3A_246 = arith.addf %get3A_241, %get3A_245 : vector<16xf32>
          %mul3A_247 = arith.constant 2.000000e-01 : f32
          %mul3A_248 = vector.broadcast %mul3A_247 : f32 to vector<16xf32>
          %mul3A_249 = arith.mulf %mul3A_248, %add3A_246 : vector<16xf32>
          %max3A = arith.maximumf %add3A_246, %mul3A_249 : vector<16xf32>
          %sub3A_250 = arith.subf %max3A, %get3A_20 : vector<16xf32>
          %exp3A = math.exp %sub3A_250 : vector<16xf32>
          %swap3A = arith.index_cast %scan3A_237 : i32 to index
          %swap3A_251 = arith.constant 64 : index
          %swap3A_252 = tpu.vector_load %arg11[%swap3A, %swap3A_251] {strides = array<i32>} : memref<200x80xf32, #tpu.memory_space<vmem>>, vector<1x16xf32>,
          %swap3A_253 = vector.shape_cast %swap3A_252 : vector<1x16xf32> to vector<16xf32>
          %swap3A_254 = vector.shape_cast %exp3A : vector<16xf32> to vector<1x16xf32>
          tpu.vector_store %arg11[%swap3A, %swap3A_251], %swap3A_254 {strides = array<i32>} : memref<200x80xf32, #tpu.memory_space<vmem>>, vector<1x16xf32>,
          %broadcast_in_dim3A = arith.constant 0 : i32
          %broadcast_in_dim3A_255 = vector.broadcast %broadcast_in_dim3A : i32 to vector<16x1xi32>
          %gather3A = vector.shape_cast %broadcast_in_dim3A_255 : vector<16x1xi32> to vector<16xi32>
          %gather3A_256 = tpu.dynamic_gather %exp3A[%gather3A] in [0] : vector<16xf32>, vector<16xi32> -> vector<16xf32>
          %get3A_257 = arith.index_cast %scan3A_237 : i32 to index
          %get3A_258 = arith.constant 0 : index
          %get3A_259 = tpu.vector_load %arg11[%get3A_257, %get3A_258] {strides = array<i32>} : memref<200x80xf32, #tpu.memory_space<vmem>>, vector<1x16xf32>,
          %get3A_260 = vector.shape_cast %get3A_259 : vector<1x16xf32> to vector<16xf32>
          %mul3A_261 = arith.mulf %get3A_260, %gather3A_256 : vector<16xf32>
          %swap3A_262 = arith.index_cast %scan3A_237 : i32 to index
          %swap3A_263 = arith.constant 0 : index
          %swap3A_264 = tpu.vector_load %arg11[%swap3A_262, %swap3A_263] {strides = array<i32>} : memref<200x80xf32, #tpu.memory_space<vmem>>, vector<1x16xf32>,
          %swap3A_265 = vector.shape_cast %swap3A_264 : vector<1x16xf32> to vector<16xf32>
          %swap3A_266 = vector.shape_cast %mul3A_261 : vector<16xf32> to vector<1x16xf32>
          tpu.vector_store %arg11[%swap3A_262, %swap3A_263], %swap3A_266 {strides = array<i32>} : memref<200x80xf32, #tpu.memory_space<vmem>>, vector<1x16xf32>,
          %broadcast_in_dim3A_267 = arith.constant 0 : i32
          %broadcast_in_dim3A_268 = vector.broadcast %broadcast_in_dim3A_267 : i32 to vector<16x1xi32>
          %gather3A_269 = vector.shape_cast %broadcast_in_dim3A_268 : vector<16x1xi32> to vector<16xi32>
          %gather3A_270 = tpu.dynamic_gather %exp3A[%gather3A_269] in [0] : vector<16xf32>, vector<16xi32> -> vector<16xf32>
          %get3A_271 = arith.index_cast %scan3A_237 : i32 to index
          %get3A_272 = arith.constant 16 : index
          %get3A_273 = tpu.vector_load %arg11[%get3A_271, %get3A_272] {strides = array<i32>} : memref<200x80xf32, #tpu.memory_space<vmem>>, vector<1x16xf32>,
          %get3A_274 = vector.shape_cast %get3A_273 : vector<1x16xf32> to vector<16xf32>
          %mul3A_275 = arith.mulf %get3A_274, %gather3A_270 : vector<16xf32>
          %swap3A_276 = arith.index_cast %scan3A_237 : i32 to index
          %swap3A_277 = arith.constant 16 : index
          %swap3A_278 = tpu.vector_load %arg11[%swap3A_276, %swap3A_277] {strides = array<i32>} : memref<200x80xf32, #tpu.memory_space<vmem>>, vector<1x16xf32>,
          %swap3A_279 = vector.shape_cast %swap3A_278 : vector<1x16xf32> to vector<16xf32>
          %swap3A_280 = vector.shape_cast %mul3A_275 : vector<16xf32> to vector<1x16xf32>
          tpu.vector_store %arg11[%swap3A_276, %swap3A_277], %swap3A_280 {strides = array<i32>} : memref<200x80xf32, #tpu.memory_space<vmem>>, vector<1x16xf32>,
          %broadcast_in_dim3A_281 = arith.constant 0 : i32
          %broadcast_in_dim3A_282 = vector.broadcast %broadcast_in_dim3A_281 : i32 to vector<16x1xi32>
          %gather3A_283 = vector.shape_cast %broadcast_in_dim3A_282 : vector<16x1xi32> to vector<16xi32>
          %gather3A_284 = tpu.dynamic_gather %exp3A[%gather3A_283] in [0] : vector<16xf32>, vector<16xi32> -> vector<16xf32>
          %get3A_285 = arith.index_cast %scan3A_237 : i32 to index
          %get3A_286 = arith.constant 32 : index
          %get3A_287 = tpu.vector_load %arg11[%get3A_285, %get3A_286] {strides = array<i32>} : memref<200x80xf32, #tpu.memory_space<vmem>>, vector<1x16xf32>,
          %get3A_288 = vector.shape_cast %get3A_287 : vector<1x16xf32> to vector<16xf32>
          %mul3A_289 = arith.mulf %get3A_288, %gather3A_284 : vector<16xf32>
          %swap3A_290 = arith.index_cast %scan3A_237 : i32 to index
          %swap3A_291 = arith.constant 32 : index
          %swap3A_292 = tpu.vector_load %arg11[%swap3A_290, %swap3A_291] {strides = array<i32>} : memref<200x80xf32, #tpu.memory_space<vmem>>, vector<1x16xf32>,
          %swap3A_293 = vector.shape_cast %swap3A_292 : vector<1x16xf32> to vector<16xf32>
          %swap3A_294 = vector.shape_cast %mul3A_289 : vector<16xf32> to vector<1x16xf32>
          tpu.vector_store %arg11[%swap3A_290, %swap3A_291], %swap3A_294 {strides = array<i32>} : memref<200x80xf32, #tpu.memory_space<vmem>>, vector<1x16xf32>,
          %broadcast_in_dim3A_295 = arith.constant 0 : i32
          %broadcast_in_dim3A_296 = vector.broadcast %broadcast_in_dim3A_295 : i32 to vector<16x1xi32>
          %gather3A_297 = vector.shape_cast %broadcast_in_dim3A_296 : vector<16x1xi32> to vector<16xi32>
          %gather3A_298 = tpu.dynamic_gather %exp3A[%gather3A_297] in [0] : vector<16xf32>, vector<16xi32> -> vector<16xf32>
          %get3A_299 = arith.index_cast %scan3A_237 : i32 to index
          %get3A_300 = arith.constant 48 : index
          %get3A_301 = tpu.vector_load %arg11[%get3A_299, %get3A_300] {strides = array<i32>} : memref<200x80xf32, #tpu.memory_space<vmem>>, vector<1x16xf32>,
          %get3A_302 = vector.shape_cast %get3A_301 : vector<1x16xf32> to vector<16xf32>
          %mul3A_303 = arith.mulf %get3A_302, %gather3A_298 : vector<16xf32>
          %swap3A_304 = arith.index_cast %scan3A_237 : i32 to index
          %swap3A_305 = arith.constant 48 : index
          %swap3A_306 = tpu.vector_load %arg11[%swap3A_304, %swap3A_305] {strides = array<i32>} : memref<200x80xf32, #tpu.memory_space<vmem>>, vector<1x16xf32>,
          %swap3A_307 = vector.shape_cast %swap3A_306 : vector<1x16xf32> to vector<16xf32>
          %swap3A_308 = vector.shape_cast %mul3A_303 : vector<16xf32> to vector<1x16xf32>
          tpu.vector_store %arg11[%swap3A_304, %swap3A_305], %swap3A_308 {strides = array<i32>} : memref<200x80xf32, #tpu.memory_space<vmem>>, vector<1x16xf32>,
        }
        %scan3A_165 = arith.constant 200 : i32
        %add3A_166 = arith.constant 0 : i32
        %add3A_167 = arith.addi %mul3A_97, %add3A_166 : i32
        %dma_start3A_168 = arith.constant 0 : i32
        %dma_start3A_169 = arith.constant 0 : i32
        %dma_start3A_170 = tpu.memref_slice %arg11[%dma_start3A_168, %dma_start3A_169] : memref<200x80xf32, #tpu.memory_space<vmem>> -> memref<100x80xf32, #tpu.memory_space<vmem>>
        %dma_start3A_171 = arith.constant 0 : i32
        %dma_start3A_172 = tpu.memref_slice %arg9[%add3A_167, %dma_start3A_171] : memref<20x100xi32, #tpu.memory_space<vmem>> -> memref<1x100xi32, #tpu.memory_space<vmem>>
        %dma_start3A_173 = tpu.memref_squeeze %dma_start3A_172 : memref<1x100xi32, #tpu.memory_space<vmem>> -> memref<100xi32, #tpu.memory_space<vmem>>
        %dma_start3A_174 = arith.constant 0 : i32
        %dma_start3A_175 = arith.constant 0 : i32
        %dma_start3A_176 = tpu.memref_slice %arg15[%dma_start3A_174, %dma_start3A_175] : memref<10000x80xf32, #tpu.memory_space<vmem_shared>> -> memref<10000x80xf32, #tpu.memory_space<vmem_shared>>
        tpu.enqueue_indirect_dma source(%dma_start3A_170 : memref<100x80xf32, #tpu.memory_space<vmem>>) target(%dma_start3A_176 : memref<10000x80xf32, #tpu.memory_space<vmem_shared>>) offsets(%dma_start3A_173 : memref<100xi32, #tpu.memory_space<vmem>>) semaphore(%arg18 : memref<!tpu.dma_semaphore, #tpu.memory_space<semaphore_mem>>) {add = true}
        %add3A_177 = arith.constant 1 : i32
        %add3A_178 = arith.addi %mul3A_97, %add3A_177 : i32
        %dma_start3A_179 = arith.constant 100 : i32
        %dma_start3A_180 = arith.constant 0 : i32
        %dma_start3A_181 = tpu.memref_slice %arg11[%dma_start3A_179, %dma_start3A_180] : memref<200x80xf32, #tpu.memory_space<vmem>> -> memref<100x80xf32, #tpu.memory_space<vmem>>
        %dma_start3A_182 = arith.constant 0 : i32
        %dma_start3A_183 = tpu.memref_slice %arg9[%add3A_178, %dma_start3A_182] : memref<20x100xi32, #tpu.memory_space<vmem>> -> memref<1x100xi32, #tpu.memory_space<vmem>>
        %dma_start3A_184 = tpu.memref_squeeze %dma_start3A_183 : memref<1x100xi32, #tpu.memory_space<vmem>> -> memref<100xi32, #tpu.memory_space<vmem>>
        %dma_start3A_185 = arith.constant 0 : i32
        %dma_start3A_186 = arith.constant 0 : i32
        %dma_start3A_187 = tpu.memref_slice %arg15[%dma_start3A_185, %dma_start3A_186] : memref<10000x80xf32, #tpu.memory_space<vmem_shared>> -> memref<10000x80xf32, #tpu.memory_space<vmem_shared>>
        tpu.enqueue_indirect_dma source(%dma_start3A_181 : memref<100x80xf32, #tpu.memory_space<vmem>>) target(%dma_start3A_187 : memref<10000x80xf32, #tpu.memory_space<vmem_shared>>) offsets(%dma_start3A_184 : memref<100xi32, #tpu.memory_space<vmem>>) semaphore(%arg18 : memref<!tpu.dma_semaphore, #tpu.memory_space<semaphore_mem>>) {add = true}
        %dma_wait3A_188 = arith.constant 0 : i32
        %dma_wait3A_189 = arith.constant 0 : i32
        %dma_wait3A_190 = tpu.memref_slice %arg4[%dma_wait3A_188, %dma_wait3A_189] : memref<10000x80xf32, #tpu.memory_space<hbm>> -> memref<200x80xf32, #tpu.memory_space<hbm>>
        %dma_wait3A_191 = arith.constant 0 : i32
        %dma_wait3A_192 = arith.constant 0 : i32
        %dma_wait3A_193 = tpu.memref_slice %arg4[%dma_wait3A_191, %dma_wait3A_192] : memref<10000x80xf32, #tpu.memory_space<hbm>> -> memref<200x80xf32, #tpu.memory_space<hbm>>
        tpu.wait_dma2 semaphore(%arg17 : memref<!tpu.dma_semaphore, #tpu.memory_space<semaphore_mem>>) src(%dma_wait3A_193 : memref<200x80xf32, #tpu.memory_space<hbm>>) dst(%arg13 : memref<200x80xf32, #tpu.memory_space<vmem>>)
        %dma_wait3A_194 = arith.constant 0 : i32
        %dma_wait3A_195 = arith.constant 0 : i32
        %dma_wait3A_196 = tpu.memref_slice %arg5[%dma_wait3A_194, %dma_wait3A_195] : memref<10000x16xf32, #tpu.memory_space<hbm>> -> memref<200x16xf32, #tpu.memory_space<hbm>>
        %dma_wait3A_197 = arith.constant 0 : i32
        %dma_wait3A_198 = arith.constant 0 : i32
        %dma_wait3A_199 = tpu.memref_slice %arg5[%dma_wait3A_197, %dma_wait3A_198] : memref<10000x16xf32, #tpu.memory_space<hbm>> -> memref<200x16xf32, #tpu.memory_space<hbm>>
        tpu.wait_dma2 semaphore(%arg17 : memref<!tpu.dma_semaphore, #tpu.memory_space<semaphore_mem>>) src(%dma_wait3A_199 : memref<200x16xf32, #tpu.memory_space<hbm>>) dst(%arg12 : memref<200x16xf32, #tpu.memory_space<vmem>>)
        %scan3A_200 = arith.constant 0 : i32
        %scan3A_201 = arith.constant 200 : i32
        %scan3A_202 = arith.addi %scan3A_200, %scan3A_201 : i32
        %scan3A_203 = arith.constant 1 : i32
        scf.for %scan3A_237 = %scan3A_200 to %scan3A_202 step %scan3A_203  : i32 {
          %get3A_238 = arith.index_cast %scan3A_237 : i32 to index
          %get3A_239 = arith.constant 64 : index
          %get3A_240 = tpu.vector_load %arg13[%get3A_238, %get3A_239] {strides = array<i32>} : memref<200x80xf32, #tpu.memory_space<vmem>>, vector<1x16xf32>,
          %get3A_241 = vector.shape_cast %get3A_240 : vector<1x16xf32> to vector<16xf32>
          %get3A_242 = arith.index_cast %scan3A_237 : i32 to index
          %get3A_243 = arith.constant 0 : index
          %get3A_244 = tpu.vector_load %arg12[%get3A_242, %get3A_243] {strides = array<i32>} : memref<200x16xf32, #tpu.memory_space<vmem>>, vector<1x16xf32>,
          %get3A_245 = vector.shape_cast %get3A_244 : vector<1x16xf32> to vector<16xf32>
          %add3A_246 = arith.addf %get3A_241, %get3A_245 : vector<16xf32>
          %mul3A_247 = arith.constant 2.000000e-01 : f32
          %mul3A_248 = vector.broadcast %mul3A_247 : f32 to vector<16xf32>
          %mul3A_249 = arith.mulf %mul3A_248, %add3A_246 : vector<16xf32>
          %max3A = arith.maximumf %add3A_246, %mul3A_249 : vector<16xf32>
          %sub3A_250 = arith.subf %max3A, %get3A_20 : vector<16xf32>
          %exp3A = math.exp %sub3A_250 : vector<16xf32>
          %swap3A = arith.index_cast %scan3A_237 : i32 to index
          %swap3A_251 = arith.constant 64 : index
          %swap3A_252 = tpu.vector_load %arg13[%swap3A, %swap3A_251] {strides = array<i32>} : memref<200x80xf32, #tpu.memory_space<vmem>>, vector<1x16xf32>,
          %swap3A_253 = vector.shape_cast %swap3A_252 : vector<1x16xf32> to vector<16xf32>
          %swap3A_254 = vector.shape_cast %exp3A : vector<16xf32> to vector<1x16xf32>
          tpu.vector_store %arg13[%swap3A, %swap3A_251], %swap3A_254 {strides = array<i32>} : memref<200x80xf32, #tpu.memory_space<vmem>>, vector<1x16xf32>,
          %broadcast_in_dim3A = arith.constant 0 : i32
          %broadcast_in_dim3A_255 = vector.broadcast %broadcast_in_dim3A : i32 to vector<16x1xi32>
          %gather3A = vector.shape_cast %broadcast_in_dim3A_255 : vector<16x1xi32> to vector<16xi32>
          %gather3A_256 = tpu.dynamic_gather %exp3A[%gather3A] in [0] : vector<16xf32>, vector<16xi32> -> vector<16xf32>
          %get3A_257 = arith.index_cast %scan3A_237 : i32 to index
          %get3A_258 = arith.constant 0 : index
          %get3A_259 = tpu.vector_load %arg13[%get3A_257, %get3A_258] {strides = array<i32>} : memref<200x80xf32, #tpu.memory_space<vmem>>, vector<1x16xf32>,
          %get3A_260 = vector.shape_cast %get3A_259 : vector<1x16xf32> to vector<16xf32>
          %mul3A_261 = arith.mulf %get3A_260, %gather3A_256 : vector<16xf32>
          %swap3A_262 = arith.index_cast %scan3A_237 : i32 to index
          %swap3A_263 = arith.constant 0 : index
          %swap3A_264 = tpu.vector_load %arg13[%swap3A_262, %swap3A_263] {strides = array<i32>} : memref<200x80xf32, #tpu.memory_space<vmem>>, vector<1x16xf32>,
          %swap3A_265 = vector.shape_cast %swap3A_264 : vector<1x16xf32> to vector<16xf32>
          %swap3A_266 = vector.shape_cast %mul3A_261 : vector<16xf32> to vector<1x16xf32>
          tpu.vector_store %arg13[%swap3A_262, %swap3A_263], %swap3A_266 {strides = array<i32>} : memref<200x80xf32, #tpu.memory_space<vmem>>, vector<1x16xf32>,
          %broadcast_in_dim3A_267 = arith.constant 0 : i32
          %broadcast_in_dim3A_268 = vector.broadcast %broadcast_in_dim3A_267 : i32 to vector<16x1xi32>
          %gather3A_269 = vector.shape_cast %broadcast_in_dim3A_268 : vector<16x1xi32> to vector<16xi32>
          %gather3A_270 = tpu.dynamic_gather %exp3A[%gather3A_269] in [0] : vector<16xf32>, vector<16xi32> -> vector<16xf32>
          %get3A_271 = arith.index_cast %scan3A_237 : i32 to index
          %get3A_272 = arith.constant 16 : index
          %get3A_273 = tpu.vector_load %arg13[%get3A_271, %get3A_272] {strides = array<i32>} : memref<200x80xf32, #tpu.memory_space<vmem>>, vector<1x16xf32>,
          %get3A_274 = vector.shape_cast %get3A_273 : vector<1x16xf32> to vector<16xf32>
          %mul3A_275 = arith.mulf %get3A_274, %gather3A_270 : vector<16xf32>
          %swap3A_276 = arith.index_cast %scan3A_237 : i32 to index
          %swap3A_277 = arith.constant 16 : index
          %swap3A_278 = tpu.vector_load %arg13[%swap3A_276, %swap3A_277] {strides = array<i32>} : memref<200x80xf32, #tpu.memory_space<vmem>>, vector<1x16xf32>,
          %swap3A_279 = vector.shape_cast %swap3A_278 : vector<1x16xf32> to vector<16xf32>
          %swap3A_280 = vector.shape_cast %mul3A_275 : vector<16xf32> to vector<1x16xf32>
          tpu.vector_store %arg13[%swap3A_276, %swap3A_277], %swap3A_280 {strides = array<i32>} : memref<200x80xf32, #tpu.memory_space<vmem>>, vector<1x16xf32>,
          %broadcast_in_dim3A_281 = arith.constant 0 : i32
          %broadcast_in_dim3A_282 = vector.broadcast %broadcast_in_dim3A_281 : i32 to vector<16x1xi32>
          %gather3A_283 = vector.shape_cast %broadcast_in_dim3A_282 : vector<16x1xi32> to vector<16xi32>
          %gather3A_284 = tpu.dynamic_gather %exp3A[%gather3A_283] in [0] : vector<16xf32>, vector<16xi32> -> vector<16xf32>
          %get3A_285 = arith.index_cast %scan3A_237 : i32 to index
          %get3A_286 = arith.constant 32 : index
          %get3A_287 = tpu.vector_load %arg13[%get3A_285, %get3A_286] {strides = array<i32>} : memref<200x80xf32, #tpu.memory_space<vmem>>, vector<1x16xf32>,
          %get3A_288 = vector.shape_cast %get3A_287 : vector<1x16xf32> to vector<16xf32>
          %mul3A_289 = arith.mulf %get3A_288, %gather3A_284 : vector<16xf32>
          %swap3A_290 = arith.index_cast %scan3A_237 : i32 to index
          %swap3A_291 = arith.constant 32 : index
          %swap3A_292 = tpu.vector_load %arg13[%swap3A_290, %swap3A_291] {strides = array<i32>} : memref<200x80xf32, #tpu.memory_space<vmem>>, vector<1x16xf32>,
          %swap3A_293 = vector.shape_cast %swap3A_292 : vector<1x16xf32> to vector<16xf32>
          %swap3A_294 = vector.shape_cast %mul3A_289 : vector<16xf32> to vector<1x16xf32>
          tpu.vector_store %arg13[%swap3A_290, %swap3A_291], %swap3A_294 {strides = array<i32>} : memref<200x80xf32, #tpu.memory_space<vmem>>, vector<1x16xf32>,
          %broadcast_in_dim3A_295 = arith.constant 0 : i32
          %broadcast_in_dim3A_296 = vector.broadcast %broadcast_in_dim3A_295 : i32 to vector<16x1xi32>
          %gather3A_297 = vector.shape_cast %broadcast_in_dim3A_296 : vector<16x1xi32> to vector<16xi32>
          %gather3A_298 = tpu.dynamic_gather %exp3A[%gather3A_297] in [0] : vector<16xf32>, vector<16xi32> -> vector<16xf32>
          %get3A_299 = arith.index_cast %scan3A_237 : i32 to index
          %get3A_300 = arith.constant 48 : index
          %get3A_301 = tpu.vector_load %arg13[%get3A_299, %get3A_300] {strides = array<i32>} : memref<200x80xf32, #tpu.memory_space<vmem>>, vector<1x16xf32>,
          %get3A_302 = vector.shape_cast %get3A_301 : vector<1x16xf32> to vector<16xf32>
          %mul3A_303 = arith.mulf %get3A_302, %gather3A_298 : vector<16xf32>
          %swap3A_304 = arith.index_cast %scan3A_237 : i32 to index
          %swap3A_305 = arith.constant 48 : index
          %swap3A_306 = tpu.vector_load %arg13[%swap3A_304, %swap3A_305] {strides = array<i32>} : memref<200x80xf32, #tpu.memory_space<vmem>>, vector<1x16xf32>,
          %swap3A_307 = vector.shape_cast %swap3A_306 : vector<1x16xf32> to vector<16xf32>
          %swap3A_308 = vector.shape_cast %mul3A_303 : vector<16xf32> to vector<1x16xf32>
          tpu.vector_store %arg13[%swap3A_304, %swap3A_305], %swap3A_308 {strides = array<i32>} : memref<200x80xf32, #tpu.memory_space<vmem>>, vector<1x16xf32>,
        }
        %scan3A_204 = arith.constant 200 : i32
        %dma_wait3A_205 = arith.constant 0 : i32
        %dma_wait3A_206 = arith.constant 0 : i32
        %dma_wait3A_207 = tpu.memref_slice %arg4[%dma_wait3A_205, %dma_wait3A_206] : memref<10000x80xf32, #tpu.memory_space<hbm>> -> memref<200x80xf32, #tpu.memory_space<hbm>>
        %dma_wait3A_208 = arith.constant 0 : i32
        %dma_wait3A_209 = arith.constant 0 : i32
        %dma_wait3A_210 = tpu.memref_slice %arg4[%dma_wait3A_208, %dma_wait3A_209] : memref<10000x80xf32, #tpu.memory_space<hbm>> -> memref<200x80xf32, #tpu.memory_space<hbm>>
        tpu.wait_dma2 semaphore(%arg18 : memref<!tpu.dma_semaphore, #tpu.memory_space<semaphore_mem>>) src(%dma_wait3A_210 : memref<200x80xf32, #tpu.memory_space<hbm>>) dst(%arg11 : memref<200x80xf32, #tpu.memory_space<vmem>>)
        %lt3A = arith.constant 4 : i32
        %lt3A_211 = arith.cmpi slt, %scan3A_93, %lt3A : i32
        %convert_element_type3A_212 = arith.extui %lt3A_211 : i1 to i32
        %cond3A_213 = arith.constant 0 : i32
        %cond3A_214 = arith.cmpi ne, %convert_element_type3A_212, %cond3A_213 : i32
        scf.if %cond3A_214 {
          %add3A_237 = arith.constant 2 : i32
          %add3A_238 = arith.addi %add3A_99, %add3A_237 : i32
          %add3A_239 = arith.constant 0 : i32
          %add3A_240 = arith.addi %add3A_238, %add3A_239 : i32
          %dma_start3A_241 = arith.constant 0 : i32
          %dma_start3A_242 = arith.constant 0 : i32
          %dma_start3A_243 = tpu.memref_slice %arg11[%dma_start3A_241, %dma_start3A_242] : memref<200x80xf32, #tpu.memory_space<vmem>> -> memref<100x80xf32, #tpu.memory_space<vmem>>
          %dma_start3A_244 = arith.constant 0 : i32
          %dma_start3A_245 = tpu.memref_slice %arg8[%add3A_240, %dma_start3A_244] : memref<20x100xi32, #tpu.memory_space<vmem>> -> memref<1x100xi32, #tpu.memory_space<vmem>>
          %dma_start3A_246 = tpu.memref_squeeze %dma_start3A_245 : memref<1x100xi32, #tpu.memory_space<vmem>> -> memref<100xi32, #tpu.memory_space<vmem>>
          %dma_start3A_247 = arith.constant 0 : i32
          %dma_start3A_248 = arith.constant 0 : i32
          %dma_start3A_249 = tpu.memref_slice %arg4[%dma_start3A_247, %dma_start3A_248] : memref<10000x80xf32, #tpu.memory_space<hbm>> -> memref<10000x80xf32, #tpu.memory_space<hbm>>
          tpu.enqueue_indirect_dma source(%dma_start3A_249 : memref<10000x80xf32, #tpu.memory_space<hbm>>) target(%dma_start3A_243 : memref<100x80xf32, #tpu.memory_space<vmem>>) offsets(%dma_start3A_246 : memref<100xi32, #tpu.memory_space<vmem>>) semaphore(%arg16 : memref<!tpu.dma_semaphore, #tpu.memory_space<semaphore_mem>>)
          %add3A_250 = arith.constant 0 : i32
          %add3A_251 = arith.addi %add3A_238, %add3A_250 : i32
          %dma_start3A_252 = arith.constant 0 : i32
          %dma_start3A_253 = arith.constant 0 : i32
          %dma_start3A_254 = tpu.memref_slice %arg10[%dma_start3A_252, %dma_start3A_253] : memref<200x16xf32, #tpu.memory_space<vmem>> -> memref<100x16xf32, #tpu.memory_space<vmem>>
          %dma_start3A_255 = arith.constant 0 : i32
          %dma_start3A_256 = tpu.memref_slice %arg9[%add3A_251, %dma_start3A_255] : memref<20x100xi32, #tpu.memory_space<vmem>> -> memref<1x100xi32, #tpu.memory_space<vmem>>
          %dma_start3A_257 = tpu.memref_squeeze %dma_start3A_256 : memref<1x100xi32, #tpu.memory_space<vmem>> -> memref<100xi32, #tpu.memory_space<vmem>>
          %dma_start3A_258 = arith.constant 0 : i32
          %dma_start3A_259 = arith.constant 0 : i32
          %dma_start3A_260 = tpu.memref_slice %arg5[%dma_start3A_258, %dma_start3A_259] : memref<10000x16xf32, #tpu.memory_space<hbm>> -> memref<10000x16xf32, #tpu.memory_space<hbm>>
          tpu.enqueue_indirect_dma source(%dma_start3A_260 : memref<10000x16xf32, #tpu.memory_space<hbm>>) target(%dma_start3A_254 : memref<100x16xf32, #tpu.memory_space<vmem>>) offsets(%dma_start3A_257 : memref<100xi32, #tpu.memory_space<vmem>>) semaphore(%arg16 : memref<!tpu.dma_semaphore, #tpu.memory_space<semaphore_mem>>)
          %add3A_261 = arith.constant 1 : i32
          %add3A_262 = arith.addi %add3A_238, %add3A_261 : i32
          %dma_start3A_263 = arith.constant 100 : i32
          %dma_start3A_264 = arith.constant 0 : i32
          %dma_start3A_265 = tpu.memref_slice %arg11[%dma_start3A_263, %dma_start3A_264] : memref<200x80xf32, #tpu.memory_space<vmem>> -> memref<100x80xf32, #tpu.memory_space<vmem>>
          %dma_start3A_266 = arith.constant 0 : i32
          %dma_start3A_267 = tpu.memref_slice %arg8[%add3A_262, %dma_start3A_266] : memref<20x100xi32, #tpu.memory_space<vmem>> -> memref<1x100xi32, #tpu.memory_space<vmem>>
          %dma_start3A_268 = tpu.memref_squeeze %dma_start3A_267 : memref<1x100xi32, #tpu.memory_space<vmem>> -> memref<100xi32, #tpu.memory_space<vmem>>
          %dma_start3A_269 = arith.constant 0 : i32
          %dma_start3A_270 = arith.constant 0 : i32
          %dma_start3A_271 = tpu.memref_slice %arg4[%dma_start3A_269, %dma_start3A_270] : memref<10000x80xf32, #tpu.memory_space<hbm>> -> memref<10000x80xf32, #tpu.memory_space<hbm>>
          tpu.enqueue_indirect_dma source(%dma_start3A_271 : memref<10000x80xf32, #tpu.memory_space<hbm>>) target(%dma_start3A_265 : memref<100x80xf32, #tpu.memory_space<vmem>>) offsets(%dma_start3A_268 : memref<100xi32, #tpu.memory_space<vmem>>) semaphore(%arg16 : memref<!tpu.dma_semaphore, #tpu.memory_space<semaphore_mem>>)
          %add3A_272 = arith.constant 1 : i32
          %add3A_273 = arith.addi %add3A_238, %add3A_272 : i32
          %dma_start3A_274 = arith.constant 100 : i32
          %dma_start3A_275 = arith.constant 0 : i32
          %dma_start3A_276 = tpu.memref_slice %arg10[%dma_start3A_274, %dma_start3A_275] : memref<200x16xf32, #tpu.memory_space<vmem>> -> memref<100x16xf32, #tpu.memory_space<vmem>>
          %dma_start3A_277 = arith.constant 0 : i32
          %dma_start3A_278 = tpu.memref_slice %arg9[%add3A_273, %dma_start3A_277] : memref<20x100xi32, #tpu.memory_space<vmem>> -> memref<1x100xi32, #tpu.memory_space<vmem>>
          %dma_start3A_279 = tpu.memref_squeeze %dma_start3A_278 : memref<1x100xi32, #tpu.memory_space<vmem>> -> memref<100xi32, #tpu.memory_space<vmem>>
          %dma_start3A_280 = arith.constant 0 : i32
          %dma_start3A_281 = arith.constant 0 : i32
          %dma_start3A_282 = tpu.memref_slice %arg5[%dma_start3A_280, %dma_start3A_281] : memref<10000x16xf32, #tpu.memory_space<hbm>> -> memref<10000x16xf32, #tpu.memory_space<hbm>>
          tpu.enqueue_indirect_dma source(%dma_start3A_282 : memref<10000x16xf32, #tpu.memory_space<hbm>>) target(%dma_start3A_276 : memref<100x16xf32, #tpu.memory_space<vmem>>) offsets(%dma_start3A_279 : memref<100xi32, #tpu.memory_space<vmem>>) semaphore(%arg16 : memref<!tpu.dma_semaphore, #tpu.memory_space<semaphore_mem>>)
        } else {
        }
        %add3A_215 = arith.constant 0 : i32
        %add3A_216 = arith.addi %add3A_99, %add3A_215 : i32
        %dma_start3A_217 = arith.constant 0 : i32
        %dma_start3A_218 = arith.constant 0 : i32
        %dma_start3A_219 = tpu.memref_slice %arg13[%dma_start3A_217, %dma_start3A_218] : memref<200x80xf32, #tpu.memory_space<vmem>> -> memref<100x80xf32, #tpu.memory_space<vmem>>
        %dma_start3A_220 = arith.constant 0 : i32
        %dma_start3A_221 = tpu.memref_slice %arg9[%add3A_216, %dma_start3A_220] : memref<20x100xi32, #tpu.memory_space<vmem>> -> memref<1x100xi32, #tpu.memory_space<vmem>>
        %dma_start3A_222 = tpu.memref_squeeze %dma_start3A_221 : memref<1x100xi32, #tpu.memory_space<vmem>> -> memref<100xi32, #tpu.memory_space<vmem>>
        %dma_start3A_223 = arith.constant 0 : i32
        %dma_start3A_224 = arith.constant 0 : i32
        %dma_start3A_225 = tpu.memref_slice %arg15[%dma_start3A_223, %dma_start3A_224] : memref<10000x80xf32, #tpu.memory_space<vmem_shared>> -> memref<10000x80xf32, #tpu.memory_space<vmem_shared>>
        tpu.enqueue_indirect_dma source(%dma_start3A_219 : memref<100x80xf32, #tpu.memory_space<vmem>>) target(%dma_start3A_225 : memref<10000x80xf32, #tpu.memory_space<vmem_shared>>) offsets(%dma_start3A_222 : memref<100xi32, #tpu.memory_space<vmem>>) semaphore(%arg19 : memref<!tpu.dma_semaphore, #tpu.memory_space<semaphore_mem>>) {add = true}
        %add3A_226 = arith.constant 1 : i32
        %add3A_227 = arith.addi %add3A_99, %add3A_226 : i32
        %dma_start3A_228 = arith.constant 100 : i32
        %dma_start3A_229 = arith.constant 0 : i32
        %dma_start3A_230 = tpu.memref_slice %arg13[%dma_start3A_228, %dma_start3A_229] : memref<200x80xf32, #tpu.memory_space<vmem>> -> memref<100x80xf32, #tpu.memory_space<vmem>>
        %dma_start3A_231 = arith.constant 0 : i32
        %dma_start3A_232 = tpu.memref_slice %arg9[%add3A_227, %dma_start3A_231] : memref<20x100xi32, #tpu.memory_space<vmem>> -> memref<1x100xi32, #tpu.memory_space<vmem>>
        %dma_start3A_233 = tpu.memref_squeeze %dma_start3A_232 : memref<1x100xi32, #tpu.memory_space<vmem>> -> memref<100xi32, #tpu.memory_space<vmem>>
        %dma_start3A_234 = arith.constant 0 : i32
        %dma_start3A_235 = arith.constant 0 : i32
        %dma_start3A_236 = tpu.memref_slice %arg15[%dma_start3A_234, %dma_start3A_235] : memref<10000x80xf32, #tpu.memory_space<vmem_shared>> -> memref<10000x80xf32, #tpu.memory_space<vmem_shared>>
        tpu.enqueue_indirect_dma source(%dma_start3A_230 : memref<100x80xf32, #tpu.memory_space<vmem>>) target(%dma_start3A_236 : memref<10000x80xf32, #tpu.memory_space<vmem_shared>>) offsets(%dma_start3A_233 : memref<100xi32, #tpu.memory_space<vmem>>) semaphore(%arg19 : memref<!tpu.dma_semaphore, #tpu.memory_space<semaphore_mem>>) {add = true}
      }
      %scan3A_92 = arith.constant 5 : i32
    }
    %scan3A_25 = arith.constant 5 : i32
    %dma_wait3A = arith.constant 0 : i32
    %dma_wait3A_26 = arith.constant 0 : i32
    %dma_wait3A_27 = tpu.memref_slice %arg4[%dma_wait3A, %dma_wait3A_26] : memref<10000x80xf32, #tpu.memory_space<hbm>> -> memref<200x80xf32, #tpu.memory_space<hbm>>
    %dma_wait3A_28 = arith.constant 0 : i32
    %dma_wait3A_29 = arith.constant 0 : i32
    %dma_wait3A_30 = tpu.memref_slice %arg4[%dma_wait3A_28, %dma_wait3A_29] : memref<10000x80xf32, #tpu.memory_space<hbm>> -> memref<200x80xf32, #tpu.memory_space<hbm>>
    tpu.wait_dma2 semaphore(%arg19 : memref<!tpu.dma_semaphore, #tpu.memory_space<semaphore_mem>>) src(%dma_wait3A_30 : memref<200x80xf32, #tpu.memory_space<hbm>>) dst(%arg13 : memref<200x80xf32, #tpu.memory_space<vmem>>)
    %barrier3A_31 = arith.constant 0 : index
    tpu.barrier barrier_id(%barrier3A_31)
    "tpu.region"() ({
      %run_scoped3A = tpu.sem_alloc : memref<!tpu.dma_semaphore, #tpu.memory_space<semaphore_mem>>
      %dma_start3A = arith.constant 0 : i32
      %dma_start3A_37 = tpu.memref_slice %arg7[%arg0, %mul3A_7, %dma_start3A] : memref<2x10000x80xf32, #tpu.memory_space<hbm>> -> memref<1x624x80xf32, #tpu.memory_space<hbm>>
      %dma_start3A_38 = tpu.memref_squeeze %dma_start3A_37 : memref<1x624x80xf32, #tpu.memory_space<hbm>> -> memref<624x80xf32, #tpu.memory_space<hbm>>
      %dma_start3A_39 = arith.constant 0 : i32
      %dma_start3A_40 = tpu.memref_slice %arg15[%mul3A_7, %dma_start3A_39] : memref<10000x80xf32, #tpu.memory_space<vmem_shared>> -> memref<624x80xf32, #tpu.memory_space<vmem_shared>>
      tpu.enqueue_dma source(%dma_start3A_40 : memref<624x80xf32, #tpu.memory_space<vmem_shared>>) target(%dma_start3A_38 : memref<624x80xf32, #tpu.memory_space<hbm>>) target_semaphore(%run_scoped3A : memref<!tpu.dma_semaphore, #tpu.memory_space<semaphore_mem>>)
      %dma_wait3A_41 = arith.constant 0 : i32
      %dma_wait3A_42 = tpu.memref_slice %arg7[%arg0, %mul3A_7, %dma_wait3A_41] : memref<2x10000x80xf32, #tpu.memory_space<hbm>> -> memref<1x624x80xf32, #tpu.memory_space<hbm>>
      %dma_wait3A_43 = tpu.memref_squeeze %dma_wait3A_42 : memref<1x624x80xf32, #tpu.memory_space<hbm>> -> memref<624x80xf32, #tpu.memory_space<hbm>>
      %dma_wait3A_44 = arith.constant 0 : i32
      %dma_wait3A_45 = tpu.memref_slice %arg15[%mul3A_7, %dma_wait3A_44] : memref<10000x80xf32, #tpu.memory_space<vmem_shared>> -> memref<624x80xf32, #tpu.memory_space<vmem_shared>>
      tpu.wait_dma2 semaphore(%run_scoped3A : memref<!tpu.dma_semaphore, #tpu.memory_space<semaphore_mem>>) src(%dma_wait3A_45 : memref<624x80xf32, #tpu.memory_space<vmem_shared>>) dst(%dma_wait3A_43 : memref<624x80xf32, #tpu.memory_space<hbm>>)
      tpu.yield
    }) : () -> ()
    %eq3A_32 = arith.constant 15 : i32
    %eq3A_33 = arith.cmpi eq, %arg1, %eq3A_32 : i32
    %convert_element_type3A_34 = arith.extui %eq3A_33 : i1 to i32
    %cond3A_35 = arith.constant 0 : i32
    %cond3A_36 = arith.cmpi ne, %convert_element_type3A_34, %cond3A_35 : i32
    scf.if %cond3A_36 {
      "tpu.region"() ({
        %run_scoped3A = tpu.sem_alloc : memref<!tpu.dma_semaphore, #tpu.memory_space<semaphore_mem>>
        %dma_start3A = arith.constant 9984 : i32
        %dma_start3A_37 = arith.constant 0 : i32
        %dma_start3A_38 = tpu.memref_slice %arg7[%arg0, %dma_start3A, %dma_start3A_37] : memref<2x10000x80xf32, #tpu.memory_space<hbm>> -> memref<1x16x80xf32, #tpu.memory_space<hbm>>
        %dma_start3A_39 = tpu.memref_squeeze %dma_start3A_38 : memref<1x16x80xf32, #tpu.memory_space<hbm>> -> memref<16x80xf32, #tpu.memory_space<hbm>>
        %dma_start3A_40 = arith.constant 9984 : i32
        %dma_start3A_41 = arith.constant 0 : i32
        %dma_start3A_42 = tpu.memref_slice %arg15[%dma_start3A_40, %dma_start3A_41] : memref<10000x80xf32, #tpu.memory_space<vmem_shared>> -> memref<16x80xf32, #tpu.memory_space<vmem_shared>>
        tpu.enqueue_dma source(%dma_start3A_42 : memref<16x80xf32, #tpu.memory_space<vmem_shared>>) target(%dma_start3A_39 : memref<16x80xf32, #tpu.memory_space<hbm>>) target_semaphore(%run_scoped3A : memref<!tpu.dma_semaphore, #tpu.memory_space<semaphore_mem>>)
        %dma_wait3A_43 = arith.constant 9984 : i32
        %dma_wait3A_44 = arith.constant 0 : i32
        %dma_wait3A_45 = tpu.memref_slice %arg7[%arg0, %dma_wait3A_43, %dma_wait3A_44] : memref<2x10000x80xf32, #tpu.memory_space<hbm>> -> memref<1x16x80xf32, #tpu.memory_space<hbm>>
        %dma_wait3A_46 = tpu.memref_squeeze %dma_wait3A_45 : memref<1x16x80xf32, #tpu.memory_space<hbm>> -> memref<16x80xf32, #tpu.memory_space<hbm>>
        %dma_wait3A_47 = arith.constant 9984 : i32
        %dma_wait3A_48 = arith.constant 0 : i32
        %dma_wait3A_49 = tpu.memref_slice %arg15[%dma_wait3A_47, %dma_wait3A_48] : memref<10000x80xf32, #tpu.memory_space<vmem_shared>> -> memref<16x80xf32, #tpu.memory_space<vmem_shared>>
        tpu.wait_dma2 semaphore(%run_scoped3A : memref<!tpu.dma_semaphore, #tpu.memory_space<semaphore_mem>>) src(%dma_wait3A_49 : memref<16x80xf32, #tpu.memory_space<vmem_shared>>) dst(%dma_wait3A_46 : memref<16x80xf32, #tpu.memory_space<hbm>>)
        tpu.yield
      }) : () -> ()
    } else {
    }
    return
  }
}

#map = affine_map<(d0, d1) -> (0, 0)>
#map1 = affine_map<(d0, d1) -> (0)>
#map2 = affine_map<(d0, d1) -> (0, 0, 0)>
module attributes {stable_mosaic.version = 14 : i64} {
  func.func @_sc_edge_body(%arg0: i32, %arg1: i32, %arg2: memref<3200x100xi32, #tpu.memory_space<hbm>>, %arg3: memref<3200x100xi32, #tpu.memory_space<hbm>>, %arg4: memref<10000x144xf32, #tpu.memory_space<hbm>>, %arg5: memref<10000x16xf32, #tpu.memory_space<hbm>>, %arg6: memref<16xf32, #tpu.memory_space<hbm>>, %arg7: memref<2x10000x144xf32, #tpu.memory_space<hbm>>, %arg8: memref<20x100xi32, #tpu.memory_space<vmem>>, %arg9: memref<20x100xi32, #tpu.memory_space<vmem>>, %arg10: memref<100x16xf32, #tpu.memory_space<vmem>>, %arg11: memref<100x144xf32, #tpu.memory_space<vmem>>, %arg12: memref<100x16xf32, #tpu.memory_space<vmem>>, %arg13: memref<100x144xf32, #tpu.memory_space<vmem>>, %arg14: memref<16xf32, #tpu.memory_space<vmem>>, %arg15: memref<10000x144xf32, #tpu.memory_space<vmem_shared>>, %arg16: memref<!tpu.dma_semaphore, #tpu.memory_space<semaphore_mem>>, %arg17: memref<!tpu.dma_semaphore, #tpu.memory_space<semaphore_mem>>, %arg18: memref<!tpu.dma_semaphore, #tpu.memory_space<semaphore_mem>>, %arg19: memref<!tpu.dma_semaphore, #tpu.memory_space<semaphore_mem>>) attributes {dimension_semantics = [#tpu.dimension_semantics<core_parallel>, #tpu.dimension_semantics<subcore_parallel>], iteration_bounds = array<i64: 2, 16>, scalar_prefetch = 0 : i64, scratch_operands = 12 : i64, tpu.core_type = #tpu.core_type<sc_vector_subcore>, window_params = [{transform_indices = #map}, {transform_indices = #map}, {transform_indices = #map}, {transform_indices = #map}, {transform_indices = #map1}, {transform_indices = #map2}]} {
    %mul3A = arith.constant 16 : i32
    %mul3A_0 = arith.muli %arg0, %mul3A : i32
    %add3A = arith.addi %mul3A_0, %arg1 : i32
    %scan3A = arith.constant 0 : i32
    %scan3A_1 = arith.constant 0 : i32
    %scan3A_2 = arith.constant 100 : i32
    %scan3A_3 = arith.addi %scan3A_1, %scan3A_2 : i32
    %scan3A_4 = arith.constant 1 : i32
    scf.for %scan3A_37 = %scan3A_1 to %scan3A_3 step %scan3A_4  : i32 {
      %broadcast_in_dim3A = arith.constant 0.000000e+00 : f32
      %broadcast_in_dim3A_38 = vector.broadcast %broadcast_in_dim3A : f32 to vector<16xf32>
      %swap3A = arith.index_cast %scan3A_37 : i32 to index
      %swap3A_39 = arith.constant 0 : index
      %swap3A_40 = tpu.vector_load %arg11[%swap3A, %swap3A_39] {strides = array<i32>} : memref<100x144xf32, #tpu.memory_space<vmem>>, vector<1x16xf32>,
      %swap3A_41 = vector.shape_cast %swap3A_40 : vector<1x16xf32> to vector<16xf32>
      %swap3A_42 = vector.shape_cast %broadcast_in_dim3A_38 : vector<16xf32> to vector<1x16xf32>
      tpu.vector_store %arg11[%swap3A, %swap3A_39], %swap3A_42 {strides = array<i32>} : memref<100x144xf32, #tpu.memory_space<vmem>>, vector<1x16xf32>,
      %broadcast_in_dim3A_43 = arith.constant 0.000000e+00 : f32
      %broadcast_in_dim3A_44 = vector.broadcast %broadcast_in_dim3A_43 : f32 to vector<16xf32>
      %swap3A_45 = arith.index_cast %scan3A_37 : i32 to index
      %swap3A_46 = arith.constant 16 : index
      %swap3A_47 = tpu.vector_load %arg11[%swap3A_45, %swap3A_46] {strides = array<i32>} : memref<100x144xf32, #tpu.memory_space<vmem>>, vector<1x16xf32>,
      %swap3A_48 = vector.shape_cast %swap3A_47 : vector<1x16xf32> to vector<16xf32>
      %swap3A_49 = vector.shape_cast %broadcast_in_dim3A_44 : vector<16xf32> to vector<1x16xf32>
      tpu.vector_store %arg11[%swap3A_45, %swap3A_46], %swap3A_49 {strides = array<i32>} : memref<100x144xf32, #tpu.memory_space<vmem>>, vector<1x16xf32>,
      %broadcast_in_dim3A_50 = arith.constant 0.000000e+00 : f32
      %broadcast_in_dim3A_51 = vector.broadcast %broadcast_in_dim3A_50 : f32 to vector<16xf32>
      %swap3A_52 = arith.index_cast %scan3A_37 : i32 to index
      %swap3A_53 = arith.constant 32 : index
      %swap3A_54 = tpu.vector_load %arg11[%swap3A_52, %swap3A_53] {strides = array<i32>} : memref<100x144xf32, #tpu.memory_space<vmem>>, vector<1x16xf32>,
      %swap3A_55 = vector.shape_cast %swap3A_54 : vector<1x16xf32> to vector<16xf32>
      %swap3A_56 = vector.shape_cast %broadcast_in_dim3A_51 : vector<16xf32> to vector<1x16xf32>
      tpu.vector_store %arg11[%swap3A_52, %swap3A_53], %swap3A_56 {strides = array<i32>} : memref<100x144xf32, #tpu.memory_space<vmem>>, vector<1x16xf32>,
      %broadcast_in_dim3A_57 = arith.constant 0.000000e+00 : f32
      %broadcast_in_dim3A_58 = vector.broadcast %broadcast_in_dim3A_57 : f32 to vector<16xf32>
      %swap3A_59 = arith.index_cast %scan3A_37 : i32 to index
      %swap3A_60 = arith.constant 48 : index
      %swap3A_61 = tpu.vector_load %arg11[%swap3A_59, %swap3A_60] {strides = array<i32>} : memref<100x144xf32, #tpu.memory_space<vmem>>, vector<1x16xf32>,
      %swap3A_62 = vector.shape_cast %swap3A_61 : vector<1x16xf32> to vector<16xf32>
      %swap3A_63 = vector.shape_cast %broadcast_in_dim3A_58 : vector<16xf32> to vector<1x16xf32>
      tpu.vector_store %arg11[%swap3A_59, %swap3A_60], %swap3A_63 {strides = array<i32>} : memref<100x144xf32, #tpu.memory_space<vmem>>, vector<1x16xf32>,
      %broadcast_in_dim3A_64 = arith.constant 0.000000e+00 : f32
      %broadcast_in_dim3A_65 = vector.broadcast %broadcast_in_dim3A_64 : f32 to vector<16xf32>
      %swap3A_66 = arith.index_cast %scan3A_37 : i32 to index
      %swap3A_67 = arith.constant 64 : index
      %swap3A_68 = tpu.vector_load %arg11[%swap3A_66, %swap3A_67] {strides = array<i32>} : memref<100x144xf32, #tpu.memory_space<vmem>>, vector<1x16xf32>,
      %swap3A_69 = vector.shape_cast %swap3A_68 : vector<1x16xf32> to vector<16xf32>
      %swap3A_70 = vector.shape_cast %broadcast_in_dim3A_65 : vector<16xf32> to vector<1x16xf32>
      tpu.vector_store %arg11[%swap3A_66, %swap3A_67], %swap3A_70 {strides = array<i32>} : memref<100x144xf32, #tpu.memory_space<vmem>>, vector<1x16xf32>,
      %broadcast_in_dim3A_71 = arith.constant 0.000000e+00 : f32
      %broadcast_in_dim3A_72 = vector.broadcast %broadcast_in_dim3A_71 : f32 to vector<16xf32>
      %swap3A_73 = arith.index_cast %scan3A_37 : i32 to index
      %swap3A_74 = arith.constant 80 : index
      %swap3A_75 = tpu.vector_load %arg11[%swap3A_73, %swap3A_74] {strides = array<i32>} : memref<100x144xf32, #tpu.memory_space<vmem>>, vector<1x16xf32>,
      %swap3A_76 = vector.shape_cast %swap3A_75 : vector<1x16xf32> to vector<16xf32>
      %swap3A_77 = vector.shape_cast %broadcast_in_dim3A_72 : vector<16xf32> to vector<1x16xf32>
      tpu.vector_store %arg11[%swap3A_73, %swap3A_74], %swap3A_77 {strides = array<i32>} : memref<100x144xf32, #tpu.memory_space<vmem>>, vector<1x16xf32>,
      %broadcast_in_dim3A_78 = arith.constant 0.000000e+00 : f32
      %broadcast_in_dim3A_79 = vector.broadcast %broadcast_in_dim3A_78 : f32 to vector<16xf32>
      %swap3A_80 = arith.index_cast %scan3A_37 : i32 to index
      %swap3A_81 = arith.constant 96 : index
      %swap3A_82 = tpu.vector_load %arg11[%swap3A_80, %swap3A_81] {strides = array<i32>} : memref<100x144xf32, #tpu.memory_space<vmem>>, vector<1x16xf32>,
      %swap3A_83 = vector.shape_cast %swap3A_82 : vector<1x16xf32> to vector<16xf32>
      %swap3A_84 = vector.shape_cast %broadcast_in_dim3A_79 : vector<16xf32> to vector<1x16xf32>
      tpu.vector_store %arg11[%swap3A_80, %swap3A_81], %swap3A_84 {strides = array<i32>} : memref<100x144xf32, #tpu.memory_space<vmem>>, vector<1x16xf32>,
      %broadcast_in_dim3A_85 = arith.constant 0.000000e+00 : f32
      %broadcast_in_dim3A_86 = vector.broadcast %broadcast_in_dim3A_85 : f32 to vector<16xf32>
      %swap3A_87 = arith.index_cast %scan3A_37 : i32 to index
      %swap3A_88 = arith.constant 112 : index
      %swap3A_89 = tpu.vector_load %arg11[%swap3A_87, %swap3A_88] {strides = array<i32>} : memref<100x144xf32, #tpu.memory_space<vmem>>, vector<1x16xf32>,
      %swap3A_90 = vector.shape_cast %swap3A_89 : vector<1x16xf32> to vector<16xf32>
      %swap3A_91 = vector.shape_cast %broadcast_in_dim3A_86 : vector<16xf32> to vector<1x16xf32>
      tpu.vector_store %arg11[%swap3A_87, %swap3A_88], %swap3A_91 {strides = array<i32>} : memref<100x144xf32, #tpu.memory_space<vmem>>, vector<1x16xf32>,
      %broadcast_in_dim3A_92 = arith.constant 0.000000e+00 : f32
      %broadcast_in_dim3A_93 = vector.broadcast %broadcast_in_dim3A_92 : f32 to vector<16xf32>
      %swap3A_94 = arith.index_cast %scan3A_37 : i32 to index
      %swap3A_95 = arith.constant 128 : index
      %swap3A_96 = tpu.vector_load %arg11[%swap3A_94, %swap3A_95] {strides = array<i32>} : memref<100x144xf32, #tpu.memory_space<vmem>>, vector<1x16xf32>,
      %swap3A_97 = vector.shape_cast %swap3A_96 : vector<1x16xf32> to vector<16xf32>
      %swap3A_98 = vector.shape_cast %broadcast_in_dim3A_93 : vector<16xf32> to vector<1x16xf32>
      tpu.vector_store %arg11[%swap3A_94, %swap3A_95], %swap3A_98 {strides = array<i32>} : memref<100x144xf32, #tpu.memory_space<vmem>>, vector<1x16xf32>,
    }
    %scan3A_5 = arith.constant 100 : i32
    %mul3A_6 = arith.constant 624 : i32
    %mul3A_7 = arith.muli %arg1, %mul3A_6 : i32
    %scan3A_8 = arith.constant 0 : i32
    %scan3A_9 = arith.constant 0 : i32
    %scan3A_10 = arith.constant 6 : i32
    %scan3A_11 = arith.addi %scan3A_9, %scan3A_10 : i32
    %scan3A_12 = arith.constant 1 : i32
    scf.for %scan3A_37 = %scan3A_9 to %scan3A_11 step %scan3A_12  : i32 {
      %mul3A_38 = arith.constant 96 : i32
      %mul3A_39 = arith.muli %scan3A_37, %mul3A_38 : i32
      %add3A_40 = arith.addi %mul3A_7, %mul3A_39 : i32
      "tpu.region"() ({
        %run_scoped3A = tpu.sem_alloc : memref<!tpu.dma_semaphore, #tpu.memory_space<semaphore_mem>>
        %dma_start3A = arith.constant 0 : i32
        %dma_start3A_41 = arith.constant 0 : i32
        %dma_start3A_42 = tpu.memref_slice %arg11[%dma_start3A, %dma_start3A_41] : memref<100x144xf32, #tpu.memory_space<vmem>> -> memref<96x144xf32, #tpu.memory_space<vmem>>
        %dma_start3A_43 = arith.constant 0 : i32
        %dma_start3A_44 = tpu.memref_slice %arg15[%add3A_40, %dma_start3A_43] : memref<10000x144xf32, #tpu.memory_space<vmem_shared>> -> memref<96x144xf32, #tpu.memory_space<vmem_shared>>
        %dma_start3A_45 = arith.constant 0 : i32
        %dma_start3A_46 = tpu.memref_slice %arg15[%add3A_40, %dma_start3A_45] : memref<10000x144xf32, #tpu.memory_space<vmem_shared>> -> memref<96x144xf32, #tpu.memory_space<vmem_shared>>
        %dma_start3A_47 = arith.constant 0 : i32
        %dma_start3A_48 = arith.constant 0 : i32
        %dma_start3A_49 = tpu.memref_slice %arg11[%dma_start3A_47, %dma_start3A_48] : memref<100x144xf32, #tpu.memory_space<vmem>> -> memref<96x144xf32, #tpu.memory_space<vmem>>
        tpu.enqueue_dma source(%dma_start3A_49 : memref<96x144xf32, #tpu.memory_space<vmem>>) target(%dma_start3A_46 : memref<96x144xf32, #tpu.memory_space<vmem_shared>>) target_semaphore(%run_scoped3A : memref<!tpu.dma_semaphore, #tpu.memory_space<semaphore_mem>>)
        %dma_wait3A_50 = arith.constant 0 : i32
        %dma_wait3A_51 = arith.constant 0 : i32
        %dma_wait3A_52 = tpu.memref_slice %arg11[%dma_wait3A_50, %dma_wait3A_51] : memref<100x144xf32, #tpu.memory_space<vmem>> -> memref<96x144xf32, #tpu.memory_space<vmem>>
        %dma_wait3A_53 = arith.constant 0 : i32
        %dma_wait3A_54 = tpu.memref_slice %arg15[%add3A_40, %dma_wait3A_53] : memref<10000x144xf32, #tpu.memory_space<vmem_shared>> -> memref<96x144xf32, #tpu.memory_space<vmem_shared>>
        %dma_wait3A_55 = arith.constant 0 : i32
        %dma_wait3A_56 = tpu.memref_slice %arg15[%add3A_40, %dma_wait3A_55] : memref<10000x144xf32, #tpu.memory_space<vmem_shared>> -> memref<96x144xf32, #tpu.memory_space<vmem_shared>>
        %dma_wait3A_57 = arith.constant 0 : i32
        %dma_wait3A_58 = arith.constant 0 : i32
        %dma_wait3A_59 = tpu.memref_slice %arg11[%dma_wait3A_57, %dma_wait3A_58] : memref<100x144xf32, #tpu.memory_space<vmem>> -> memref<96x144xf32, #tpu.memory_space<vmem>>
        tpu.wait_dma2 semaphore(%run_scoped3A : memref<!tpu.dma_semaphore, #tpu.memory_space<semaphore_mem>>) src(%dma_wait3A_59 : memref<96x144xf32, #tpu.memory_space<vmem>>) dst(%dma_wait3A_56 : memref<96x144xf32, #tpu.memory_space<vmem_shared>>)
        tpu.yield
      }) : () -> ()
    }
    %scan3A_13 = arith.constant 6 : i32
    %add3A_14 = arith.constant 624 : i32
    %add3A_15 = arith.addi %mul3A_7, %add3A_14 : i32
    %sub3A = arith.constant 48 : i32
    %sub3A_16 = arith.subi %add3A_15, %sub3A : i32
    "tpu.region"() ({
      %run_scoped3A = tpu.sem_alloc : memref<!tpu.dma_semaphore, #tpu.memory_space<semaphore_mem>>
      %dma_start3A = arith.constant 0 : i32
      %dma_start3A_37 = arith.constant 0 : i32
      %dma_start3A_38 = tpu.memref_slice %arg11[%dma_start3A, %dma_start3A_37] : memref<100x144xf32, #tpu.memory_space<vmem>> -> memref<48x144xf32, #tpu.memory_space<vmem>>
      %dma_start3A_39 = arith.constant 0 : i32
      %dma_start3A_40 = tpu.memref_slice %arg15[%sub3A_16, %dma_start3A_39] : memref<10000x144xf32, #tpu.memory_space<vmem_shared>> -> memref<48x144xf32, #tpu.memory_space<vmem_shared>>
      %dma_start3A_41 = arith.constant 0 : i32
      %dma_start3A_42 = tpu.memref_slice %arg15[%sub3A_16, %dma_start3A_41] : memref<10000x144xf32, #tpu.memory_space<vmem_shared>> -> memref<48x144xf32, #tpu.memory_space<vmem_shared>>
      %dma_start3A_43 = arith.constant 0 : i32
      %dma_start3A_44 = arith.constant 0 : i32
      %dma_start3A_45 = tpu.memref_slice %arg11[%dma_start3A_43, %dma_start3A_44] : memref<100x144xf32, #tpu.memory_space<vmem>> -> memref<48x144xf32, #tpu.memory_space<vmem>>
      tpu.enqueue_dma source(%dma_start3A_45 : memref<48x144xf32, #tpu.memory_space<vmem>>) target(%dma_start3A_42 : memref<48x144xf32, #tpu.memory_space<vmem_shared>>) target_semaphore(%run_scoped3A : memref<!tpu.dma_semaphore, #tpu.memory_space<semaphore_mem>>)
      %dma_wait3A_46 = arith.constant 0 : i32
      %dma_wait3A_47 = arith.constant 0 : i32
      %dma_wait3A_48 = tpu.memref_slice %arg11[%dma_wait3A_46, %dma_wait3A_47] : memref<100x144xf32, #tpu.memory_space<vmem>> -> memref<48x144xf32, #tpu.memory_space<vmem>>
      %dma_wait3A_49 = arith.constant 0 : i32
      %dma_wait3A_50 = tpu.memref_slice %arg15[%sub3A_16, %dma_wait3A_49] : memref<10000x144xf32, #tpu.memory_space<vmem_shared>> -> memref<48x144xf32, #tpu.memory_space<vmem_shared>>
      %dma_wait3A_51 = arith.constant 0 : i32
      %dma_wait3A_52 = tpu.memref_slice %arg15[%sub3A_16, %dma_wait3A_51] : memref<10000x144xf32, #tpu.memory_space<vmem_shared>> -> memref<48x144xf32, #tpu.memory_space<vmem_shared>>
      %dma_wait3A_53 = arith.constant 0 : i32
      %dma_wait3A_54 = arith.constant 0 : i32
      %dma_wait3A_55 = tpu.memref_slice %arg11[%dma_wait3A_53, %dma_wait3A_54] : memref<100x144xf32, #tpu.memory_space<vmem>> -> memref<48x144xf32, #tpu.memory_space<vmem>>
      tpu.wait_dma2 semaphore(%run_scoped3A : memref<!tpu.dma_semaphore, #tpu.memory_space<semaphore_mem>>) src(%dma_wait3A_55 : memref<48x144xf32, #tpu.memory_space<vmem>>) dst(%dma_wait3A_52 : memref<48x144xf32, #tpu.memory_space<vmem_shared>>)
      tpu.yield
    }) : () -> ()
    %eq3A = arith.constant 15 : i32
    %eq3A_17 = arith.cmpi eq, %arg1, %eq3A : i32
    %convert_element_type3A = arith.extui %eq3A_17 : i1 to i32
    %cond3A = arith.constant 0 : i32
    %cond3A_18 = arith.cmpi ne, %convert_element_type3A, %cond3A : i32
    scf.if %cond3A_18 {
      "tpu.region"() ({
        %run_scoped3A = tpu.sem_alloc : memref<!tpu.dma_semaphore, #tpu.memory_space<semaphore_mem>>
        %dma_start3A = arith.constant 0 : i32
        %dma_start3A_37 = arith.constant 0 : i32
        %dma_start3A_38 = tpu.memref_slice %arg11[%dma_start3A, %dma_start3A_37] : memref<100x144xf32, #tpu.memory_space<vmem>> -> memref<16x144xf32, #tpu.memory_space<vmem>>
        %dma_start3A_39 = arith.constant 9984 : i32
        %dma_start3A_40 = arith.constant 0 : i32
        %dma_start3A_41 = tpu.memref_slice %arg15[%dma_start3A_39, %dma_start3A_40] : memref<10000x144xf32, #tpu.memory_space<vmem_shared>> -> memref<16x144xf32, #tpu.memory_space<vmem_shared>>
        %dma_start3A_42 = arith.constant 9984 : i32
        %dma_start3A_43 = arith.constant 0 : i32
        %dma_start3A_44 = tpu.memref_slice %arg15[%dma_start3A_42, %dma_start3A_43] : memref<10000x144xf32, #tpu.memory_space<vmem_shared>> -> memref<16x144xf32, #tpu.memory_space<vmem_shared>>
        %dma_start3A_45 = arith.constant 0 : i32
        %dma_start3A_46 = arith.constant 0 : i32
        %dma_start3A_47 = tpu.memref_slice %arg11[%dma_start3A_45, %dma_start3A_46] : memref<100x144xf32, #tpu.memory_space<vmem>> -> memref<16x144xf32, #tpu.memory_space<vmem>>
        tpu.enqueue_dma source(%dma_start3A_47 : memref<16x144xf32, #tpu.memory_space<vmem>>) target(%dma_start3A_44 : memref<16x144xf32, #tpu.memory_space<vmem_shared>>) target_semaphore(%run_scoped3A : memref<!tpu.dma_semaphore, #tpu.memory_space<semaphore_mem>>)
        %dma_wait3A_48 = arith.constant 0 : i32
        %dma_wait3A_49 = arith.constant 0 : i32
        %dma_wait3A_50 = tpu.memref_slice %arg11[%dma_wait3A_48, %dma_wait3A_49] : memref<100x144xf32, #tpu.memory_space<vmem>> -> memref<16x144xf32, #tpu.memory_space<vmem>>
        %dma_wait3A_51 = arith.constant 9984 : i32
        %dma_wait3A_52 = arith.constant 0 : i32
        %dma_wait3A_53 = tpu.memref_slice %arg15[%dma_wait3A_51, %dma_wait3A_52] : memref<10000x144xf32, #tpu.memory_space<vmem_shared>> -> memref<16x144xf32, #tpu.memory_space<vmem_shared>>
        %dma_wait3A_54 = arith.constant 9984 : i32
        %dma_wait3A_55 = arith.constant 0 : i32
        %dma_wait3A_56 = tpu.memref_slice %arg15[%dma_wait3A_54, %dma_wait3A_55] : memref<10000x144xf32, #tpu.memory_space<vmem_shared>> -> memref<16x144xf32, #tpu.memory_space<vmem_shared>>
        %dma_wait3A_57 = arith.constant 0 : i32
        %dma_wait3A_58 = arith.constant 0 : i32
        %dma_wait3A_59 = tpu.memref_slice %arg11[%dma_wait3A_57, %dma_wait3A_58] : memref<100x144xf32, #tpu.memory_space<vmem>> -> memref<16x144xf32, #tpu.memory_space<vmem>>
        tpu.wait_dma2 semaphore(%run_scoped3A : memref<!tpu.dma_semaphore, #tpu.memory_space<semaphore_mem>>) src(%dma_wait3A_59 : memref<16x144xf32, #tpu.memory_space<vmem>>) dst(%dma_wait3A_56 : memref<16x144xf32, #tpu.memory_space<vmem_shared>>)
        tpu.yield
      }) : () -> ()
    } else {
    }
    "tpu.region"() ({
      %run_scoped3A = tpu.sem_alloc : memref<!tpu.dma_semaphore, #tpu.memory_space<semaphore_mem>>
      tpu.enqueue_dma source(%arg6 : memref<16xf32, #tpu.memory_space<hbm>>) target(%arg14 : memref<16xf32, #tpu.memory_space<vmem>>) target_semaphore(%run_scoped3A : memref<!tpu.dma_semaphore, #tpu.memory_space<semaphore_mem>>)
      tpu.wait_dma2 semaphore(%run_scoped3A : memref<!tpu.dma_semaphore, #tpu.memory_space<semaphore_mem>>) src(%arg6 : memref<16xf32, #tpu.memory_space<hbm>>) dst(%arg14 : memref<16xf32, #tpu.memory_space<vmem>>)
      tpu.yield
    }) : () -> ()
    %barrier3A = arith.constant 0 : index
    tpu.barrier barrier_id(%barrier3A)
    %get3A = arith.constant 0 : index
    %get3A_19 = tpu.vector_load %arg14[%get3A] {strides = array<i32>} : memref<16xf32, #tpu.memory_space<vmem>>, vector<16xf32>,
    %get3A_20 = vector.shape_cast %get3A_19 : vector<16xf32> to vector<16xf32>
    %scan3A_21 = arith.constant 0 : i32
    %scan3A_22 = arith.constant 5 : i32
    %scan3A_23 = arith.addi %scan3A_21, %scan3A_22 : i32
    %scan3A_24 = arith.constant 1 : i32
    scf.for %scan3A_37 = %scan3A_21 to %scan3A_23 step %scan3A_24  : i32 {
      %gt3A = arith.constant 0 : i32
      %gt3A_38 = arith.cmpi sgt, %scan3A_37, %gt3A : i32
      %convert_element_type3A_39 = arith.extui %gt3A_38 : i1 to i32
      %cond3A_40 = arith.constant 0 : i32
      %cond3A_41 = arith.cmpi ne, %convert_element_type3A_39, %cond3A_40 : i32
      scf.if %cond3A_41 {
        %dma_wait3A_73 = arith.constant 0 : i32
        %dma_wait3A_74 = arith.constant 0 : i32
        %dma_wait3A_75 = tpu.memref_slice %arg4[%dma_wait3A_73, %dma_wait3A_74] : memref<10000x144xf32, #tpu.memory_space<hbm>> -> memref<100x144xf32, #tpu.memory_space<hbm>>
        %dma_wait3A_76 = arith.constant 0 : i32
        %dma_wait3A_77 = arith.constant 0 : i32
        %dma_wait3A_78 = tpu.memref_slice %arg4[%dma_wait3A_76, %dma_wait3A_77] : memref<10000x144xf32, #tpu.memory_space<hbm>> -> memref<100x144xf32, #tpu.memory_space<hbm>>
        tpu.wait_dma2 semaphore(%arg19 : memref<!tpu.dma_semaphore, #tpu.memory_space<semaphore_mem>>) src(%dma_wait3A_78 : memref<100x144xf32, #tpu.memory_space<hbm>>) dst(%arg13 : memref<100x144xf32, #tpu.memory_space<vmem>>)
      } else {
      }
      %mul3A_42 = arith.constant 100 : i32
      %mul3A_43 = arith.muli %add3A, %mul3A_42 : i32
      %mul3A_44 = arith.constant 20 : i32
      %mul3A_45 = arith.muli %scan3A_37, %mul3A_44 : i32
      %add3A_46 = arith.addi %mul3A_43, %mul3A_45 : i32
      %mul3A_47 = arith.constant 1 : i32
      %mul3A_48 = arith.muli %add3A_46, %mul3A_47 : i32
      "tpu.region"() ({
        %run_scoped3A = tpu.sem_alloc : memref<!tpu.dma_semaphore, #tpu.memory_space<semaphore_mem>>
        %dma_start3A_73 = arith.constant 0 : i32
        %dma_start3A_74 = tpu.memref_slice %arg2[%mul3A_48, %dma_start3A_73] : memref<3200x100xi32, #tpu.memory_space<hbm>> -> memref<20x100xi32, #tpu.memory_space<hbm>>
        %dma_start3A_75 = arith.constant 0 : i32
        %dma_start3A_76 = tpu.memref_slice %arg2[%mul3A_48, %dma_start3A_75] : memref<3200x100xi32, #tpu.memory_space<hbm>> -> memref<20x100xi32, #tpu.memory_space<hbm>>
        tpu.enqueue_dma source(%dma_start3A_76 : memref<20x100xi32, #tpu.memory_space<hbm>>) target(%arg8 : memref<20x100xi32, #tpu.memory_space<vmem>>) target_semaphore(%run_scoped3A : memref<!tpu.dma_semaphore, #tpu.memory_space<semaphore_mem>>)
        %dma_wait3A_77 = arith.constant 0 : i32
        %dma_wait3A_78 = tpu.memref_slice %arg2[%mul3A_48, %dma_wait3A_77] : memref<3200x100xi32, #tpu.memory_space<hbm>> -> memref<20x100xi32, #tpu.memory_space<hbm>>
        %dma_wait3A_79 = arith.constant 0 : i32
        %dma_wait3A_80 = tpu.memref_slice %arg2[%mul3A_48, %dma_wait3A_79] : memref<3200x100xi32, #tpu.memory_space<hbm>> -> memref<20x100xi32, #tpu.memory_space<hbm>>
        tpu.wait_dma2 semaphore(%run_scoped3A : memref<!tpu.dma_semaphore, #tpu.memory_space<semaphore_mem>>) src(%dma_wait3A_80 : memref<20x100xi32, #tpu.memory_space<hbm>>) dst(%arg8 : memref<20x100xi32, #tpu.memory_space<vmem>>)
        tpu.yield
      }) : () -> ()
      "tpu.region"() ({
        %run_scoped3A = tpu.sem_alloc : memref<!tpu.dma_semaphore, #tpu.memory_space<semaphore_mem>>
        %dma_start3A_73 = arith.constant 0 : i32
        %dma_start3A_74 = tpu.memref_slice %arg3[%mul3A_48, %dma_start3A_73] : memref<3200x100xi32, #tpu.memory_space<hbm>> -> memref<20x100xi32, #tpu.memory_space<hbm>>
        %dma_start3A_75 = arith.constant 0 : i32
        %dma_start3A_76 = tpu.memref_slice %arg3[%mul3A_48, %dma_start3A_75] : memref<3200x100xi32, #tpu.memory_space<hbm>> -> memref<20x100xi32, #tpu.memory_space<hbm>>
        tpu.enqueue_dma source(%dma_start3A_76 : memref<20x100xi32, #tpu.memory_space<hbm>>) target(%arg9 : memref<20x100xi32, #tpu.memory_space<vmem>>) target_semaphore(%run_scoped3A : memref<!tpu.dma_semaphore, #tpu.memory_space<semaphore_mem>>)
        %dma_wait3A_77 = arith.constant 0 : i32
        %dma_wait3A_78 = tpu.memref_slice %arg3[%mul3A_48, %dma_wait3A_77] : memref<3200x100xi32, #tpu.memory_space<hbm>> -> memref<20x100xi32, #tpu.memory_space<hbm>>
        %dma_wait3A_79 = arith.constant 0 : i32
        %dma_wait3A_80 = tpu.memref_slice %arg3[%mul3A_48, %dma_wait3A_79] : memref<3200x100xi32, #tpu.memory_space<hbm>> -> memref<20x100xi32, #tpu.memory_space<hbm>>
        tpu.wait_dma2 semaphore(%run_scoped3A : memref<!tpu.dma_semaphore, #tpu.memory_space<semaphore_mem>>) src(%dma_wait3A_80 : memref<20x100xi32, #tpu.memory_space<hbm>>) dst(%arg9 : memref<20x100xi32, #tpu.memory_space<vmem>>)
        tpu.yield
      }) : () -> ()
      %dma_start3A = arith.constant 0 : i32
      %dma_start3A_49 = arith.constant 0 : i32
      %dma_start3A_50 = arith.constant 0 : i32
      %dma_start3A_51 = tpu.memref_slice %arg11[%dma_start3A_49, %dma_start3A_50] : memref<100x144xf32, #tpu.memory_space<vmem>> -> memref<100x144xf32, #tpu.memory_space<vmem>>
      %dma_start3A_52 = arith.constant 0 : i32
      %dma_start3A_53 = tpu.memref_slice %arg8[%dma_start3A, %dma_start3A_52] : memref<20x100xi32, #tpu.memory_space<vmem>> -> memref<1x100xi32, #tpu.memory_space<vmem>>
      %dma_start3A_54 = tpu.memref_squeeze %dma_start3A_53 : memref<1x100xi32, #tpu.memory_space<vmem>> -> memref<100xi32, #tpu.memory_space<vmem>>
      %dma_start3A_55 = arith.constant 0 : i32
      %dma_start3A_56 = arith.constant 0 : i32
      %dma_start3A_57 = tpu.memref_slice %arg4[%dma_start3A_55, %dma_start3A_56] : memref<10000x144xf32, #tpu.memory_space<hbm>> -> memref<10000x144xf32, #tpu.memory_space<hbm>>
      tpu.enqueue_indirect_dma source(%dma_start3A_57 : memref<10000x144xf32, #tpu.memory_space<hbm>>) target(%dma_start3A_51 : memref<100x144xf32, #tpu.memory_space<vmem>>) offsets(%dma_start3A_54 : memref<100xi32, #tpu.memory_space<vmem>>) semaphore(%arg16 : memref<!tpu.dma_semaphore, #tpu.memory_space<semaphore_mem>>)
      %dma_start3A_58 = arith.constant 0 : i32
      %dma_start3A_59 = arith.constant 0 : i32
      %dma_start3A_60 = arith.constant 0 : i32
      %dma_start3A_61 = tpu.memref_slice %arg10[%dma_start3A_59, %dma_start3A_60] : memref<100x16xf32, #tpu.memory_space<vmem>> -> memref<100x16xf32, #tpu.memory_space<vmem>>
      %dma_start3A_62 = arith.constant 0 : i32
      %dma_start3A_63 = tpu.memref_slice %arg9[%dma_start3A_58, %dma_start3A_62] : memref<20x100xi32, #tpu.memory_space<vmem>> -> memref<1x100xi32, #tpu.memory_space<vmem>>
      %dma_start3A_64 = tpu.memref_squeeze %dma_start3A_63 : memref<1x100xi32, #tpu.memory_space<vmem>> -> memref<100xi32, #tpu.memory_space<vmem>>
      %dma_start3A_65 = arith.constant 0 : i32
      %dma_start3A_66 = arith.constant 0 : i32
      %dma_start3A_67 = tpu.memref_slice %arg5[%dma_start3A_65, %dma_start3A_66] : memref<10000x16xf32, #tpu.memory_space<hbm>> -> memref<10000x16xf32, #tpu.memory_space<hbm>>
      tpu.enqueue_indirect_dma source(%dma_start3A_67 : memref<10000x16xf32, #tpu.memory_space<hbm>>) target(%dma_start3A_61 : memref<100x16xf32, #tpu.memory_space<vmem>>) offsets(%dma_start3A_64 : memref<100xi32, #tpu.memory_space<vmem>>) semaphore(%arg16 : memref<!tpu.dma_semaphore, #tpu.memory_space<semaphore_mem>>)
      %scan3A_68 = arith.constant 0 : i32
      %scan3A_69 = arith.constant 10 : i32
      %scan3A_70 = arith.addi %scan3A_68, %scan3A_69 : i32
      %scan3A_71 = arith.constant 1 : i32
      scf.for %scan3A_73 = %scan3A_68 to %scan3A_70 step %scan3A_71  : i32 {
        %mul3A_74 = arith.constant 2 : i32
        %mul3A_75 = arith.muli %mul3A_74, %scan3A_73 : i32
        %mul3A_76 = arith.constant 1 : i32
        %mul3A_77 = arith.muli %mul3A_75, %mul3A_76 : i32
        %add3A_78 = arith.constant 1 : i32
        %add3A_79 = arith.addi %mul3A_77, %add3A_78 : i32
        %dma_wait3A_80 = arith.constant 0 : i32
        %dma_wait3A_81 = arith.constant 0 : i32
        %dma_wait3A_82 = tpu.memref_slice %arg4[%dma_wait3A_80, %dma_wait3A_81] : memref<10000x144xf32, #tpu.memory_space<hbm>> -> memref<100x144xf32, #tpu.memory_space<hbm>>
        %dma_wait3A_83 = arith.constant 0 : i32
        %dma_wait3A_84 = arith.constant 0 : i32
        %dma_wait3A_85 = tpu.memref_slice %arg4[%dma_wait3A_83, %dma_wait3A_84] : memref<10000x144xf32, #tpu.memory_space<hbm>> -> memref<100x144xf32, #tpu.memory_space<hbm>>
        tpu.wait_dma2 semaphore(%arg16 : memref<!tpu.dma_semaphore, #tpu.memory_space<semaphore_mem>>) src(%dma_wait3A_85 : memref<100x144xf32, #tpu.memory_space<hbm>>) dst(%arg11 : memref<100x144xf32, #tpu.memory_space<vmem>>)
        %dma_wait3A_86 = arith.constant 0 : i32
        %dma_wait3A_87 = arith.constant 0 : i32
        %dma_wait3A_88 = tpu.memref_slice %arg5[%dma_wait3A_86, %dma_wait3A_87] : memref<10000x16xf32, #tpu.memory_space<hbm>> -> memref<100x16xf32, #tpu.memory_space<hbm>>
        %dma_wait3A_89 = arith.constant 0 : i32
        %dma_wait3A_90 = arith.constant 0 : i32
        %dma_wait3A_91 = tpu.memref_slice %arg5[%dma_wait3A_89, %dma_wait3A_90] : memref<10000x16xf32, #tpu.memory_space<hbm>> -> memref<100x16xf32, #tpu.memory_space<hbm>>
        tpu.wait_dma2 semaphore(%arg16 : memref<!tpu.dma_semaphore, #tpu.memory_space<semaphore_mem>>) src(%dma_wait3A_91 : memref<100x16xf32, #tpu.memory_space<hbm>>) dst(%arg10 : memref<100x16xf32, #tpu.memory_space<vmem>>)
        %gt3A_92 = arith.constant 0 : i32
        %gt3A_93 = arith.cmpi sgt, %scan3A_73, %gt3A_92 : i32
        %convert_element_type3A_94 = arith.extui %gt3A_93 : i1 to i32
        %cond3A_95 = arith.constant 0 : i32
        %cond3A_96 = arith.cmpi ne, %convert_element_type3A_94, %cond3A_95 : i32
        scf.if %cond3A_96 {
          %dma_wait3A_173 = arith.constant 0 : i32
          %dma_wait3A_174 = arith.constant 0 : i32
          %dma_wait3A_175 = tpu.memref_slice %arg4[%dma_wait3A_173, %dma_wait3A_174] : memref<10000x144xf32, #tpu.memory_space<hbm>> -> memref<100x144xf32, #tpu.memory_space<hbm>>
          %dma_wait3A_176 = arith.constant 0 : i32
          %dma_wait3A_177 = arith.constant 0 : i32
          %dma_wait3A_178 = tpu.memref_slice %arg4[%dma_wait3A_176, %dma_wait3A_177] : memref<10000x144xf32, #tpu.memory_space<hbm>> -> memref<100x144xf32, #tpu.memory_space<hbm>>
          tpu.wait_dma2 semaphore(%arg19 : memref<!tpu.dma_semaphore, #tpu.memory_space<semaphore_mem>>) src(%dma_wait3A_178 : memref<100x144xf32, #tpu.memory_space<hbm>>) dst(%arg13 : memref<100x144xf32, #tpu.memory_space<vmem>>)
        } else {
        }
        %add3A_97 = arith.constant 0 : i32
        %add3A_98 = arith.addi %add3A_79, %add3A_97 : i32
        %dma_start3A_99 = arith.constant 0 : i32
        %dma_start3A_100 = arith.constant 0 : i32
        %dma_start3A_101 = tpu.memref_slice %arg13[%dma_start3A_99, %dma_start3A_100] : memref<100x144xf32, #tpu.memory_space<vmem>> -> memref<100x144xf32, #tpu.memory_space<vmem>>
        %dma_start3A_102 = arith.constant 0 : i32
        %dma_start3A_103 = tpu.memref_slice %arg8[%add3A_98, %dma_start3A_102] : memref<20x100xi32, #tpu.memory_space<vmem>> -> memref<1x100xi32, #tpu.memory_space<vmem>>
        %dma_start3A_104 = tpu.memref_squeeze %dma_start3A_103 : memref<1x100xi32, #tpu.memory_space<vmem>> -> memref<100xi32, #tpu.memory_space<vmem>>
        %dma_start3A_105 = arith.constant 0 : i32
        %dma_start3A_106 = arith.constant 0 : i32
        %dma_start3A_107 = tpu.memref_slice %arg4[%dma_start3A_105, %dma_start3A_106] : memref<10000x144xf32, #tpu.memory_space<hbm>> -> memref<10000x144xf32, #tpu.memory_space<hbm>>
        tpu.enqueue_indirect_dma source(%dma_start3A_107 : memref<10000x144xf32, #tpu.memory_space<hbm>>) target(%dma_start3A_101 : memref<100x144xf32, #tpu.memory_space<vmem>>) offsets(%dma_start3A_104 : memref<100xi32, #tpu.memory_space<vmem>>) semaphore(%arg17 : memref<!tpu.dma_semaphore, #tpu.memory_space<semaphore_mem>>)
        %add3A_108 = arith.constant 0 : i32
        %add3A_109 = arith.addi %add3A_79, %add3A_108 : i32
        %dma_start3A_110 = arith.constant 0 : i32
        %dma_start3A_111 = arith.constant 0 : i32
        %dma_start3A_112 = tpu.memref_slice %arg12[%dma_start3A_110, %dma_start3A_111] : memref<100x16xf32, #tpu.memory_space<vmem>> -> memref<100x16xf32, #tpu.memory_space<vmem>>
        %dma_start3A_113 = arith.constant 0 : i32
        %dma_start3A_114 = tpu.memref_slice %arg9[%add3A_109, %dma_start3A_113] : memref<20x100xi32, #tpu.memory_space<vmem>> -> memref<1x100xi32, #tpu.memory_space<vmem>>
        %dma_start3A_115 = tpu.memref_squeeze %dma_start3A_114 : memref<1x100xi32, #tpu.memory_space<vmem>> -> memref<100xi32, #tpu.memory_space<vmem>>
        %dma_start3A_116 = arith.constant 0 : i32
        %dma_start3A_117 = arith.constant 0 : i32
        %dma_start3A_118 = tpu.memref_slice %arg5[%dma_start3A_116, %dma_start3A_117] : memref<10000x16xf32, #tpu.memory_space<hbm>> -> memref<10000x16xf32, #tpu.memory_space<hbm>>
        tpu.enqueue_indirect_dma source(%dma_start3A_118 : memref<10000x16xf32, #tpu.memory_space<hbm>>) target(%dma_start3A_112 : memref<100x16xf32, #tpu.memory_space<vmem>>) offsets(%dma_start3A_115 : memref<100xi32, #tpu.memory_space<vmem>>) semaphore(%arg17 : memref<!tpu.dma_semaphore, #tpu.memory_space<semaphore_mem>>)
        %scan3A_119 = arith.constant 0 : i32
        %scan3A_120 = arith.constant 100 : i32
        %scan3A_121 = arith.addi %scan3A_119, %scan3A_120 : i32
        %scan3A_122 = arith.constant 1 : i32
        scf.for %scan3A_173 = %scan3A_119 to %scan3A_121 step %scan3A_122  : i32 {
          %get3A_174 = arith.index_cast %scan3A_173 : i32 to index
          %get3A_175 = arith.constant 128 : index
          %get3A_176 = tpu.vector_load %arg11[%get3A_174, %get3A_175] {strides = array<i32>} : memref<100x144xf32, #tpu.memory_space<vmem>>, vector<1x16xf32>,
          %get3A_177 = vector.shape_cast %get3A_176 : vector<1x16xf32> to vector<16xf32>
          %get3A_178 = arith.index_cast %scan3A_173 : i32 to index
          %get3A_179 = arith.constant 0 : index
          %get3A_180 = tpu.vector_load %arg10[%get3A_178, %get3A_179] {strides = array<i32>} : memref<100x16xf32, #tpu.memory_space<vmem>>, vector<1x16xf32>,
          %get3A_181 = vector.shape_cast %get3A_180 : vector<1x16xf32> to vector<16xf32>
          %add3A_182 = arith.addf %get3A_177, %get3A_181 : vector<16xf32>
          %mul3A_183 = arith.constant 2.000000e-01 : f32
          %mul3A_184 = vector.broadcast %mul3A_183 : f32 to vector<16xf32>
          %mul3A_185 = arith.mulf %mul3A_184, %add3A_182 : vector<16xf32>
          %max3A = arith.maximumf %add3A_182, %mul3A_185 : vector<16xf32>
          %sub3A_186 = arith.subf %max3A, %get3A_20 : vector<16xf32>
          %exp3A = math.exp %sub3A_186 : vector<16xf32>
          %swap3A = arith.index_cast %scan3A_173 : i32 to index
          %swap3A_187 = arith.constant 128 : index
          %swap3A_188 = tpu.vector_load %arg11[%swap3A, %swap3A_187] {strides = array<i32>} : memref<100x144xf32, #tpu.memory_space<vmem>>, vector<1x16xf32>,
          %swap3A_189 = vector.shape_cast %swap3A_188 : vector<1x16xf32> to vector<16xf32>
          %swap3A_190 = vector.shape_cast %exp3A : vector<16xf32> to vector<1x16xf32>
          tpu.vector_store %arg11[%swap3A, %swap3A_187], %swap3A_190 {strides = array<i32>} : memref<100x144xf32, #tpu.memory_space<vmem>>, vector<1x16xf32>,
          %broadcast_in_dim3A = arith.constant 0 : i32
          %broadcast_in_dim3A_191 = vector.broadcast %broadcast_in_dim3A : i32 to vector<16x1xi32>
          %gather3A = vector.shape_cast %broadcast_in_dim3A_191 : vector<16x1xi32> to vector<16xi32>
          %gather3A_192 = tpu.dynamic_gather %exp3A[%gather3A] in [0] : vector<16xf32>, vector<16xi32> -> vector<16xf32>
          %get3A_193 = arith.index_cast %scan3A_173 : i32 to index
          %get3A_194 = arith.constant 0 : index
          %get3A_195 = tpu.vector_load %arg11[%get3A_193, %get3A_194] {strides = array<i32>} : memref<100x144xf32, #tpu.memory_space<vmem>>, vector<1x16xf32>,
          %get3A_196 = vector.shape_cast %get3A_195 : vector<1x16xf32> to vector<16xf32>
          %mul3A_197 = arith.mulf %get3A_196, %gather3A_192 : vector<16xf32>
          %swap3A_198 = arith.index_cast %scan3A_173 : i32 to index
          %swap3A_199 = arith.constant 0 : index
          %swap3A_200 = tpu.vector_load %arg11[%swap3A_198, %swap3A_199] {strides = array<i32>} : memref<100x144xf32, #tpu.memory_space<vmem>>, vector<1x16xf32>,
          %swap3A_201 = vector.shape_cast %swap3A_200 : vector<1x16xf32> to vector<16xf32>
          %swap3A_202 = vector.shape_cast %mul3A_197 : vector<16xf32> to vector<1x16xf32>
          tpu.vector_store %arg11[%swap3A_198, %swap3A_199], %swap3A_202 {strides = array<i32>} : memref<100x144xf32, #tpu.memory_space<vmem>>, vector<1x16xf32>,
          %broadcast_in_dim3A_203 = arith.constant 1 : i32
          %broadcast_in_dim3A_204 = vector.broadcast %broadcast_in_dim3A_203 : i32 to vector<16x1xi32>
          %gather3A_205 = vector.shape_cast %broadcast_in_dim3A_204 : vector<16x1xi32> to vector<16xi32>
          %gather3A_206 = tpu.dynamic_gather %exp3A[%gather3A_205] in [0] : vector<16xf32>, vector<16xi32> -> vector<16xf32>
          %get3A_207 = arith.index_cast %scan3A_173 : i32 to index
          %get3A_208 = arith.constant 16 : index
          %get3A_209 = tpu.vector_load %arg11[%get3A_207, %get3A_208] {strides = array<i32>} : memref<100x144xf32, #tpu.memory_space<vmem>>, vector<1x16xf32>,
          %get3A_210 = vector.shape_cast %get3A_209 : vector<1x16xf32> to vector<16xf32>
          %mul3A_211 = arith.mulf %get3A_210, %gather3A_206 : vector<16xf32>
          %swap3A_212 = arith.index_cast %scan3A_173 : i32 to index
          %swap3A_213 = arith.constant 16 : index
          %swap3A_214 = tpu.vector_load %arg11[%swap3A_212, %swap3A_213] {strides = array<i32>} : memref<100x144xf32, #tpu.memory_space<vmem>>, vector<1x16xf32>,
          %swap3A_215 = vector.shape_cast %swap3A_214 : vector<1x16xf32> to vector<16xf32>
          %swap3A_216 = vector.shape_cast %mul3A_211 : vector<16xf32> to vector<1x16xf32>
          tpu.vector_store %arg11[%swap3A_212, %swap3A_213], %swap3A_216 {strides = array<i32>} : memref<100x144xf32, #tpu.memory_space<vmem>>, vector<1x16xf32>,
          %broadcast_in_dim3A_217 = arith.constant 2 : i32
          %broadcast_in_dim3A_218 = vector.broadcast %broadcast_in_dim3A_217 : i32 to vector<16x1xi32>
          %gather3A_219 = vector.shape_cast %broadcast_in_dim3A_218 : vector<16x1xi32> to vector<16xi32>
          %gather3A_220 = tpu.dynamic_gather %exp3A[%gather3A_219] in [0] : vector<16xf32>, vector<16xi32> -> vector<16xf32>
          %get3A_221 = arith.index_cast %scan3A_173 : i32 to index
          %get3A_222 = arith.constant 32 : index
          %get3A_223 = tpu.vector_load %arg11[%get3A_221, %get3A_222] {strides = array<i32>} : memref<100x144xf32, #tpu.memory_space<vmem>>, vector<1x16xf32>,
          %get3A_224 = vector.shape_cast %get3A_223 : vector<1x16xf32> to vector<16xf32>
          %mul3A_225 = arith.mulf %get3A_224, %gather3A_220 : vector<16xf32>
          %swap3A_226 = arith.index_cast %scan3A_173 : i32 to index
          %swap3A_227 = arith.constant 32 : index
          %swap3A_228 = tpu.vector_load %arg11[%swap3A_226, %swap3A_227] {strides = array<i32>} : memref<100x144xf32, #tpu.memory_space<vmem>>, vector<1x16xf32>,
          %swap3A_229 = vector.shape_cast %swap3A_228 : vector<1x16xf32> to vector<16xf32>
          %swap3A_230 = vector.shape_cast %mul3A_225 : vector<16xf32> to vector<1x16xf32>
          tpu.vector_store %arg11[%swap3A_226, %swap3A_227], %swap3A_230 {strides = array<i32>} : memref<100x144xf32, #tpu.memory_space<vmem>>, vector<1x16xf32>,
          %broadcast_in_dim3A_231 = arith.constant 3 : i32
          %broadcast_in_dim3A_232 = vector.broadcast %broadcast_in_dim3A_231 : i32 to vector<16x1xi32>
          %gather3A_233 = vector.shape_cast %broadcast_in_dim3A_232 : vector<16x1xi32> to vector<16xi32>
          %gather3A_234 = tpu.dynamic_gather %exp3A[%gather3A_233] in [0] : vector<16xf32>, vector<16xi32> -> vector<16xf32>
          %get3A_235 = arith.index_cast %scan3A_173 : i32 to index
          %get3A_236 = arith.constant 48 : index
          %get3A_237 = tpu.vector_load %arg11[%get3A_235, %get3A_236] {strides = array<i32>} : memref<100x144xf32, #tpu.memory_space<vmem>>, vector<1x16xf32>,
          %get3A_238 = vector.shape_cast %get3A_237 : vector<1x16xf32> to vector<16xf32>
          %mul3A_239 = arith.mulf %get3A_238, %gather3A_234 : vector<16xf32>
          %swap3A_240 = arith.index_cast %scan3A_173 : i32 to index
          %swap3A_241 = arith.constant 48 : index
          %swap3A_242 = tpu.vector_load %arg11[%swap3A_240, %swap3A_241] {strides = array<i32>} : memref<100x144xf32, #tpu.memory_space<vmem>>, vector<1x16xf32>,
          %swap3A_243 = vector.shape_cast %swap3A_242 : vector<1x16xf32> to vector<16xf32>
          %swap3A_244 = vector.shape_cast %mul3A_239 : vector<16xf32> to vector<1x16xf32>
          tpu.vector_store %arg11[%swap3A_240, %swap3A_241], %swap3A_244 {strides = array<i32>} : memref<100x144xf32, #tpu.memory_space<vmem>>, vector<1x16xf32>,
          %broadcast_in_dim3A_245 = arith.constant 4 : i32
          %broadcast_in_dim3A_246 = vector.broadcast %broadcast_in_dim3A_245 : i32 to vector<16x1xi32>
          %gather3A_247 = vector.shape_cast %broadcast_in_dim3A_246 : vector<16x1xi32> to vector<16xi32>
          %gather3A_248 = tpu.dynamic_gather %exp3A[%gather3A_247] in [0] : vector<16xf32>, vector<16xi32> -> vector<16xf32>
          %get3A_249 = arith.index_cast %scan3A_173 : i32 to index
          %get3A_250 = arith.constant 64 : index
          %get3A_251 = tpu.vector_load %arg11[%get3A_249, %get3A_250] {strides = array<i32>} : memref<100x144xf32, #tpu.memory_space<vmem>>, vector<1x16xf32>,
          %get3A_252 = vector.shape_cast %get3A_251 : vector<1x16xf32> to vector<16xf32>
          %mul3A_253 = arith.mulf %get3A_252, %gather3A_248 : vector<16xf32>
          %swap3A_254 = arith.index_cast %scan3A_173 : i32 to index
          %swap3A_255 = arith.constant 64 : index
          %swap3A_256 = tpu.vector_load %arg11[%swap3A_254, %swap3A_255] {strides = array<i32>} : memref<100x144xf32, #tpu.memory_space<vmem>>, vector<1x16xf32>,
          %swap3A_257 = vector.shape_cast %swap3A_256 : vector<1x16xf32> to vector<16xf32>
          %swap3A_258 = vector.shape_cast %mul3A_253 : vector<16xf32> to vector<1x16xf32>
          tpu.vector_store %arg11[%swap3A_254, %swap3A_255], %swap3A_258 {strides = array<i32>} : memref<100x144xf32, #tpu.memory_space<vmem>>, vector<1x16xf32>,
          %broadcast_in_dim3A_259 = arith.constant 5 : i32
          %broadcast_in_dim3A_260 = vector.broadcast %broadcast_in_dim3A_259 : i32 to vector<16x1xi32>
          %gather3A_261 = vector.shape_cast %broadcast_in_dim3A_260 : vector<16x1xi32> to vector<16xi32>
          %gather3A_262 = tpu.dynamic_gather %exp3A[%gather3A_261] in [0] : vector<16xf32>, vector<16xi32> -> vector<16xf32>
          %get3A_263 = arith.index_cast %scan3A_173 : i32 to index
          %get3A_264 = arith.constant 80 : index
          %get3A_265 = tpu.vector_load %arg11[%get3A_263, %get3A_264] {strides = array<i32>} : memref<100x144xf32, #tpu.memory_space<vmem>>, vector<1x16xf32>,
          %get3A_266 = vector.shape_cast %get3A_265 : vector<1x16xf32> to vector<16xf32>
          %mul3A_267 = arith.mulf %get3A_266, %gather3A_262 : vector<16xf32>
          %swap3A_268 = arith.index_cast %scan3A_173 : i32 to index
          %swap3A_269 = arith.constant 80 : index
          %swap3A_270 = tpu.vector_load %arg11[%swap3A_268, %swap3A_269] {strides = array<i32>} : memref<100x144xf32, #tpu.memory_space<vmem>>, vector<1x16xf32>,
          %swap3A_271 = vector.shape_cast %swap3A_270 : vector<1x16xf32> to vector<16xf32>
          %swap3A_272 = vector.shape_cast %mul3A_267 : vector<16xf32> to vector<1x16xf32>
          tpu.vector_store %arg11[%swap3A_268, %swap3A_269], %swap3A_272 {strides = array<i32>} : memref<100x144xf32, #tpu.memory_space<vmem>>, vector<1x16xf32>,
          %broadcast_in_dim3A_273 = arith.constant 6 : i32
          %broadcast_in_dim3A_274 = vector.broadcast %broadcast_in_dim3A_273 : i32 to vector<16x1xi32>
          %gather3A_275 = vector.shape_cast %broadcast_in_dim3A_274 : vector<16x1xi32> to vector<16xi32>
          %gather3A_276 = tpu.dynamic_gather %exp3A[%gather3A_275] in [0] : vector<16xf32>, vector<16xi32> -> vector<16xf32>
          %get3A_277 = arith.index_cast %scan3A_173 : i32 to index
          %get3A_278 = arith.constant 96 : index
          %get3A_279 = tpu.vector_load %arg11[%get3A_277, %get3A_278] {strides = array<i32>} : memref<100x144xf32, #tpu.memory_space<vmem>>, vector<1x16xf32>,
          %get3A_280 = vector.shape_cast %get3A_279 : vector<1x16xf32> to vector<16xf32>
          %mul3A_281 = arith.mulf %get3A_280, %gather3A_276 : vector<16xf32>
          %swap3A_282 = arith.index_cast %scan3A_173 : i32 to index
          %swap3A_283 = arith.constant 96 : index
          %swap3A_284 = tpu.vector_load %arg11[%swap3A_282, %swap3A_283] {strides = array<i32>} : memref<100x144xf32, #tpu.memory_space<vmem>>, vector<1x16xf32>,
          %swap3A_285 = vector.shape_cast %swap3A_284 : vector<1x16xf32> to vector<16xf32>
          %swap3A_286 = vector.shape_cast %mul3A_281 : vector<16xf32> to vector<1x16xf32>
          tpu.vector_store %arg11[%swap3A_282, %swap3A_283], %swap3A_286 {strides = array<i32>} : memref<100x144xf32, #tpu.memory_space<vmem>>, vector<1x16xf32>,
          %broadcast_in_dim3A_287 = arith.constant 7 : i32
          %broadcast_in_dim3A_288 = vector.broadcast %broadcast_in_dim3A_287 : i32 to vector<16x1xi32>
          %gather3A_289 = vector.shape_cast %broadcast_in_dim3A_288 : vector<16x1xi32> to vector<16xi32>
          %gather3A_290 = tpu.dynamic_gather %exp3A[%gather3A_289] in [0] : vector<16xf32>, vector<16xi32> -> vector<16xf32>
          %get3A_291 = arith.index_cast %scan3A_173 : i32 to index
          %get3A_292 = arith.constant 112 : index
          %get3A_293 = tpu.vector_load %arg11[%get3A_291, %get3A_292] {strides = array<i32>} : memref<100x144xf32, #tpu.memory_space<vmem>>, vector<1x16xf32>,
          %get3A_294 = vector.shape_cast %get3A_293 : vector<1x16xf32> to vector<16xf32>
          %mul3A_295 = arith.mulf %get3A_294, %gather3A_290 : vector<16xf32>
          %swap3A_296 = arith.index_cast %scan3A_173 : i32 to index
          %swap3A_297 = arith.constant 112 : index
          %swap3A_298 = tpu.vector_load %arg11[%swap3A_296, %swap3A_297] {strides = array<i32>} : memref<100x144xf32, #tpu.memory_space<vmem>>, vector<1x16xf32>,
          %swap3A_299 = vector.shape_cast %swap3A_298 : vector<1x16xf32> to vector<16xf32>
          %swap3A_300 = vector.shape_cast %mul3A_295 : vector<16xf32> to vector<1x16xf32>
          tpu.vector_store %arg11[%swap3A_296, %swap3A_297], %swap3A_300 {strides = array<i32>} : memref<100x144xf32, #tpu.memory_space<vmem>>, vector<1x16xf32>,
        }
        %scan3A_123 = arith.constant 100 : i32
        %add3A_124 = arith.constant 0 : i32
        %add3A_125 = arith.addi %mul3A_77, %add3A_124 : i32
        %dma_start3A_126 = arith.constant 0 : i32
        %dma_start3A_127 = arith.constant 0 : i32
        %dma_start3A_128 = tpu.memref_slice %arg11[%dma_start3A_126, %dma_start3A_127] : memref<100x144xf32, #tpu.memory_space<vmem>> -> memref<100x144xf32, #tpu.memory_space<vmem>>
        %dma_start3A_129 = arith.constant 0 : i32
        %dma_start3A_130 = tpu.memref_slice %arg9[%add3A_125, %dma_start3A_129] : memref<20x100xi32, #tpu.memory_space<vmem>> -> memref<1x100xi32, #tpu.memory_space<vmem>>
        %dma_start3A_131 = tpu.memref_squeeze %dma_start3A_130 : memref<1x100xi32, #tpu.memory_space<vmem>> -> memref<100xi32, #tpu.memory_space<vmem>>
        %dma_start3A_132 = arith.constant 0 : i32
        %dma_start3A_133 = arith.constant 0 : i32
        %dma_start3A_134 = tpu.memref_slice %arg15[%dma_start3A_132, %dma_start3A_133] : memref<10000x144xf32, #tpu.memory_space<vmem_shared>> -> memref<10000x144xf32, #tpu.memory_space<vmem_shared>>
        tpu.enqueue_indirect_dma source(%dma_start3A_128 : memref<100x144xf32, #tpu.memory_space<vmem>>) target(%dma_start3A_134 : memref<10000x144xf32, #tpu.memory_space<vmem_shared>>) offsets(%dma_start3A_131 : memref<100xi32, #tpu.memory_space<vmem>>) semaphore(%arg18 : memref<!tpu.dma_semaphore, #tpu.memory_space<semaphore_mem>>) {add = true}
        %dma_wait3A_135 = arith.constant 0 : i32
        %dma_wait3A_136 = arith.constant 0 : i32
        %dma_wait3A_137 = tpu.memref_slice %arg4[%dma_wait3A_135, %dma_wait3A_136] : memref<10000x144xf32, #tpu.memory_space<hbm>> -> memref<100x144xf32, #tpu.memory_space<hbm>>
        %dma_wait3A_138 = arith.constant 0 : i32
        %dma_wait3A_139 = arith.constant 0 : i32
        %dma_wait3A_140 = tpu.memref_slice %arg4[%dma_wait3A_138, %dma_wait3A_139] : memref<10000x144xf32, #tpu.memory_space<hbm>> -> memref<100x144xf32, #tpu.memory_space<hbm>>
        tpu.wait_dma2 semaphore(%arg17 : memref<!tpu.dma_semaphore, #tpu.memory_space<semaphore_mem>>) src(%dma_wait3A_140 : memref<100x144xf32, #tpu.memory_space<hbm>>) dst(%arg13 : memref<100x144xf32, #tpu.memory_space<vmem>>)
        %dma_wait3A_141 = arith.constant 0 : i32
        %dma_wait3A_142 = arith.constant 0 : i32
        %dma_wait3A_143 = tpu.memref_slice %arg5[%dma_wait3A_141, %dma_wait3A_142] : memref<10000x16xf32, #tpu.memory_space<hbm>> -> memref<100x16xf32, #tpu.memory_space<hbm>>
        %dma_wait3A_144 = arith.constant 0 : i32
        %dma_wait3A_145 = arith.constant 0 : i32
        %dma_wait3A_146 = tpu.memref_slice %arg5[%dma_wait3A_144, %dma_wait3A_145] : memref<10000x16xf32, #tpu.memory_space<hbm>> -> memref<100x16xf32, #tpu.memory_space<hbm>>
        tpu.wait_dma2 semaphore(%arg17 : memref<!tpu.dma_semaphore, #tpu.memory_space<semaphore_mem>>) src(%dma_wait3A_146 : memref<100x16xf32, #tpu.memory_space<hbm>>) dst(%arg12 : memref<100x16xf32, #tpu.memory_space<vmem>>)
        %scan3A_147 = arith.constant 0 : i32
        %scan3A_148 = arith.constant 100 : i32
        %scan3A_149 = arith.addi %scan3A_147, %scan3A_148 : i32
        %scan3A_150 = arith.constant 1 : i32
        scf.for %scan3A_173 = %scan3A_147 to %scan3A_149 step %scan3A_150  : i32 {
          %get3A_174 = arith.index_cast %scan3A_173 : i32 to index
          %get3A_175 = arith.constant 128 : index
          %get3A_176 = tpu.vector_load %arg13[%get3A_174, %get3A_175] {strides = array<i32>} : memref<100x144xf32, #tpu.memory_space<vmem>>, vector<1x16xf32>,
          %get3A_177 = vector.shape_cast %get3A_176 : vector<1x16xf32> to vector<16xf32>
          %get3A_178 = arith.index_cast %scan3A_173 : i32 to index
          %get3A_179 = arith.constant 0 : index
          %get3A_180 = tpu.vector_load %arg12[%get3A_178, %get3A_179] {strides = array<i32>} : memref<100x16xf32, #tpu.memory_space<vmem>>, vector<1x16xf32>,
          %get3A_181 = vector.shape_cast %get3A_180 : vector<1x16xf32> to vector<16xf32>
          %add3A_182 = arith.addf %get3A_177, %get3A_181 : vector<16xf32>
          %mul3A_183 = arith.constant 2.000000e-01 : f32
          %mul3A_184 = vector.broadcast %mul3A_183 : f32 to vector<16xf32>
          %mul3A_185 = arith.mulf %mul3A_184, %add3A_182 : vector<16xf32>
          %max3A = arith.maximumf %add3A_182, %mul3A_185 : vector<16xf32>
          %sub3A_186 = arith.subf %max3A, %get3A_20 : vector<16xf32>
          %exp3A = math.exp %sub3A_186 : vector<16xf32>
          %swap3A = arith.index_cast %scan3A_173 : i32 to index
          %swap3A_187 = arith.constant 128 : index
          %swap3A_188 = tpu.vector_load %arg13[%swap3A, %swap3A_187] {strides = array<i32>} : memref<100x144xf32, #tpu.memory_space<vmem>>, vector<1x16xf32>,
          %swap3A_189 = vector.shape_cast %swap3A_188 : vector<1x16xf32> to vector<16xf32>
          %swap3A_190 = vector.shape_cast %exp3A : vector<16xf32> to vector<1x16xf32>
          tpu.vector_store %arg13[%swap3A, %swap3A_187], %swap3A_190 {strides = array<i32>} : memref<100x144xf32, #tpu.memory_space<vmem>>, vector<1x16xf32>,
          %broadcast_in_dim3A = arith.constant 0 : i32
          %broadcast_in_dim3A_191 = vector.broadcast %broadcast_in_dim3A : i32 to vector<16x1xi32>
          %gather3A = vector.shape_cast %broadcast_in_dim3A_191 : vector<16x1xi32> to vector<16xi32>
          %gather3A_192 = tpu.dynamic_gather %exp3A[%gather3A] in [0] : vector<16xf32>, vector<16xi32> -> vector<16xf32>
          %get3A_193 = arith.index_cast %scan3A_173 : i32 to index
          %get3A_194 = arith.constant 0 : index
          %get3A_195 = tpu.vector_load %arg13[%get3A_193, %get3A_194] {strides = array<i32>} : memref<100x144xf32, #tpu.memory_space<vmem>>, vector<1x16xf32>,
          %get3A_196 = vector.shape_cast %get3A_195 : vector<1x16xf32> to vector<16xf32>
          %mul3A_197 = arith.mulf %get3A_196, %gather3A_192 : vector<16xf32>
          %swap3A_198 = arith.index_cast %scan3A_173 : i32 to index
          %swap3A_199 = arith.constant 0 : index
          %swap3A_200 = tpu.vector_load %arg13[%swap3A_198, %swap3A_199] {strides = array<i32>} : memref<100x144xf32, #tpu.memory_space<vmem>>, vector<1x16xf32>,
          %swap3A_201 = vector.shape_cast %swap3A_200 : vector<1x16xf32> to vector<16xf32>
          %swap3A_202 = vector.shape_cast %mul3A_197 : vector<16xf32> to vector<1x16xf32>
          tpu.vector_store %arg13[%swap3A_198, %swap3A_199], %swap3A_202 {strides = array<i32>} : memref<100x144xf32, #tpu.memory_space<vmem>>, vector<1x16xf32>,
          %broadcast_in_dim3A_203 = arith.constant 1 : i32
          %broadcast_in_dim3A_204 = vector.broadcast %broadcast_in_dim3A_203 : i32 to vector<16x1xi32>
          %gather3A_205 = vector.shape_cast %broadcast_in_dim3A_204 : vector<16x1xi32> to vector<16xi32>
          %gather3A_206 = tpu.dynamic_gather %exp3A[%gather3A_205] in [0] : vector<16xf32>, vector<16xi32> -> vector<16xf32>
          %get3A_207 = arith.index_cast %scan3A_173 : i32 to index
          %get3A_208 = arith.constant 16 : index
          %get3A_209 = tpu.vector_load %arg13[%get3A_207, %get3A_208] {strides = array<i32>} : memref<100x144xf32, #tpu.memory_space<vmem>>, vector<1x16xf32>,
          %get3A_210 = vector.shape_cast %get3A_209 : vector<1x16xf32> to vector<16xf32>
          %mul3A_211 = arith.mulf %get3A_210, %gather3A_206 : vector<16xf32>
          %swap3A_212 = arith.index_cast %scan3A_173 : i32 to index
          %swap3A_213 = arith.constant 16 : index
          %swap3A_214 = tpu.vector_load %arg13[%swap3A_212, %swap3A_213] {strides = array<i32>} : memref<100x144xf32, #tpu.memory_space<vmem>>, vector<1x16xf32>,
          %swap3A_215 = vector.shape_cast %swap3A_214 : vector<1x16xf32> to vector<16xf32>
          %swap3A_216 = vector.shape_cast %mul3A_211 : vector<16xf32> to vector<1x16xf32>
          tpu.vector_store %arg13[%swap3A_212, %swap3A_213], %swap3A_216 {strides = array<i32>} : memref<100x144xf32, #tpu.memory_space<vmem>>, vector<1x16xf32>,
          %broadcast_in_dim3A_217 = arith.constant 2 : i32
          %broadcast_in_dim3A_218 = vector.broadcast %broadcast_in_dim3A_217 : i32 to vector<16x1xi32>
          %gather3A_219 = vector.shape_cast %broadcast_in_dim3A_218 : vector<16x1xi32> to vector<16xi32>
          %gather3A_220 = tpu.dynamic_gather %exp3A[%gather3A_219] in [0] : vector<16xf32>, vector<16xi32> -> vector<16xf32>
          %get3A_221 = arith.index_cast %scan3A_173 : i32 to index
          %get3A_222 = arith.constant 32 : index
          %get3A_223 = tpu.vector_load %arg13[%get3A_221, %get3A_222] {strides = array<i32>} : memref<100x144xf32, #tpu.memory_space<vmem>>, vector<1x16xf32>,
          %get3A_224 = vector.shape_cast %get3A_223 : vector<1x16xf32> to vector<16xf32>
          %mul3A_225 = arith.mulf %get3A_224, %gather3A_220 : vector<16xf32>
          %swap3A_226 = arith.index_cast %scan3A_173 : i32 to index
          %swap3A_227 = arith.constant 32 : index
          %swap3A_228 = tpu.vector_load %arg13[%swap3A_226, %swap3A_227] {strides = array<i32>} : memref<100x144xf32, #tpu.memory_space<vmem>>, vector<1x16xf32>,
          %swap3A_229 = vector.shape_cast %swap3A_228 : vector<1x16xf32> to vector<16xf32>
          %swap3A_230 = vector.shape_cast %mul3A_225 : vector<16xf32> to vector<1x16xf32>
          tpu.vector_store %arg13[%swap3A_226, %swap3A_227], %swap3A_230 {strides = array<i32>} : memref<100x144xf32, #tpu.memory_space<vmem>>, vector<1x16xf32>,
          %broadcast_in_dim3A_231 = arith.constant 3 : i32
          %broadcast_in_dim3A_232 = vector.broadcast %broadcast_in_dim3A_231 : i32 to vector<16x1xi32>
          %gather3A_233 = vector.shape_cast %broadcast_in_dim3A_232 : vector<16x1xi32> to vector<16xi32>
          %gather3A_234 = tpu.dynamic_gather %exp3A[%gather3A_233] in [0] : vector<16xf32>, vector<16xi32> -> vector<16xf32>
          %get3A_235 = arith.index_cast %scan3A_173 : i32 to index
          %get3A_236 = arith.constant 48 : index
          %get3A_237 = tpu.vector_load %arg13[%get3A_235, %get3A_236] {strides = array<i32>} : memref<100x144xf32, #tpu.memory_space<vmem>>, vector<1x16xf32>,
          %get3A_238 = vector.shape_cast %get3A_237 : vector<1x16xf32> to vector<16xf32>
          %mul3A_239 = arith.mulf %get3A_238, %gather3A_234 : vector<16xf32>
          %swap3A_240 = arith.index_cast %scan3A_173 : i32 to index
          %swap3A_241 = arith.constant 48 : index
          %swap3A_242 = tpu.vector_load %arg13[%swap3A_240, %swap3A_241] {strides = array<i32>} : memref<100x144xf32, #tpu.memory_space<vmem>>, vector<1x16xf32>,
          %swap3A_243 = vector.shape_cast %swap3A_242 : vector<1x16xf32> to vector<16xf32>
          %swap3A_244 = vector.shape_cast %mul3A_239 : vector<16xf32> to vector<1x16xf32>
          tpu.vector_store %arg13[%swap3A_240, %swap3A_241], %swap3A_244 {strides = array<i32>} : memref<100x144xf32, #tpu.memory_space<vmem>>, vector<1x16xf32>,
          %broadcast_in_dim3A_245 = arith.constant 4 : i32
          %broadcast_in_dim3A_246 = vector.broadcast %broadcast_in_dim3A_245 : i32 to vector<16x1xi32>
          %gather3A_247 = vector.shape_cast %broadcast_in_dim3A_246 : vector<16x1xi32> to vector<16xi32>
          %gather3A_248 = tpu.dynamic_gather %exp3A[%gather3A_247] in [0] : vector<16xf32>, vector<16xi32> -> vector<16xf32>
          %get3A_249 = arith.index_cast %scan3A_173 : i32 to index
          %get3A_250 = arith.constant 64 : index
          %get3A_251 = tpu.vector_load %arg13[%get3A_249, %get3A_250] {strides = array<i32>} : memref<100x144xf32, #tpu.memory_space<vmem>>, vector<1x16xf32>,
          %get3A_252 = vector.shape_cast %get3A_251 : vector<1x16xf32> to vector<16xf32>
          %mul3A_253 = arith.mulf %get3A_252, %gather3A_248 : vector<16xf32>
          %swap3A_254 = arith.index_cast %scan3A_173 : i32 to index
          %swap3A_255 = arith.constant 64 : index
          %swap3A_256 = tpu.vector_load %arg13[%swap3A_254, %swap3A_255] {strides = array<i32>} : memref<100x144xf32, #tpu.memory_space<vmem>>, vector<1x16xf32>,
          %swap3A_257 = vector.shape_cast %swap3A_256 : vector<1x16xf32> to vector<16xf32>
          %swap3A_258 = vector.shape_cast %mul3A_253 : vector<16xf32> to vector<1x16xf32>
          tpu.vector_store %arg13[%swap3A_254, %swap3A_255], %swap3A_258 {strides = array<i32>} : memref<100x144xf32, #tpu.memory_space<vmem>>, vector<1x16xf32>,
          %broadcast_in_dim3A_259 = arith.constant 5 : i32
          %broadcast_in_dim3A_260 = vector.broadcast %broadcast_in_dim3A_259 : i32 to vector<16x1xi32>
          %gather3A_261 = vector.shape_cast %broadcast_in_dim3A_260 : vector<16x1xi32> to vector<16xi32>
          %gather3A_262 = tpu.dynamic_gather %exp3A[%gather3A_261] in [0] : vector<16xf32>, vector<16xi32> -> vector<16xf32>
          %get3A_263 = arith.index_cast %scan3A_173 : i32 to index
          %get3A_264 = arith.constant 80 : index
          %get3A_265 = tpu.vector_load %arg13[%get3A_263, %get3A_264] {strides = array<i32>} : memref<100x144xf32, #tpu.memory_space<vmem>>, vector<1x16xf32>,
          %get3A_266 = vector.shape_cast %get3A_265 : vector<1x16xf32> to vector<16xf32>
          %mul3A_267 = arith.mulf %get3A_266, %gather3A_262 : vector<16xf32>
          %swap3A_268 = arith.index_cast %scan3A_173 : i32 to index
          %swap3A_269 = arith.constant 80 : index
          %swap3A_270 = tpu.vector_load %arg13[%swap3A_268, %swap3A_269] {strides = array<i32>} : memref<100x144xf32, #tpu.memory_space<vmem>>, vector<1x16xf32>,
          %swap3A_271 = vector.shape_cast %swap3A_270 : vector<1x16xf32> to vector<16xf32>
          %swap3A_272 = vector.shape_cast %mul3A_267 : vector<16xf32> to vector<1x16xf32>
          tpu.vector_store %arg13[%swap3A_268, %swap3A_269], %swap3A_272 {strides = array<i32>} : memref<100x144xf32, #tpu.memory_space<vmem>>, vector<1x16xf32>,
          %broadcast_in_dim3A_273 = arith.constant 6 : i32
          %broadcast_in_dim3A_274 = vector.broadcast %broadcast_in_dim3A_273 : i32 to vector<16x1xi32>
          %gather3A_275 = vector.shape_cast %broadcast_in_dim3A_274 : vector<16x1xi32> to vector<16xi32>
          %gather3A_276 = tpu.dynamic_gather %exp3A[%gather3A_275] in [0] : vector<16xf32>, vector<16xi32> -> vector<16xf32>
          %get3A_277 = arith.index_cast %scan3A_173 : i32 to index
          %get3A_278 = arith.constant 96 : index
          %get3A_279 = tpu.vector_load %arg13[%get3A_277, %get3A_278] {strides = array<i32>} : memref<100x144xf32, #tpu.memory_space<vmem>>, vector<1x16xf32>,
          %get3A_280 = vector.shape_cast %get3A_279 : vector<1x16xf32> to vector<16xf32>
          %mul3A_281 = arith.mulf %get3A_280, %gather3A_276 : vector<16xf32>
          %swap3A_282 = arith.index_cast %scan3A_173 : i32 to index
          %swap3A_283 = arith.constant 96 : index
          %swap3A_284 = tpu.vector_load %arg13[%swap3A_282, %swap3A_283] {strides = array<i32>} : memref<100x144xf32, #tpu.memory_space<vmem>>, vector<1x16xf32>,
          %swap3A_285 = vector.shape_cast %swap3A_284 : vector<1x16xf32> to vector<16xf32>
          %swap3A_286 = vector.shape_cast %mul3A_281 : vector<16xf32> to vector<1x16xf32>
          tpu.vector_store %arg13[%swap3A_282, %swap3A_283], %swap3A_286 {strides = array<i32>} : memref<100x144xf32, #tpu.memory_space<vmem>>, vector<1x16xf32>,
          %broadcast_in_dim3A_287 = arith.constant 7 : i32
          %broadcast_in_dim3A_288 = vector.broadcast %broadcast_in_dim3A_287 : i32 to vector<16x1xi32>
          %gather3A_289 = vector.shape_cast %broadcast_in_dim3A_288 : vector<16x1xi32> to vector<16xi32>
          %gather3A_290 = tpu.dynamic_gather %exp3A[%gather3A_289] in [0] : vector<16xf32>, vector<16xi32> -> vector<16xf32>
          %get3A_291 = arith.index_cast %scan3A_173 : i32 to index
          %get3A_292 = arith.constant 112 : index
          %get3A_293 = tpu.vector_load %arg13[%get3A_291, %get3A_292] {strides = array<i32>} : memref<100x144xf32, #tpu.memory_space<vmem>>, vector<1x16xf32>,
          %get3A_294 = vector.shape_cast %get3A_293 : vector<1x16xf32> to vector<16xf32>
          %mul3A_295 = arith.mulf %get3A_294, %gather3A_290 : vector<16xf32>
          %swap3A_296 = arith.index_cast %scan3A_173 : i32 to index
          %swap3A_297 = arith.constant 112 : index
          %swap3A_298 = tpu.vector_load %arg13[%swap3A_296, %swap3A_297] {strides = array<i32>} : memref<100x144xf32, #tpu.memory_space<vmem>>, vector<1x16xf32>,
          %swap3A_299 = vector.shape_cast %swap3A_298 : vector<1x16xf32> to vector<16xf32>
          %swap3A_300 = vector.shape_cast %mul3A_295 : vector<16xf32> to vector<1x16xf32>
          tpu.vector_store %arg13[%swap3A_296, %swap3A_297], %swap3A_300 {strides = array<i32>} : memref<100x144xf32, #tpu.memory_space<vmem>>, vector<1x16xf32>,
        }
        %scan3A_151 = arith.constant 100 : i32
        %dma_wait3A_152 = arith.constant 0 : i32
        %dma_wait3A_153 = arith.constant 0 : i32
        %dma_wait3A_154 = tpu.memref_slice %arg4[%dma_wait3A_152, %dma_wait3A_153] : memref<10000x144xf32, #tpu.memory_space<hbm>> -> memref<100x144xf32, #tpu.memory_space<hbm>>
        %dma_wait3A_155 = arith.constant 0 : i32
        %dma_wait3A_156 = arith.constant 0 : i32
        %dma_wait3A_157 = tpu.memref_slice %arg4[%dma_wait3A_155, %dma_wait3A_156] : memref<10000x144xf32, #tpu.memory_space<hbm>> -> memref<100x144xf32, #tpu.memory_space<hbm>>
        tpu.wait_dma2 semaphore(%arg18 : memref<!tpu.dma_semaphore, #tpu.memory_space<semaphore_mem>>) src(%dma_wait3A_157 : memref<100x144xf32, #tpu.memory_space<hbm>>) dst(%arg11 : memref<100x144xf32, #tpu.memory_space<vmem>>)
        %lt3A = arith.constant 9 : i32
        %lt3A_158 = arith.cmpi slt, %scan3A_73, %lt3A : i32
        %convert_element_type3A_159 = arith.extui %lt3A_158 : i1 to i32
        %cond3A_160 = arith.constant 0 : i32
        %cond3A_161 = arith.cmpi ne, %convert_element_type3A_159, %cond3A_160 : i32
        scf.if %cond3A_161 {
          %add3A_173 = arith.constant 1 : i32
          %add3A_174 = arith.addi %add3A_79, %add3A_173 : i32
          %add3A_175 = arith.constant 0 : i32
          %add3A_176 = arith.addi %add3A_174, %add3A_175 : i32
          %dma_start3A_177 = arith.constant 0 : i32
          %dma_start3A_178 = arith.constant 0 : i32
          %dma_start3A_179 = tpu.memref_slice %arg11[%dma_start3A_177, %dma_start3A_178] : memref<100x144xf32, #tpu.memory_space<vmem>> -> memref<100x144xf32, #tpu.memory_space<vmem>>
          %dma_start3A_180 = arith.constant 0 : i32
          %dma_start3A_181 = tpu.memref_slice %arg8[%add3A_176, %dma_start3A_180] : memref<20x100xi32, #tpu.memory_space<vmem>> -> memref<1x100xi32, #tpu.memory_space<vmem>>
          %dma_start3A_182 = tpu.memref_squeeze %dma_start3A_181 : memref<1x100xi32, #tpu.memory_space<vmem>> -> memref<100xi32, #tpu.memory_space<vmem>>
          %dma_start3A_183 = arith.constant 0 : i32
          %dma_start3A_184 = arith.constant 0 : i32
          %dma_start3A_185 = tpu.memref_slice %arg4[%dma_start3A_183, %dma_start3A_184] : memref<10000x144xf32, #tpu.memory_space<hbm>> -> memref<10000x144xf32, #tpu.memory_space<hbm>>
          tpu.enqueue_indirect_dma source(%dma_start3A_185 : memref<10000x144xf32, #tpu.memory_space<hbm>>) target(%dma_start3A_179 : memref<100x144xf32, #tpu.memory_space<vmem>>) offsets(%dma_start3A_182 : memref<100xi32, #tpu.memory_space<vmem>>) semaphore(%arg16 : memref<!tpu.dma_semaphore, #tpu.memory_space<semaphore_mem>>)
          %add3A_186 = arith.constant 0 : i32
          %add3A_187 = arith.addi %add3A_174, %add3A_186 : i32
          %dma_start3A_188 = arith.constant 0 : i32
          %dma_start3A_189 = arith.constant 0 : i32
          %dma_start3A_190 = tpu.memref_slice %arg10[%dma_start3A_188, %dma_start3A_189] : memref<100x16xf32, #tpu.memory_space<vmem>> -> memref<100x16xf32, #tpu.memory_space<vmem>>
          %dma_start3A_191 = arith.constant 0 : i32
          %dma_start3A_192 = tpu.memref_slice %arg9[%add3A_187, %dma_start3A_191] : memref<20x100xi32, #tpu.memory_space<vmem>> -> memref<1x100xi32, #tpu.memory_space<vmem>>
          %dma_start3A_193 = tpu.memref_squeeze %dma_start3A_192 : memref<1x100xi32, #tpu.memory_space<vmem>> -> memref<100xi32, #tpu.memory_space<vmem>>
          %dma_start3A_194 = arith.constant 0 : i32
          %dma_start3A_195 = arith.constant 0 : i32
          %dma_start3A_196 = tpu.memref_slice %arg5[%dma_start3A_194, %dma_start3A_195] : memref<10000x16xf32, #tpu.memory_space<hbm>> -> memref<10000x16xf32, #tpu.memory_space<hbm>>
          tpu.enqueue_indirect_dma source(%dma_start3A_196 : memref<10000x16xf32, #tpu.memory_space<hbm>>) target(%dma_start3A_190 : memref<100x16xf32, #tpu.memory_space<vmem>>) offsets(%dma_start3A_193 : memref<100xi32, #tpu.memory_space<vmem>>) semaphore(%arg16 : memref<!tpu.dma_semaphore, #tpu.memory_space<semaphore_mem>>)
        } else {
        }
        %add3A_162 = arith.constant 0 : i32
        %add3A_163 = arith.addi %add3A_79, %add3A_162 : i32
        %dma_start3A_164 = arith.constant 0 : i32
        %dma_start3A_165 = arith.constant 0 : i32
        %dma_start3A_166 = tpu.memref_slice %arg13[%dma_start3A_164, %dma_start3A_165] : memref<100x144xf32, #tpu.memory_space<vmem>> -> memref<100x144xf32, #tpu.memory_space<vmem>>
        %dma_start3A_167 = arith.constant 0 : i32
        %dma_start3A_168 = tpu.memref_slice %arg9[%add3A_163, %dma_start3A_167] : memref<20x100xi32, #tpu.memory_space<vmem>> -> memref<1x100xi32, #tpu.memory_space<vmem>>
        %dma_start3A_169 = tpu.memref_squeeze %dma_start3A_168 : memref<1x100xi32, #tpu.memory_space<vmem>> -> memref<100xi32, #tpu.memory_space<vmem>>
        %dma_start3A_170 = arith.constant 0 : i32
        %dma_start3A_171 = arith.constant 0 : i32
        %dma_start3A_172 = tpu.memref_slice %arg15[%dma_start3A_170, %dma_start3A_171] : memref<10000x144xf32, #tpu.memory_space<vmem_shared>> -> memref<10000x144xf32, #tpu.memory_space<vmem_shared>>
        tpu.enqueue_indirect_dma source(%dma_start3A_166 : memref<100x144xf32, #tpu.memory_space<vmem>>) target(%dma_start3A_172 : memref<10000x144xf32, #tpu.memory_space<vmem_shared>>) offsets(%dma_start3A_169 : memref<100xi32, #tpu.memory_space<vmem>>) semaphore(%arg19 : memref<!tpu.dma_semaphore, #tpu.memory_space<semaphore_mem>>) {add = true}
      }
      %scan3A_72 = arith.constant 10 : i32
    }
    %scan3A_25 = arith.constant 5 : i32
    %dma_wait3A = arith.constant 0 : i32
    %dma_wait3A_26 = arith.constant 0 : i32
    %dma_wait3A_27 = tpu.memref_slice %arg4[%dma_wait3A, %dma_wait3A_26] : memref<10000x144xf32, #tpu.memory_space<hbm>> -> memref<100x144xf32, #tpu.memory_space<hbm>>
    %dma_wait3A_28 = arith.constant 0 : i32
    %dma_wait3A_29 = arith.constant 0 : i32
    %dma_wait3A_30 = tpu.memref_slice %arg4[%dma_wait3A_28, %dma_wait3A_29] : memref<10000x144xf32, #tpu.memory_space<hbm>> -> memref<100x144xf32, #tpu.memory_space<hbm>>
    tpu.wait_dma2 semaphore(%arg19 : memref<!tpu.dma_semaphore, #tpu.memory_space<semaphore_mem>>) src(%dma_wait3A_30 : memref<100x144xf32, #tpu.memory_space<hbm>>) dst(%arg13 : memref<100x144xf32, #tpu.memory_space<vmem>>)
    %barrier3A_31 = arith.constant 0 : index
    tpu.barrier barrier_id(%barrier3A_31)
    "tpu.region"() ({
      %run_scoped3A = tpu.sem_alloc : memref<!tpu.dma_semaphore, #tpu.memory_space<semaphore_mem>>
      %dma_start3A = arith.constant 0 : i32
      %dma_start3A_37 = tpu.memref_slice %arg7[%arg0, %mul3A_7, %dma_start3A] : memref<2x10000x144xf32, #tpu.memory_space<hbm>> -> memref<1x624x144xf32, #tpu.memory_space<hbm>>
      %dma_start3A_38 = tpu.memref_squeeze %dma_start3A_37 : memref<1x624x144xf32, #tpu.memory_space<hbm>> -> memref<624x144xf32, #tpu.memory_space<hbm>>
      %dma_start3A_39 = arith.constant 0 : i32
      %dma_start3A_40 = tpu.memref_slice %arg15[%mul3A_7, %dma_start3A_39] : memref<10000x144xf32, #tpu.memory_space<vmem_shared>> -> memref<624x144xf32, #tpu.memory_space<vmem_shared>>
      tpu.enqueue_dma source(%dma_start3A_40 : memref<624x144xf32, #tpu.memory_space<vmem_shared>>) target(%dma_start3A_38 : memref<624x144xf32, #tpu.memory_space<hbm>>) target_semaphore(%run_scoped3A : memref<!tpu.dma_semaphore, #tpu.memory_space<semaphore_mem>>)
      %dma_wait3A_41 = arith.constant 0 : i32
      %dma_wait3A_42 = tpu.memref_slice %arg7[%arg0, %mul3A_7, %dma_wait3A_41] : memref<2x10000x144xf32, #tpu.memory_space<hbm>> -> memref<1x624x144xf32, #tpu.memory_space<hbm>>
      %dma_wait3A_43 = tpu.memref_squeeze %dma_wait3A_42 : memref<1x624x144xf32, #tpu.memory_space<hbm>> -> memref<624x144xf32, #tpu.memory_space<hbm>>
      %dma_wait3A_44 = arith.constant 0 : i32
      %dma_wait3A_45 = tpu.memref_slice %arg15[%mul3A_7, %dma_wait3A_44] : memref<10000x144xf32, #tpu.memory_space<vmem_shared>> -> memref<624x144xf32, #tpu.memory_space<vmem_shared>>
      tpu.wait_dma2 semaphore(%run_scoped3A : memref<!tpu.dma_semaphore, #tpu.memory_space<semaphore_mem>>) src(%dma_wait3A_45 : memref<624x144xf32, #tpu.memory_space<vmem_shared>>) dst(%dma_wait3A_43 : memref<624x144xf32, #tpu.memory_space<hbm>>)
      tpu.yield
    }) : () -> ()
    %eq3A_32 = arith.constant 15 : i32
    %eq3A_33 = arith.cmpi eq, %arg1, %eq3A_32 : i32
    %convert_element_type3A_34 = arith.extui %eq3A_33 : i1 to i32
    %cond3A_35 = arith.constant 0 : i32
    %cond3A_36 = arith.cmpi ne, %convert_element_type3A_34, %cond3A_35 : i32
    scf.if %cond3A_36 {
      "tpu.region"() ({
        %run_scoped3A = tpu.sem_alloc : memref<!tpu.dma_semaphore, #tpu.memory_space<semaphore_mem>>
        %dma_start3A = arith.constant 9984 : i32
        %dma_start3A_37 = arith.constant 0 : i32
        %dma_start3A_38 = tpu.memref_slice %arg7[%arg0, %dma_start3A, %dma_start3A_37] : memref<2x10000x144xf32, #tpu.memory_space<hbm>> -> memref<1x16x144xf32, #tpu.memory_space<hbm>>
        %dma_start3A_39 = tpu.memref_squeeze %dma_start3A_38 : memref<1x16x144xf32, #tpu.memory_space<hbm>> -> memref<16x144xf32, #tpu.memory_space<hbm>>
        %dma_start3A_40 = arith.constant 9984 : i32
        %dma_start3A_41 = arith.constant 0 : i32
        %dma_start3A_42 = tpu.memref_slice %arg15[%dma_start3A_40, %dma_start3A_41] : memref<10000x144xf32, #tpu.memory_space<vmem_shared>> -> memref<16x144xf32, #tpu.memory_space<vmem_shared>>
        tpu.enqueue_dma source(%dma_start3A_42 : memref<16x144xf32, #tpu.memory_space<vmem_shared>>) target(%dma_start3A_39 : memref<16x144xf32, #tpu.memory_space<hbm>>) target_semaphore(%run_scoped3A : memref<!tpu.dma_semaphore, #tpu.memory_space<semaphore_mem>>)
        %dma_wait3A_43 = arith.constant 9984 : i32
        %dma_wait3A_44 = arith.constant 0 : i32
        %dma_wait3A_45 = tpu.memref_slice %arg7[%arg0, %dma_wait3A_43, %dma_wait3A_44] : memref<2x10000x144xf32, #tpu.memory_space<hbm>> -> memref<1x16x144xf32, #tpu.memory_space<hbm>>
        %dma_wait3A_46 = tpu.memref_squeeze %dma_wait3A_45 : memref<1x16x144xf32, #tpu.memory_space<hbm>> -> memref<16x144xf32, #tpu.memory_space<hbm>>
        %dma_wait3A_47 = arith.constant 9984 : i32
        %dma_wait3A_48 = arith.constant 0 : i32
        %dma_wait3A_49 = tpu.memref_slice %arg15[%dma_wait3A_47, %dma_wait3A_48] : memref<10000x144xf32, #tpu.memory_space<vmem_shared>> -> memref<16x144xf32, #tpu.memory_space<vmem_shared>>
        tpu.wait_dma2 semaphore(%run_scoped3A : memref<!tpu.dma_semaphore, #tpu.memory_space<semaphore_mem>>) src(%dma_wait3A_49 : memref<16x144xf32, #tpu.memory_space<vmem_shared>>) dst(%dma_wait3A_46 : memref<16x144xf32, #tpu.memory_space<hbm>>)
        tpu.yield
      }) : () -> ()
    } else {
    }
    return
  }
}

module attributes {stable_mosaic.version = 14 : i64} {
  func.func @_tc1_body(%arg0: i32, %arg1: memref<1000x128xf32, #tpu.memory_space<vmem>>, %arg2: memref<128x128xf32, #tpu.memory_space<vmem>>, %arg3: memref<128x16xf32, #tpu.memory_space<vmem>>, %arg4: memref<128x16xf32, #tpu.memory_space<vmem>>, %arg5: memref<1x16xf32, #tpu.memory_space<vmem>>, %arg6: memref<1000x144xf32, #tpu.memory_space<vmem>>, %arg7: memref<1000x16xf32, #tpu.memory_space<vmem>>, %arg8: memref<1x16xf32, #tpu.memory_space<vmem>>, %arg9: memref<1x16xf32, #tpu.memory_space<vmem>>) attributes {dimension_semantics = [#tpu.dimension_semantics<arbitrary>], iteration_bounds = array<i64: 10>, scalar_prefetch = 0 : i64, scratch_operands = 0 : i64, tpu.core_type = #tpu.core_type<tc>, window_params = [{transform_indices = @transform_0, window_bounds = array<i64: 1000, 128>}, {pipeline_mode = #tpu.pipeline_mode<synchronous>, transform_indices = @transform_1, window_bounds = array<i64: 128, 128>}, {pipeline_mode = #tpu.pipeline_mode<synchronous>, transform_indices = @transform_2, window_bounds = array<i64: 128, 16>}, {pipeline_mode = #tpu.pipeline_mode<synchronous>, transform_indices = @transform_3, window_bounds = array<i64: 128, 16>}, {pipeline_mode = #tpu.pipeline_mode<synchronous>, transform_indices = @transform_4, window_bounds = array<i64: 1, 16>}, {transform_indices = @transform_5, window_bounds = array<i64: 1000, 144>}, {transform_indices = @transform_6, window_bounds = array<i64: 1000, 16>}, {pipeline_mode = #tpu.pipeline_mode<synchronous>, transform_indices = @transform_7, window_bounds = array<i64: 1, 16>}, {pipeline_mode = #tpu.pipeline_mode<synchronous>, transform_indices = @transform_8, window_bounds = array<i64: 1, 16>}]} {
    %get3A = arith.constant 0 : index
    %get3A_0 = arith.constant 0 : index
    %get3A_1 = vector.load %arg1[%get3A, %get3A_0] : memref<1000x128xf32, #tpu.memory_space<vmem>>, vector<1000x128xf32>
    %get3A_2 = arith.constant 0 : index
    %get3A_3 = arith.constant 0 : index
    %get3A_4 = vector.load %arg2[%get3A_2, %get3A_3] : memref<128x128xf32, #tpu.memory_space<vmem>>, vector<128x128xf32>
    %dot_general3A = arith.constant dense<0.000000e+00> : vector<1000x128xf32>
    %dot_general3A_5 = tpu.matmul %get3A_1, %get3A_4, %dot_general3A {dimension_numbers = #tpu.dot_dimension_numbers<[1], [0], [0], [1], [0, 0, 1, 1], [], []>, transpose_lhs_hint = false} : vector<1000x128xf32>, vector<128x128xf32>, vector<1000x128xf32> -> vector<1000x128xf32>
    %get3A_6 = arith.constant 0 : index
    %get3A_7 = arith.constant 0 : index
    %get3A_8 = vector.load %arg3[%get3A_6, %get3A_7] : memref<128x16xf32, #tpu.memory_space<vmem>>, vector<128x16xf32>
    %dot_general3A_9 = arith.constant dense<0.000000e+00> : vector<1000x16xf32>
    %dot_general3A_10 = tpu.matmul %dot_general3A_5, %get3A_8, %dot_general3A_9 {dimension_numbers = #tpu.dot_dimension_numbers<[1], [0], [0], [1], [0, 0, 1, 1], [], []>, transpose_lhs_hint = false} : vector<1000x128xf32>, vector<128x16xf32>, vector<1000x16xf32> -> vector<1000x16xf32>
    %get3A_11 = arith.constant 0 : index
    %get3A_12 = arith.constant 0 : index
    %get3A_13 = vector.load %arg5[%get3A_11, %get3A_12] : memref<1x16xf32, #tpu.memory_space<vmem>>, vector<1x16xf32>
    %add3A = vector.broadcast %get3A_13 : vector<1x16xf32> to vector<1000x16xf32>
    %add3A_14 = arith.addf %dot_general3A_10, %add3A : vector<1000x16xf32>
    %get3A_15 = arith.constant 0 : index
    %get3A_16 = arith.constant 0 : index
    %get3A_17 = vector.load %arg4[%get3A_15, %get3A_16] : memref<128x16xf32, #tpu.memory_space<vmem>>, vector<128x16xf32>
    %dot_general3A_18 = arith.constant dense<0.000000e+00> : vector<1000x16xf32>
    %dot_general3A_19 = tpu.matmul %dot_general3A_5, %get3A_17, %dot_general3A_18 {dimension_numbers = #tpu.dot_dimension_numbers<[1], [0], [0], [1], [0, 0, 1, 1], [], []>, transpose_lhs_hint = false} : vector<1000x128xf32>, vector<128x16xf32>, vector<1000x16xf32> -> vector<1000x16xf32>
    %concatenate3A = tpu.concatenate %dot_general3A_5, %add3A_14 in 1 : vector<1000x128xf32>, vector<1000x16xf32> -> vector<1000x144xf32>
    %swap3A = arith.constant 0 : index
    %swap3A_20 = arith.constant 0 : index
    %swap3A_21 = vector.load %arg6[%swap3A, %swap3A_20] : memref<1000x144xf32, #tpu.memory_space<vmem>>, vector<1000x144xf32>
    tpu.vector_store %arg6[%swap3A, %swap3A_20], %concatenate3A {strides = array<i32>} : memref<1000x144xf32, #tpu.memory_space<vmem>>, vector<1000x144xf32>,
    %swap3A_22 = arith.constant 0 : index
    %swap3A_23 = arith.constant 0 : index
    %swap3A_24 = vector.load %arg7[%swap3A_22, %swap3A_23] : memref<1000x16xf32, #tpu.memory_space<vmem>>, vector<1000x16xf32>
    tpu.vector_store %arg7[%swap3A_22, %swap3A_23], %dot_general3A_19 {strides = array<i32>} : memref<1000x16xf32, #tpu.memory_space<vmem>>, vector<1000x16xf32>,
    %reduce_max3A = arith.constant dense<0xFF800000> : vector<16xf32>
    %reduce_max3A_25 = vector.multi_reduction <maximumf>, %add3A_14, %reduce_max3A [0] : vector<1000x16xf32> to vector<16xf32>
    %broadcast_in_dim3A = vector.shape_cast %reduce_max3A_25 : vector<16xf32> to vector<1x16xf32>
    %reduce_max3A_26 = arith.constant dense<0xFF800000> : vector<16xf32>
    %reduce_max3A_27 = vector.multi_reduction <maximumf>, %dot_general3A_19, %reduce_max3A_26 [0] : vector<1000x16xf32> to vector<16xf32>
    %broadcast_in_dim3A_28 = vector.shape_cast %reduce_max3A_27 : vector<16xf32> to vector<1x16xf32>
    %eq3A = arith.constant 0 : i32
    %eq3A_29 = arith.cmpi eq, %arg0, %eq3A : i32
    %convert_element_type3A = arith.extui %eq3A_29 : i1 to i32
    %cond3A = arith.constant 0 : i32
    %cond3A_30 = arith.cmpi ne, %convert_element_type3A, %cond3A : i32
    scf.if %cond3A_30 {
      %swap3A_35 = arith.constant 0 : index
      %swap3A_36 = arith.constant 0 : index
      %swap3A_37 = vector.load %arg8[%swap3A_35, %swap3A_36] : memref<1x16xf32, #tpu.memory_space<vmem>>, vector<1x16xf32>
      tpu.vector_store %arg8[%swap3A_35, %swap3A_36], %broadcast_in_dim3A {strides = array<i32>} : memref<1x16xf32, #tpu.memory_space<vmem>>, vector<1x16xf32>,
      %swap3A_38 = arith.constant 0 : index
      %swap3A_39 = arith.constant 0 : index
      %swap3A_40 = vector.load %arg9[%swap3A_38, %swap3A_39] : memref<1x16xf32, #tpu.memory_space<vmem>>, vector<1x16xf32>
      tpu.vector_store %arg9[%swap3A_38, %swap3A_39], %broadcast_in_dim3A_28 {strides = array<i32>} : memref<1x16xf32, #tpu.memory_space<vmem>>, vector<1x16xf32>,
    } else {
    }
    %ne3A = arith.constant 0 : i32
    %ne3A_31 = arith.cmpi ne, %arg0, %ne3A : i32
    %convert_element_type3A_32 = arith.extui %ne3A_31 : i1 to i32
    %cond3A_33 = arith.constant 0 : i32
    %cond3A_34 = arith.cmpi ne, %convert_element_type3A_32, %cond3A_33 : i32
    scf.if %cond3A_34 {
      %get3A_35 = arith.constant 0 : index
      %get3A_36 = arith.constant 0 : index
      %get3A_37 = vector.load %arg8[%get3A_35, %get3A_36] : memref<1x16xf32, #tpu.memory_space<vmem>>, vector<1x16xf32>
      %max3A = arith.maximumf %get3A_37, %broadcast_in_dim3A : vector<1x16xf32>
      %swap3A_38 = arith.constant 0 : index
      %swap3A_39 = arith.constant 0 : index
      %swap3A_40 = vector.load %arg8[%swap3A_38, %swap3A_39] : memref<1x16xf32, #tpu.memory_space<vmem>>, vector<1x16xf32>
      tpu.vector_store %arg8[%swap3A_38, %swap3A_39], %max3A {strides = array<i32>} : memref<1x16xf32, #tpu.memory_space<vmem>>, vector<1x16xf32>,
      %get3A_41 = arith.constant 0 : index
      %get3A_42 = arith.constant 0 : index
      %get3A_43 = vector.load %arg9[%get3A_41, %get3A_42] : memref<1x16xf32, #tpu.memory_space<vmem>>, vector<1x16xf32>
      %max3A_44 = arith.maximumf %get3A_43, %broadcast_in_dim3A_28 : vector<1x16xf32>
      %swap3A_45 = arith.constant 0 : index
      %swap3A_46 = arith.constant 0 : index
      %swap3A_47 = vector.load %arg9[%swap3A_45, %swap3A_46] : memref<1x16xf32, #tpu.memory_space<vmem>>, vector<1x16xf32>
      tpu.vector_store %arg9[%swap3A_45, %swap3A_46], %max3A_44 {strides = array<i32>} : memref<1x16xf32, #tpu.memory_space<vmem>>, vector<1x16xf32>,
    } else {
    }
    return
  }
  func.func @transform_0(%arg0: i32) -> (i32, i32) {
    %c0_i32 = arith.constant 0 : i32
    %c0_i32_0 = arith.constant 0 : i32
    return %arg0, %c0_i32 : i32, i32
  }
  func.func @transform_1(%arg0: i32) -> (i32, i32) {
    %c0_i32 = arith.constant 0 : i32
    %c0_i32_0 = arith.constant 0 : i32
    %c0_i32_1 = arith.constant 0 : i32
    return %c0_i32, %c0_i32_0 : i32, i32
  }
  func.func @transform_2(%arg0: i32) -> (i32, i32) {
    %c0_i32 = arith.constant 0 : i32
    %c0_i32_0 = arith.constant 0 : i32
    %c0_i32_1 = arith.constant 0 : i32
    return %c0_i32, %c0_i32_0 : i32, i32
  }
  func.func @transform_3(%arg0: i32) -> (i32, i32) {
    %c0_i32 = arith.constant 0 : i32
    %c0_i32_0 = arith.constant 0 : i32
    %c0_i32_1 = arith.constant 0 : i32
    return %c0_i32, %c0_i32_0 : i32, i32
  }
  func.func @transform_4(%arg0: i32) -> (i32, i32) {
    %c0_i32 = arith.constant 0 : i32
    %c0_i32_0 = arith.constant 0 : i32
    %c0_i32_1 = arith.constant 0 : i32
    return %c0_i32, %c0_i32_0 : i32, i32
  }
  func.func @transform_5(%arg0: i32) -> (i32, i32) {
    %c0_i32 = arith.constant 0 : i32
    %c0_i32_0 = arith.constant 0 : i32
    return %arg0, %c0_i32 : i32, i32
  }
  func.func @transform_6(%arg0: i32) -> (i32, i32) {
    %c0_i32 = arith.constant 0 : i32
    %c0_i32_0 = arith.constant 0 : i32
    return %arg0, %c0_i32 : i32, i32
  }
  func.func @transform_7(%arg0: i32) -> (i32, i32) {
    %c0_i32 = arith.constant 0 : i32
    %c0_i32_0 = arith.constant 0 : i32
    %c0_i32_1 = arith.constant 0 : i32
    return %c0_i32, %c0_i32_0 : i32, i32
  }
  func.func @transform_8(%arg0: i32) -> (i32, i32) {
    %c0_i32 = arith.constant 0 : i32
    %c0_i32_0 = arith.constant 0 : i32
    %c0_i32_1 = arith.constant 0 : i32
    return %c0_i32, %c0_i32_0 : i32, i32
  }
}

module attributes {stable_mosaic.version = 14 : i64} {
  func.func @_tc2_body(%arg0: i32, %arg1: memref<2x1000x144xf32, #tpu.memory_space<vmem>>, %arg2: memref<1000x144xf32, #tpu.memory_space<vmem>>, %arg3: memref<1000x16xf32, #tpu.memory_space<vmem>>, %arg4: memref<1x16xf32, #tpu.memory_space<vmem>>, %arg5: memref<1x128xf32, #tpu.memory_space<vmem>>, %arg6: memref<16x128xf32, #tpu.memory_space<vmem>>, %arg7: memref<128x64xf32, #tpu.memory_space<vmem>>, %arg8: memref<64x16xf32, #tpu.memory_space<vmem>>, %arg9: memref<64x16xf32, #tpu.memory_space<vmem>>, %arg10: memref<1x16xf32, #tpu.memory_space<vmem>>, %arg11: memref<1000x80xf32, #tpu.memory_space<vmem>>, %arg12: memref<1000x16xf32, #tpu.memory_space<vmem>>, %arg13: memref<1x16xf32, #tpu.memory_space<vmem>>, %arg14: memref<1x16xf32, #tpu.memory_space<vmem>>) attributes {dimension_semantics = [#tpu.dimension_semantics<arbitrary>], iteration_bounds = array<i64: 10>, scalar_prefetch = 0 : i64, scratch_operands = 0 : i64, tpu.core_type = #tpu.core_type<tc>, window_params = [{transform_indices = @transform_0, window_bounds = array<i64: 2, 1000, 144>}, {transform_indices = @transform_1, window_bounds = array<i64: 1000, 144>}, {transform_indices = @transform_2, window_bounds = array<i64: 1000, 16>}, {pipeline_mode = #tpu.pipeline_mode<synchronous>, transform_indices = @transform_3, window_bounds = array<i64: 1, 16>}, {pipeline_mode = #tpu.pipeline_mode<synchronous>, transform_indices = @transform_4, window_bounds = array<i64: 1, 128>}, {pipeline_mode = #tpu.pipeline_mode<synchronous>, transform_indices = @transform_5, window_bounds = array<i64: 16, 128>}, {pipeline_mode = #tpu.pipeline_mode<synchronous>, transform_indices = @transform_6, window_bounds = array<i64: 128, 64>}, {pipeline_mode = #tpu.pipeline_mode<synchronous>, transform_indices = @transform_7, window_bounds = array<i64: 64, 16>}, {pipeline_mode = #tpu.pipeline_mode<synchronous>, transform_indices = @transform_8, window_bounds = array<i64: 64, 16>}, {pipeline_mode = #tpu.pipeline_mode<synchronous>, transform_indices = @transform_9, window_bounds = array<i64: 1, 16>}, {transform_indices = @transform_10, window_bounds = array<i64: 1000, 80>}, {transform_indices = @transform_11, window_bounds = array<i64: 1000, 16>}, {pipeline_mode = #tpu.pipeline_mode<synchronous>, transform_indices = @transform_12, window_bounds = array<i64: 1, 16>}, {pipeline_mode = #tpu.pipeline_mode<synchronous>, transform_indices = @transform_13, window_bounds = array<i64: 1, 16>}]} {
    %get3A = arith.constant 0 : index
    %get3A_0 = arith.constant 0 : index
    %get3A_1 = vector.load %arg2[%get3A, %get3A_0] : memref<1000x144xf32, #tpu.memory_space<vmem>>, vector<1000x144xf32>
    %slice3A = vector.extract_strided_slice %get3A_1 {offsets = [0, 0], sizes = [1000, 128], strides = [1, 1]} : vector<1000x144xf32> to vector<1000x128xf32>
    %slice3A_2 = vector.extract_strided_slice %get3A_1 {offsets = [0, 128], sizes = [1000, 16], strides = [1, 1]} : vector<1000x144xf32> to vector<1000x16xf32>
    %get3A_3 = arith.constant 0 : index
    %get3A_4 = arith.constant 0 : index
    %get3A_5 = vector.load %arg3[%get3A_3, %get3A_4] : memref<1000x16xf32, #tpu.memory_space<vmem>>, vector<1000x16xf32>
    %add3A = arith.addf %slice3A_2, %get3A_5 : vector<1000x16xf32>
    %mul3A = arith.constant 2.000000e-01 : f32
    %mul3A_6 = vector.broadcast %mul3A : f32 to vector<1000x16xf32>
    %mul3A_7 = arith.mulf %mul3A_6, %add3A : vector<1000x16xf32>
    %max3A = arith.maximumf %add3A, %mul3A_7 : vector<1000x16xf32>
    %get3A_8 = arith.constant 0 : index
    %get3A_9 = arith.constant 0 : index
    %get3A_10 = vector.load %arg4[%get3A_8, %get3A_9] : memref<1x16xf32, #tpu.memory_space<vmem>>, vector<1x16xf32>
    %sub3A = vector.broadcast %get3A_10 : vector<1x16xf32> to vector<1000x16xf32>
    %sub3A_11 = arith.subf %max3A, %sub3A : vector<1000x16xf32>
    %exp3A = math.exp %sub3A_11 : vector<1000x16xf32>
    %get3A_12 = arith.constant 0 : index
    %get3A_13 = arith.constant 0 : index
    %get3A_14 = arith.constant 0 : index
    %get3A_15 = vector.load %arg1[%get3A_12, %get3A_13, %get3A_14] : memref<2x1000x144xf32, #tpu.memory_space<vmem>>, vector<2x1000x144xf32>
    %slice3A_16 = vector.extract_strided_slice %get3A_15 {offsets = [0, 0, 128], sizes = [1, 1000, 16], strides = [1, 1, 1]} : vector<2x1000x144xf32> to vector<1x1000x16xf32>
    %squeeze3A = vector.shape_cast %slice3A_16 : vector<1x1000x16xf32> to vector<1000x16xf32>
    %slice3A_17 = vector.extract_strided_slice %get3A_15 {offsets = [1, 0, 128], sizes = [1, 1000, 16], strides = [1, 1, 1]} : vector<2x1000x144xf32> to vector<1x1000x16xf32>
    %squeeze3A_18 = vector.shape_cast %slice3A_17 : vector<1x1000x16xf32> to vector<1000x16xf32>
    %add3A_19 = arith.addf %squeeze3A, %squeeze3A_18 : vector<1000x16xf32>
    %add3A_20 = arith.addf %add3A_19, %exp3A : vector<1000x16xf32>
    %slice3A_21 = vector.extract_strided_slice %get3A_15 {offsets = [0, 0, 0], sizes = [1, 1000, 128], strides = [1, 1, 1]} : vector<2x1000x144xf32> to vector<1x1000x128xf32>
    %squeeze3A_22 = vector.shape_cast %slice3A_21 : vector<1x1000x128xf32> to vector<1000x128xf32>
    %slice3A_23 = vector.extract_strided_slice %get3A_15 {offsets = [1, 0, 0], sizes = [1, 1000, 128], strides = [1, 1, 1]} : vector<2x1000x144xf32> to vector<1x1000x128xf32>
    %squeeze3A_24 = vector.shape_cast %slice3A_23 : vector<1x1000x128xf32> to vector<1000x128xf32>
    %add3A_25 = arith.addf %squeeze3A_22, %squeeze3A_24 : vector<1000x128xf32>
    %get3A_26 = arith.constant 0 : index
    %get3A_27 = arith.constant 0 : index
    %get3A_28 = vector.load %arg6[%get3A_26, %get3A_27] : memref<16x128xf32, #tpu.memory_space<vmem>>, vector<16x128xf32>
    %dot_general3A = arith.constant dense<0.000000e+00> : vector<1000x128xf32>
    %dot_general3A_29 = tpu.matmul %exp3A, %get3A_28, %dot_general3A {dimension_numbers = #tpu.dot_dimension_numbers<[1], [0], [0], [1], [0, 0, 1, 1], [], []>, transpose_lhs_hint = false} : vector<1000x16xf32>, vector<16x128xf32>, vector<1000x128xf32> -> vector<1000x128xf32>
    %mul3A_30 = arith.mulf %slice3A, %dot_general3A_29 : vector<1000x128xf32>
    %add3A_31 = arith.addf %add3A_25, %mul3A_30 : vector<1000x128xf32>
    %get3A_32 = arith.constant 0 : index
    %get3A_33 = arith.constant 0 : index
    %get3A_34 = vector.load %arg6[%get3A_32, %get3A_33] : memref<16x128xf32, #tpu.memory_space<vmem>>, vector<16x128xf32>
    %dot_general3A_35 = arith.constant dense<0.000000e+00> : vector<1000x128xf32>
    %dot_general3A_36 = tpu.matmul %add3A_20, %get3A_34, %dot_general3A_35 {dimension_numbers = #tpu.dot_dimension_numbers<[1], [0], [0], [1], [0, 0, 1, 1], [], []>, transpose_lhs_hint = false} : vector<1000x16xf32>, vector<16x128xf32>, vector<1000x128xf32> -> vector<1000x128xf32>
    %add3A_37 = arith.constant 1.000000e-16 : f32
    %add3A_38 = vector.broadcast %add3A_37 : f32 to vector<1000x128xf32>
    %add3A_39 = arith.addf %dot_general3A_36, %add3A_38 : vector<1000x128xf32>
    %div3A = arith.divf %add3A_31, %add3A_39 : vector<1000x128xf32>
    %get3A_40 = arith.constant 0 : index
    %get3A_41 = arith.constant 0 : index
    %get3A_42 = vector.load %arg5[%get3A_40, %get3A_41] : memref<1x128xf32, #tpu.memory_space<vmem>>, vector<1x128xf32>
    %add3A_43 = vector.broadcast %get3A_42 : vector<1x128xf32> to vector<1000x128xf32>
    %add3A_44 = arith.addf %div3A, %add3A_43 : vector<1000x128xf32>
    %gt3A = arith.constant 0.000000e+00 : f32
    %gt3A_45 = vector.broadcast %gt3A : f32 to vector<1000x128xf32>
    %gt3A_46 = arith.cmpf ogt, %add3A_44, %gt3A_45 : vector<1000x128xf32>
    %min3A = arith.constant 0.000000e+00 : f32
    %min3A_47 = vector.broadcast %min3A : f32 to vector<1000x128xf32>
    %min3A_48 = arith.minimumf %add3A_44, %min3A_47 : vector<1000x128xf32>
    %exp3A_49 = math.exp %min3A_48 : vector<1000x128xf32>
    %sub3A_50 = arith.constant 1.000000e+00 : f32
    %sub3A_51 = vector.broadcast %sub3A_50 : f32 to vector<1000x128xf32>
    %sub3A_52 = arith.subf %exp3A_49, %sub3A_51 : vector<1000x128xf32>
    %select_n3A = arith.select %gt3A_46, %add3A_44, %sub3A_52 : vector<1000x128xi1>, vector<1000x128xf32>
    %get3A_53 = arith.constant 0 : index
    %get3A_54 = arith.constant 0 : index
    %get3A_55 = vector.load %arg7[%get3A_53, %get3A_54] : memref<128x64xf32, #tpu.memory_space<vmem>>, vector<128x64xf32>
    %dot_general3A_56 = arith.constant dense<0.000000e+00> : vector<1000x64xf32>
    %dot_general3A_57 = tpu.matmul %select_n3A, %get3A_55, %dot_general3A_56 {dimension_numbers = #tpu.dot_dimension_numbers<[1], [0], [0], [1], [0, 0, 1, 1], [], []>, transpose_lhs_hint = false} : vector<1000x128xf32>, vector<128x64xf32>, vector<1000x64xf32> -> vector<1000x64xf32>
    %get3A_58 = arith.constant 0 : index
    %get3A_59 = arith.constant 0 : index
    %get3A_60 = vector.load %arg8[%get3A_58, %get3A_59] : memref<64x16xf32, #tpu.memory_space<vmem>>, vector<64x16xf32>
    %dot_general3A_61 = arith.constant dense<0.000000e+00> : vector<1000x16xf32>
    %dot_general3A_62 = tpu.matmul %dot_general3A_57, %get3A_60, %dot_general3A_61 {dimension_numbers = #tpu.dot_dimension_numbers<[1], [0], [0], [1], [0, 0, 1, 1], [], []>, transpose_lhs_hint = false} : vector<1000x64xf32>, vector<64x16xf32>, vector<1000x16xf32> -> vector<1000x16xf32>
    %get3A_63 = arith.constant 0 : index
    %get3A_64 = arith.constant 0 : index
    %get3A_65 = vector.load %arg10[%get3A_63, %get3A_64] : memref<1x16xf32, #tpu.memory_space<vmem>>, vector<1x16xf32>
    %add3A_66 = vector.broadcast %get3A_65 : vector<1x16xf32> to vector<1000x16xf32>
    %add3A_67 = arith.addf %dot_general3A_62, %add3A_66 : vector<1000x16xf32>
    %get3A_68 = arith.constant 0 : index
    %get3A_69 = arith.constant 0 : index
    %get3A_70 = vector.load %arg9[%get3A_68, %get3A_69] : memref<64x16xf32, #tpu.memory_space<vmem>>, vector<64x16xf32>
    %dot_general3A_71 = arith.constant dense<0.000000e+00> : vector<1000x16xf32>
    %dot_general3A_72 = tpu.matmul %dot_general3A_57, %get3A_70, %dot_general3A_71 {dimension_numbers = #tpu.dot_dimension_numbers<[1], [0], [0], [1], [0, 0, 1, 1], [], []>, transpose_lhs_hint = false} : vector<1000x64xf32>, vector<64x16xf32>, vector<1000x16xf32> -> vector<1000x16xf32>
    %concatenate3A = tpu.concatenate %dot_general3A_57, %add3A_67 in 1 : vector<1000x64xf32>, vector<1000x16xf32> -> vector<1000x80xf32>
    %swap3A = arith.constant 0 : index
    %swap3A_73 = arith.constant 0 : index
    %swap3A_74 = vector.load %arg11[%swap3A, %swap3A_73] : memref<1000x80xf32, #tpu.memory_space<vmem>>, vector<1000x80xf32>
    tpu.vector_store %arg11[%swap3A, %swap3A_73], %concatenate3A {strides = array<i32>} : memref<1000x80xf32, #tpu.memory_space<vmem>>, vector<1000x80xf32>,
    %swap3A_75 = arith.constant 0 : index
    %swap3A_76 = arith.constant 0 : index
    %swap3A_77 = vector.load %arg12[%swap3A_75, %swap3A_76] : memref<1000x16xf32, #tpu.memory_space<vmem>>, vector<1000x16xf32>
    tpu.vector_store %arg12[%swap3A_75, %swap3A_76], %dot_general3A_72 {strides = array<i32>} : memref<1000x16xf32, #tpu.memory_space<vmem>>, vector<1000x16xf32>,
    %reduce_max3A = arith.constant dense<0xFF800000> : vector<16xf32>
    %reduce_max3A_78 = vector.multi_reduction <maximumf>, %add3A_67, %reduce_max3A [0] : vector<1000x16xf32> to vector<16xf32>
    %broadcast_in_dim3A = vector.shape_cast %reduce_max3A_78 : vector<16xf32> to vector<1x16xf32>
    %reduce_max3A_79 = arith.constant dense<0xFF800000> : vector<16xf32>
    %reduce_max3A_80 = vector.multi_reduction <maximumf>, %dot_general3A_72, %reduce_max3A_79 [0] : vector<1000x16xf32> to vector<16xf32>
    %broadcast_in_dim3A_81 = vector.shape_cast %reduce_max3A_80 : vector<16xf32> to vector<1x16xf32>
    %eq3A = arith.constant 0 : i32
    %eq3A_82 = arith.cmpi eq, %arg0, %eq3A : i32
    %convert_element_type3A = arith.extui %eq3A_82 : i1 to i32
    %cond3A = arith.constant 0 : i32
    %cond3A_83 = arith.cmpi ne, %convert_element_type3A, %cond3A : i32
    scf.if %cond3A_83 {
      %swap3A_88 = arith.constant 0 : index
      %swap3A_89 = arith.constant 0 : index
      %swap3A_90 = vector.load %arg13[%swap3A_88, %swap3A_89] : memref<1x16xf32, #tpu.memory_space<vmem>>, vector<1x16xf32>
      tpu.vector_store %arg13[%swap3A_88, %swap3A_89], %broadcast_in_dim3A {strides = array<i32>} : memref<1x16xf32, #tpu.memory_space<vmem>>, vector<1x16xf32>,
      %swap3A_91 = arith.constant 0 : index
      %swap3A_92 = arith.constant 0 : index
      %swap3A_93 = vector.load %arg14[%swap3A_91, %swap3A_92] : memref<1x16xf32, #tpu.memory_space<vmem>>, vector<1x16xf32>
      tpu.vector_store %arg14[%swap3A_91, %swap3A_92], %broadcast_in_dim3A_81 {strides = array<i32>} : memref<1x16xf32, #tpu.memory_space<vmem>>, vector<1x16xf32>,
    } else {
    }
    %ne3A = arith.constant 0 : i32
    %ne3A_84 = arith.cmpi ne, %arg0, %ne3A : i32
    %convert_element_type3A_85 = arith.extui %ne3A_84 : i1 to i32
    %cond3A_86 = arith.constant 0 : i32
    %cond3A_87 = arith.cmpi ne, %convert_element_type3A_85, %cond3A_86 : i32
    scf.if %cond3A_87 {
      %get3A_88 = arith.constant 0 : index
      %get3A_89 = arith.constant 0 : index
      %get3A_90 = vector.load %arg13[%get3A_88, %get3A_89] : memref<1x16xf32, #tpu.memory_space<vmem>>, vector<1x16xf32>
      %max3A_91 = arith.maximumf %get3A_90, %broadcast_in_dim3A : vector<1x16xf32>
      %swap3A_92 = arith.constant 0 : index
      %swap3A_93 = arith.constant 0 : index
      %swap3A_94 = vector.load %arg13[%swap3A_92, %swap3A_93] : memref<1x16xf32, #tpu.memory_space<vmem>>, vector<1x16xf32>
      tpu.vector_store %arg13[%swap3A_92, %swap3A_93], %max3A_91 {strides = array<i32>} : memref<1x16xf32, #tpu.memory_space<vmem>>, vector<1x16xf32>,
      %get3A_95 = arith.constant 0 : index
      %get3A_96 = arith.constant 0 : index
      %get3A_97 = vector.load %arg14[%get3A_95, %get3A_96] : memref<1x16xf32, #tpu.memory_space<vmem>>, vector<1x16xf32>
      %max3A_98 = arith.maximumf %get3A_97, %broadcast_in_dim3A_81 : vector<1x16xf32>
      %swap3A_99 = arith.constant 0 : index
      %swap3A_100 = arith.constant 0 : index
      %swap3A_101 = vector.load %arg14[%swap3A_99, %swap3A_100] : memref<1x16xf32, #tpu.memory_space<vmem>>, vector<1x16xf32>
      tpu.vector_store %arg14[%swap3A_99, %swap3A_100], %max3A_98 {strides = array<i32>} : memref<1x16xf32, #tpu.memory_space<vmem>>, vector<1x16xf32>,
    } else {
    }
    return
  }
  func.func @transform_0(%arg0: i32) -> (i32, i32, i32) {
    %c0_i32 = arith.constant 0 : i32
    %c0_i32_0 = arith.constant 0 : i32
    %c0_i32_1 = arith.constant 0 : i32
    return %c0_i32, %arg0, %c0_i32_0 : i32, i32, i32
  }
  func.func @transform_1(%arg0: i32) -> (i32, i32) {
    %c0_i32 = arith.constant 0 : i32
    %c0_i32_0 = arith.constant 0 : i32
    return %arg0, %c0_i32 : i32, i32
  }
  func.func @transform_2(%arg0: i32) -> (i32, i32) {
    %c0_i32 = arith.constant 0 : i32
    %c0_i32_0 = arith.constant 0 : i32
    return %arg0, %c0_i32 : i32, i32
  }
  func.func @transform_3(%arg0: i32) -> (i32, i32) {
    %c0_i32 = arith.constant 0 : i32
    %c0_i32_0 = arith.constant 0 : i32
    %c0_i32_1 = arith.constant 0 : i32
    return %c0_i32, %c0_i32_0 : i32, i32
  }
  func.func @transform_4(%arg0: i32) -> (i32, i32) {
    %c0_i32 = arith.constant 0 : i32
    %c0_i32_0 = arith.constant 0 : i32
    %c0_i32_1 = arith.constant 0 : i32
    return %c0_i32, %c0_i32_0 : i32, i32
  }
  func.func @transform_5(%arg0: i32) -> (i32, i32) {
    %c0_i32 = arith.constant 0 : i32
    %c0_i32_0 = arith.constant 0 : i32
    %c0_i32_1 = arith.constant 0 : i32
    return %c0_i32, %c0_i32_0 : i32, i32
  }
  func.func @transform_6(%arg0: i32) -> (i32, i32) {
    %c0_i32 = arith.constant 0 : i32
    %c0_i32_0 = arith.constant 0 : i32
    %c0_i32_1 = arith.constant 0 : i32
    return %c0_i32, %c0_i32_0 : i32, i32
  }
  func.func @transform_7(%arg0: i32) -> (i32, i32) {
    %c0_i32 = arith.constant 0 : i32
    %c0_i32_0 = arith.constant 0 : i32
    %c0_i32_1 = arith.constant 0 : i32
    return %c0_i32, %c0_i32_0 : i32, i32
  }
  func.func @transform_8(%arg0: i32) -> (i32, i32) {
    %c0_i32 = arith.constant 0 : i32
    %c0_i32_0 = arith.constant 0 : i32
    %c0_i32_1 = arith.constant 0 : i32
    return %c0_i32, %c0_i32_0 : i32, i32
  }
  func.func @transform_9(%arg0: i32) -> (i32, i32) {
    %c0_i32 = arith.constant 0 : i32
    %c0_i32_0 = arith.constant 0 : i32
    %c0_i32_1 = arith.constant 0 : i32
    return %c0_i32, %c0_i32_0 : i32, i32
  }
  func.func @transform_10(%arg0: i32) -> (i32, i32) {
    %c0_i32 = arith.constant 0 : i32
    %c0_i32_0 = arith.constant 0 : i32
    return %arg0, %c0_i32 : i32, i32
  }
  func.func @transform_11(%arg0: i32) -> (i32, i32) {
    %c0_i32 = arith.constant 0 : i32
    %c0_i32_0 = arith.constant 0 : i32
    return %arg0, %c0_i32 : i32, i32
  }
  func.func @transform_12(%arg0: i32) -> (i32, i32) {
    %c0_i32 = arith.constant 0 : i32
    %c0_i32_0 = arith.constant 0 : i32
    %c0_i32_1 = arith.constant 0 : i32
    return %c0_i32, %c0_i32_0 : i32, i32
  }
  func.func @transform_13(%arg0: i32) -> (i32, i32) {
    %c0_i32 = arith.constant 0 : i32
    %c0_i32_0 = arith.constant 0 : i32
    %c0_i32_1 = arith.constant 0 : i32
    return %c0_i32, %c0_i32_0 : i32, i32
  }
}

module attributes {stable_mosaic.version = 14 : i64} {
  func.func @_tc3_body(%arg0: i32, %arg1: memref<2x1000x80xf32, #tpu.memory_space<vmem>>, %arg2: memref<1000x80xf32, #tpu.memory_space<vmem>>, %arg3: memref<1000x16xf32, #tpu.memory_space<vmem>>, %arg4: memref<1x16xf32, #tpu.memory_space<vmem>>, %arg5: memref<1x64xf32, #tpu.memory_space<vmem>>, %arg6: memref<16x64xf32, #tpu.memory_space<vmem>>, %arg7: memref<1000x64xf32, #tpu.memory_space<vmem>>) attributes {dimension_semantics = [#tpu.dimension_semantics<arbitrary>], iteration_bounds = array<i64: 10>, scalar_prefetch = 0 : i64, scratch_operands = 0 : i64, tpu.core_type = #tpu.core_type<tc>, window_params = [{transform_indices = @transform_0, window_bounds = array<i64: 2, 1000, 80>}, {transform_indices = @transform_1, window_bounds = array<i64: 1000, 80>}, {transform_indices = @transform_2, window_bounds = array<i64: 1000, 16>}, {pipeline_mode = #tpu.pipeline_mode<synchronous>, transform_indices = @transform_3, window_bounds = array<i64: 1, 16>}, {pipeline_mode = #tpu.pipeline_mode<synchronous>, transform_indices = @transform_4, window_bounds = array<i64: 1, 64>}, {pipeline_mode = #tpu.pipeline_mode<synchronous>, transform_indices = @transform_5, window_bounds = array<i64: 16, 64>}, {transform_indices = @transform_6, window_bounds = array<i64: 1000, 64>}]} {
    %get3A = arith.constant 0 : index
    %get3A_0 = arith.constant 0 : index
    %get3A_1 = vector.load %arg2[%get3A, %get3A_0] : memref<1000x80xf32, #tpu.memory_space<vmem>>, vector<1000x80xf32>
    %slice3A = vector.extract_strided_slice %get3A_1 {offsets = [0, 0], sizes = [1000, 64], strides = [1, 1]} : vector<1000x80xf32> to vector<1000x64xf32>
    %slice3A_2 = vector.extract_strided_slice %get3A_1 {offsets = [0, 64], sizes = [1000, 16], strides = [1, 1]} : vector<1000x80xf32> to vector<1000x16xf32>
    %get3A_3 = arith.constant 0 : index
    %get3A_4 = arith.constant 0 : index
    %get3A_5 = vector.load %arg3[%get3A_3, %get3A_4] : memref<1000x16xf32, #tpu.memory_space<vmem>>, vector<1000x16xf32>
    %add3A = arith.addf %slice3A_2, %get3A_5 : vector<1000x16xf32>
    %mul3A = arith.constant 2.000000e-01 : f32
    %mul3A_6 = vector.broadcast %mul3A : f32 to vector<1000x16xf32>
    %mul3A_7 = arith.mulf %mul3A_6, %add3A : vector<1000x16xf32>
    %max3A = arith.maximumf %add3A, %mul3A_7 : vector<1000x16xf32>
    %get3A_8 = arith.constant 0 : index
    %get3A_9 = arith.constant 0 : index
    %get3A_10 = vector.load %arg4[%get3A_8, %get3A_9] : memref<1x16xf32, #tpu.memory_space<vmem>>, vector<1x16xf32>
    %sub3A = vector.broadcast %get3A_10 : vector<1x16xf32> to vector<1000x16xf32>
    %sub3A_11 = arith.subf %max3A, %sub3A : vector<1000x16xf32>
    %exp3A = math.exp %sub3A_11 : vector<1000x16xf32>
    %get3A_12 = arith.constant 0 : index
    %get3A_13 = arith.constant 0 : index
    %get3A_14 = arith.constant 0 : index
    %get3A_15 = vector.load %arg1[%get3A_12, %get3A_13, %get3A_14] : memref<2x1000x80xf32, #tpu.memory_space<vmem>>, vector<2x1000x80xf32>
    %slice3A_16 = vector.extract_strided_slice %get3A_15 {offsets = [0, 0, 64], sizes = [1, 1000, 16], strides = [1, 1, 1]} : vector<2x1000x80xf32> to vector<1x1000x16xf32>
    %squeeze3A = vector.shape_cast %slice3A_16 : vector<1x1000x16xf32> to vector<1000x16xf32>
    %slice3A_17 = vector.extract_strided_slice %get3A_15 {offsets = [1, 0, 64], sizes = [1, 1000, 16], strides = [1, 1, 1]} : vector<2x1000x80xf32> to vector<1x1000x16xf32>
    %squeeze3A_18 = vector.shape_cast %slice3A_17 : vector<1x1000x16xf32> to vector<1000x16xf32>
    %add3A_19 = arith.addf %squeeze3A, %squeeze3A_18 : vector<1000x16xf32>
    %add3A_20 = arith.addf %add3A_19, %exp3A : vector<1000x16xf32>
    %get3A_21 = arith.constant 0 : index
    %get3A_22 = arith.constant 0 : index
    %get3A_23 = vector.load %arg6[%get3A_21, %get3A_22] : memref<16x64xf32, #tpu.memory_space<vmem>>, vector<16x64xf32>
    %dot_general3A = arith.constant dense<0.000000e+00> : vector<1000x64xf32>
    %dot_general3A_24 = tpu.matmul %add3A_20, %get3A_23, %dot_general3A {dimension_numbers = #tpu.dot_dimension_numbers<[1], [0], [0], [1], [0, 0, 1, 1], [], []>, transpose_lhs_hint = false} : vector<1000x16xf32>, vector<16x64xf32>, vector<1000x64xf32> -> vector<1000x64xf32>
    %get3A_25 = arith.constant 0 : index
    %get3A_26 = arith.constant 0 : index
    %get3A_27 = vector.load %arg6[%get3A_25, %get3A_26] : memref<16x64xf32, #tpu.memory_space<vmem>>, vector<16x64xf32>
    %dot_general3A_28 = arith.constant dense<0.000000e+00> : vector<1000x64xf32>
    %dot_general3A_29 = tpu.matmul %exp3A, %get3A_27, %dot_general3A_28 {dimension_numbers = #tpu.dot_dimension_numbers<[1], [0], [0], [1], [0, 0, 1, 1], [], []>, transpose_lhs_hint = false} : vector<1000x16xf32>, vector<16x64xf32>, vector<1000x64xf32> -> vector<1000x64xf32>
    %slice3A_30 = vector.extract_strided_slice %get3A_15 {offsets = [0, 0, 0], sizes = [1, 1000, 64], strides = [1, 1, 1]} : vector<2x1000x80xf32> to vector<1x1000x64xf32>
    %squeeze3A_31 = vector.shape_cast %slice3A_30 : vector<1x1000x64xf32> to vector<1000x64xf32>
    %slice3A_32 = vector.extract_strided_slice %get3A_15 {offsets = [1, 0, 0], sizes = [1, 1000, 64], strides = [1, 1, 1]} : vector<2x1000x80xf32> to vector<1x1000x64xf32>
    %squeeze3A_33 = vector.shape_cast %slice3A_32 : vector<1x1000x64xf32> to vector<1000x64xf32>
    %add3A_34 = arith.addf %squeeze3A_31, %squeeze3A_33 : vector<1000x64xf32>
    %mul3A_35 = arith.mulf %slice3A, %dot_general3A_29 : vector<1000x64xf32>
    %add3A_36 = arith.addf %add3A_34, %mul3A_35 : vector<1000x64xf32>
    %add3A_37 = arith.constant 1.000000e-16 : f32
    %add3A_38 = vector.broadcast %add3A_37 : f32 to vector<1000x64xf32>
    %add3A_39 = arith.addf %dot_general3A_24, %add3A_38 : vector<1000x64xf32>
    %div3A = arith.divf %add3A_36, %add3A_39 : vector<1000x64xf32>
    %get3A_40 = arith.constant 0 : index
    %get3A_41 = arith.constant 0 : index
    %get3A_42 = vector.load %arg5[%get3A_40, %get3A_41] : memref<1x64xf32, #tpu.memory_space<vmem>>, vector<1x64xf32>
    %add3A_43 = vector.broadcast %get3A_42 : vector<1x64xf32> to vector<1000x64xf32>
    %add3A_44 = arith.addf %div3A, %add3A_43 : vector<1000x64xf32>
    %reduce_max3A = arith.constant dense<0xFF800000> : vector<1000xf32>
    %reduce_max3A_45 = vector.multi_reduction <maximumf>, %add3A_44, %reduce_max3A [1] : vector<1000x64xf32> to vector<1000xf32>
    %broadcast_in_dim3A = vector.shape_cast %reduce_max3A_45 : vector<1000xf32> to vector<1000x1xf32>
    %sub3A_46 = vector.broadcast %broadcast_in_dim3A : vector<1000x1xf32> to vector<1000x64xf32>
    %sub3A_47 = arith.subf %add3A_44, %sub3A_46 : vector<1000x64xf32>
    %exp3A_48 = math.exp %sub3A_47 : vector<1000x64xf32>
    %reduce_sum3A = arith.constant dense<0.000000e+00> : vector<1000xf32>
    %reduce_sum3A_49 = vector.multi_reduction <add>, %exp3A_48, %reduce_sum3A [1] : vector<1000x64xf32> to vector<1000xf32>
    %broadcast_in_dim3A_50 = vector.shape_cast %reduce_sum3A_49 : vector<1000xf32> to vector<1000x1xf32>
    %log3A = math.log %broadcast_in_dim3A_50 : vector<1000x1xf32>
    %sub3A_51 = vector.broadcast %log3A : vector<1000x1xf32> to vector<1000x64xf32>
    %sub3A_52 = arith.subf %sub3A_47, %sub3A_51 : vector<1000x64xf32>
    %swap3A = arith.constant 0 : index
    %swap3A_53 = arith.constant 0 : index
    %swap3A_54 = vector.load %arg7[%swap3A, %swap3A_53] : memref<1000x64xf32, #tpu.memory_space<vmem>>, vector<1000x64xf32>
    tpu.vector_store %arg7[%swap3A, %swap3A_53], %sub3A_52 {strides = array<i32>} : memref<1000x64xf32, #tpu.memory_space<vmem>>, vector<1000x64xf32>,
    return
  }
  func.func @transform_0(%arg0: i32) -> (i32, i32, i32) {
    %c0_i32 = arith.constant 0 : i32
    %c0_i32_0 = arith.constant 0 : i32
    %c0_i32_1 = arith.constant 0 : i32
    return %c0_i32, %arg0, %c0_i32_0 : i32, i32, i32
  }
  func.func @transform_1(%arg0: i32) -> (i32, i32) {
    %c0_i32 = arith.constant 0 : i32
    %c0_i32_0 = arith.constant 0 : i32
    return %arg0, %c0_i32 : i32, i32
  }
  func.func @transform_2(%arg0: i32) -> (i32, i32) {
    %c0_i32 = arith.constant 0 : i32
    %c0_i32_0 = arith.constant 0 : i32
    return %arg0, %c0_i32 : i32, i32
  }
  func.func @transform_3(%arg0: i32) -> (i32, i32) {
    %c0_i32 = arith.constant 0 : i32
    %c0_i32_0 = arith.constant 0 : i32
    %c0_i32_1 = arith.constant 0 : i32
    return %c0_i32, %c0_i32_0 : i32, i32
  }
  func.func @transform_4(%arg0: i32) -> (i32, i32) {
    %c0_i32 = arith.constant 0 : i32
    %c0_i32_0 = arith.constant 0 : i32
    %c0_i32_1 = arith.constant 0 : i32
    return %c0_i32, %c0_i32_0 : i32, i32
  }
  func.func @transform_5(%arg0: i32) -> (i32, i32) {
    %c0_i32 = arith.constant 0 : i32
    %c0_i32_0 = arith.constant 0 : i32
    %c0_i32_1 = arith.constant 0 : i32
    return %c0_i32, %c0_i32_0 : i32, i32
  }
  func.func @transform_6(%arg0: i32) -> (i32, i32) {
    %c0_i32 = arith.constant 0 : i32
    %c0_i32_0 = arith.constant 0 : i32
    return %arg0, %c0_i32 : i32, i32
  }
}

</mosaic_0001>

<sc_bundles>
// kernel: kernel.10.cloned.1.call-start
scs
__scs_entry_jumppad:
0x0: {  	(pc) =	sbr.rel $0x88, $3  }
0x1: {  	(tag) =	ssettag $0x0;
	lr =	simm.s32 $0x1  }
0x2: {  	[smem:$0x3F97] =	sst lr;
	_ =	strace $0xD0000000  }
0x3: {  	_ = 	snop  }
0x4: {  	_ = 	snop  }
0x5: {  	_ = 	snop  }
0x6: {  	_ = 	snop  }
0x7: {  	_ = 	snop  }
__scs_overlays_trampoline_lowered:
0x8: {  	[smem:$0x3FA6] =	sst s0  }
0x9: {  	[smem:$0x3FA7] =	sst s1  }
0xa: {  	[smem:$0x3FA8] =	sst s2  }
0xb: {  	[smem:$0x3FA9] =	sst s3  }
0xc: {  	[smem:$0x3FAA] =	sst s4  }
0xd: {  	[smem:$0x3FAB] =	sst s5  }
0xe: {  	[smem:$0x3FAC] =	sst s6  }
0xf: {  	[smem:$0x3FAD] =	sst s7  }
0x10: {  	[smem:$0x3FAE] =	sst s8  }
0x11: {  	[smem:$0x3FAF] =	sst s9;
	s0 =	simm.s32 @!p0 $0x0  }
0x12: {  	s1 =	sld [smem:$0x3F95];
	s0 =	simm.s32 @p0 $0x1  }
0x13: {  	[smem:$0x3FB0] =	sst s0;
	s0 =	simm.s32 @!p1 $0x0  }
0x14: {  	s2 =	sld [smem:$0x3F94];
	s0 =	simm.s32 @p1 $0x1  }
0x15: {  	[smem:$0x3FB1] =	sst s0;
	s0 =	simm.s32 @!p2 $0x0  }
0x16: {  	s3 =	sld [smem:$0x3FDB];
	s0 =	simm.s32 @p2 $0x1  }
0x17: {  	s4 =	simm.s32 $0x1BF5;
	[smem:$0x3FB3] =	sst s0  }
0x18: {  	s0 =	sld [smem:$0x3F96];
	_ =	swait.ge [sflag:s4], $0x0  }
0x19: {  	s7 =	sld [smem:$0x3F97]  }
0x1a: {  	s8 =	sadd.s32 $0xFFFFE003, lr  }
0x1b: {  	s9 =	sadd.s32 $0xFFFFFEF7, lr;
	s5 =	simm.s32 $0xFFFFFFFF;
	p2 =	slt.u32 s8, $0xFFFFF086  }
0x1c: {  	p1 =	slt.u32 s9, $0xF7A;
	s5 =	simm.s32 @!p2 $0x0  }
0x1d: {  	s5 =	simm.s32 @p1 $0x1;
	p0 =	seq.s32 s7, s2  }
0x1e: {  	s7 =	smul.u32 @!p0 $0xF7A, s2;
	p2 =	seq.s32 @!p0 s5, $0x0  }
0x1f: {  	s9 =	smul.u32 $0xF7A, s1;
	s8 =	simm.s32 @!p0 $0x1BF5;
	p2 =	por !p2, p0  }
0x20: {  	[sflag:s8] =	ssyncset.s32 @!p0 $0xFFFFF086;
	s6 =	sadd.s32 @!p0 s3, s7;
	s7 =	simm.s32 @!p0 $0x108  }
0x21: {  	s3 =	sadd.s32 s3, s9;
	s6 =	sadd.s32 @!p0 $0x88, s6;
	s7 =	simm.s32 @p2 $0x1082  }
0x22: {  	[simem:s7], [sflag:s8] =	dma.local @!p0 [hbm:s6], $0xF7A  }
0x23: {  	s9 =	sor.u32 $0xD0000000, s2;
	s6 =	simm.s32 $0x108;
	_ =	swait.ge @!p0 [sflag:s8], $0x0  }
0x24: {  	s3 =	sadd.s32 $0x88, s3;
	s6 =	simm.s32 @!p1 $0x1082;
	[sflag:s4] =	ssyncset.s32 $0xFFFFF086  }
0x25: {  	[simem:s6], [sflag:s4] =	dma.local [hbm:s3], $0xF7A  }
0x26: {  	[smem:$0x3F97] =	sst s1;
	(tag) =	ssettag s2;
	_ =	strace s9  }
0x27: {  	s1 =	sld [smem:$0x3FA7]  }
0x28: {  	s2 =	sld [smem:$0x3FA8]  }
0x29: {  	s4 =	sld [smem:$0x3FAA]  }
0x2a: {  	p0 =	seq.s32 s5, $0x0;
	s5 =	sld [smem:$0x3FAB]  }
0x2b: {  	s6 =	sld [smem:$0x3FAC]  }
0x2c: {  	s7 =	sld [smem:$0x3FAD]  }
0x2d: {  	s3 =	simm.s32 $0x108;
	s8 =	sld [smem:$0x3FAE]  }
0x2e: {  	s3 =	simm.s32 @!p0 $0x1082;
	s9 =	sld [smem:$0x3FAF]  }
0x2f: {  	lr =	sadd.s32 s0, s3;
	s0 =	sld [smem:$0x3FA6]  }
0x30: {  	s3 =	sld [smem:$0x3FA9]  }
0x31: {  	[smem:$0x3FB2] =	sst s10  }
0x32: {  	s10 =	sld [smem:$0x3FB0];
	_ =	sdelay $0x3  }
0x33: {  	p0 =	seq.s32 s10, $0x1;
	s10 =	sld [smem:$0x3FB2];
	_ =	sdelay $0x3  }
0x34: {  	[smem:$0x3FB2] =	sst s10  }
0x35: {  	s10 =	sld [smem:$0x3FB1];
	_ =	sdelay $0x3  }
0x36: {  	p1 =	seq.s32 s10, $0x1;
	s10 =	sld [smem:$0x3FB2];
	_ =	sdelay $0x3  }
0x37: {  	[smem:$0x3FB2] =	sst s10  }
0x38: {  	s10 =	sld [smem:$0x3FB3]  }
0x39: {  	_ = 	snop;
	(pc) =	sbr.ind lr, $3  }
0x3a: {  	_ = 	snop  }
0x3b: {  	_ = 	snop  }
0x3c: {  	p2 =	seq.s32 s10, $0x1;
	s10 =	sld [smem:$0x3FB2]  }
0x3d: {  	_ =	shalt  }
0x3e: {  	_ =	shalt  }
0x3f: {  	_ =	shalt  }
0x40: {  	_ =	shalt  }
0x41: {  	_ =	shalt  }
0x42: {  	_ =	shalt  }
0x43: {  	_ =	shalt  }
0x44: {  	_ =	shalt  }
0x45: {  	_ =	shalt  }
0x46: {  	_ =	shalt  }
0x47: {  	_ =	shalt  }
0x48: {  	_ =	shalt  }
0x49: {  	_ =	shalt  }
0x4a: {  	_ =	shalt  }
0x4b: {  	_ =	shalt  }
0x4c: {  	_ =	shalt  }
0x4d: {  	_ =	shalt  }
0x4e: {  	_ =	shalt  }
0x4f: {  	_ =	shalt  }
0x50: {  	_ =	shalt  }
0x51: {  	_ =	shalt  }
0x52: {  	_ =	shalt  }
0x53: {  	_ =	shalt  }
0x54: {  	_ =	shalt  }
0x55: {  	_ =	shalt  }
0x56: {  	_ =	shalt  }
0x57: {  	_ =	shalt  }
0x58: {  	_ =	shalt  }
0x59: {  	_ =	shalt  }
0x5a: {  	_ =	shalt  }
0x5b: {  	_ =	shalt  }
0x5c: {  	_ =	shalt  }
0x5d: {  	_ =	shalt  }
0x5e: {  	_ =	shalt  }
0x5f: {  	_ =	shalt  }
0x60: {  	_ =	shalt  }
0x61: {  	_ =	shalt  }
0x62: {  	_ =	shalt  }
0x63: {  	_ =	shalt  }
0x64: {  	_ =	shalt  }
0x65: {  	_ =	shalt  }
0x66: {  	_ =	shalt  }
0x67: {  	_ =	shalt  }
0x68: {  	_ =	shalt  }
0x69: {  	_ =	shalt  }
0x6a: {  	_ =	shalt  }
0x6b: {  	_ =	shalt  }
0x6c: {  	_ =	shalt  }
0x6d: {  	_ =	shalt  }
0x6e: {  	_ =	shalt  }
0x6f: {  	_ =	shalt  }
0x70: {  	_ =	shalt  }
0x71: {  	_ =	shalt  }
0x72: {  	_ =	shalt  }
0x73: {  	_ =	shalt  }
0x74: {  	_ =	shalt  }
0x75: {  	_ =	shalt  }
0x76: {  	_ =	shalt  }
0x77: {  	_ =	shalt  }
0x78: {  	_ =	shalt  }
0x79: {  	_ =	shalt  }
0x7a: {  	_ =	shalt  }
0x7b: {  	_ =	shalt  }
0x7c: {  	_ =	shalt  }
0x7d: {  	_ =	shalt  }
0x7e: {  	_ =	shalt  }
0x7f: {  	_ =	shalt  }
0x80: {  	_ =	shalt  }
0x81: {  	_ =	shalt  }
0x82: {  	_ =	shalt  }
0x83: {  	_ =	shalt  }
0x84: {  	_ =	shalt  }
0x85: {  	_ =	shalt  }
0x86: {  	_ =	shalt  }
0x87: {  	_ =	shalt  }
.Lfunc_end0:
.L_simem_size_0:
called_computation.1_lowered:
.L_overlay_start_0:
0x88: {  	s2 =	sld [smem:$0x3FD9]  }
0x89: {  	s3 =	sld [smem:$0x3FFE];
	_ =	sdelay $0x1  }
0x8a: {  	s1 =	srdreg.scid  }
0x8b: {  	s0 =	sand.u32 $0x1, s1  }
0x8c: {  	s17 =	sshll.u32 s0, $0xA;
	s2 =	sadd.s32 s3, s2  }
0x8d: {  	s2 =	sadd.s32 s2, s17  }
0x8e: {  	[smem:$0x3FBE] =	sst s2  }
0x8f: {  	_ = 	snop  }
0x90: {  	s2 =	sld [smem:$0x3FD0];
	(tm) =	ssettm $0x1  }
0x91: {  	s18 =	sld [smem:$0x3FFB];
	_ =	sdelay $0x3  }
0x92: {  	_ =	strace s18  }
0x93: {  	s3 =	sld [smem:$0x3FFC];
	_ =	sdelay $0x3  }
0x94: {  	_ =	strace s3  }
0x95: {  	s3 =	sld [smem:$0x3FFD];
	_ =	sdelay $0x3  }
0x96: {  	_ =	strace s3  }
0x97: {  	_ =	strace $0x8FFFFFFF  }
0x98: {  	s19 =	sld [smem:$0x3FDB];
	_ =	sdelay $0x1  }
0x99: {  	s4 =	simm.s32 $_scs_section_size  }
0x9a: {  	s5 =	simm.s32 $_size__tile_overlayer_lowered;
	s6 =	simm.s32 $_tile_overlayer_lowered  }
0x9b: {  	s22 =	simm.s32 $0x1BFF;
	s21 =	sshll.u32 s6, $0x1;
	s3 =	sadd.s32 s4, s19  }
0x9c: {  	s7 =	simm.s32 $0x0;
	s20 =	sshll.u32 s5, $0x1;
	s5 =	sadd.s32 s21, s3  }
0x9d: {  	[timem:s7], [sflag:s22] =	dma.local [hbm:s5], s20  }
0x9e: {  	_ =	swait.ge [sflag:s22], s20  }
0x9f: {  	s4 =	ssub.s32 $0x0, s20;
	[sflag:s22] =	ssyncset.done $0x0  }
0xa0: {  	[sflag:s22] =	ssyncadd.s32 s4;
	_ =	sdelay $0x1  }
0xa1: {  	s23 =	simm.s32 $0x1B8B  }
0xa2: {  	_ =	swait.ge [sflag:s23], $0x1  }
0xa3: {  	[sflag:s23] =	ssyncset.done $0x0  }
0xa4: {  	s25 =	simm.s32 $0x1B8E;
	s24 =	sld [smem:$0x3FFE];
	[sflag:s23] =	ssyncadd.s32 $0xFFFFFFFF  }
0xa5: {  	s26 =	simm.s32 $execute0_lowered;
	[smem:$0x3FD2] =	sst s25  }
0xa6: {  	s5 =	sshll.u32 s26, $0x1;
	_ =	strace $0x80000049;
	[dreg:$0x1] =	wrdreg $0xFFFFFFFF  }
0xa7: {  	s28 =	simm.s32 $_size_execute0_lowered;
	s3 =	sadd.s32 s3, s5;
	[dreg:$0x0] =	wrdreg $0x0  }
0xa8: {  	s5 =	sshll.u32 s28, $0x1;
	[dreg:$0x2] =	wrdreg s3  }
0xa9: {  	[dreg:$0x3] =	wrdreg s5  }
0xaa: {  	[dreg:$0x4] =	wrdreg $0xC0  }
0xab: {  	_ =	task [dreg:s7], $0x5FFFF  }
0xac: {  	[dreg:$0x1] =	wrdreg $0xFFFFFFFF  }
0xad: {  	[dreg:$0x0] =	wrdreg $0x60  }
0xae: {  	[dreg:$0x2] =	wrdreg s2  }
0xaf: {  	[dreg:$0x3] =	wrdreg s24  }
0xb0: {  	[dreg:$0x4] =	wrdreg $0xA6500  }
0xb1: {  	[dreg:$0x5] =	wrdreg $0x9  }
0xb2: {  	_ =	task.clear_ibuf [dreg:s7], $0x6FFFF;
	_ =	strace $0x90000049  }
0xb3: {  	s29 =	simm.s32 $0x9;
	_ =	strace $0x8000004B  }
0xb4: {  	_ =	swait.ge [sflag:s29], $0x1  }
0xb5: {  	[sflag:s29] =	ssyncadd.s32 $0xFFFFFFFF  }
0xb6: {  	_ =	strace $0x9000004B  }
0xb7: {  	_ =	sfence  }
0xb8: {  	s30 =	sld [smem:$0x0];
	_ =	sdelay $0x2  }
0xb9: {  	s31 =	sshll.u32 s1, $0xD;
	s1 =	sshrl.u32 s1, $0x2  }
0xba: {  	s3 =	sand.u32 $0x4000, s31;
	s1 =	sadd.s32 s1, s30  }
0xbb: {  	s0 =	sor.u32 s3, s0;
	s1 =	sshll.u32 s1, $0x11  }
0xbc: {  	s0 =	sor.u32 s1, s0  }
0xbd: {  	s0 =	sadd.s32 $0x8F2B, s0  }
0xbe: {  	[sflag:s0] =	ssyncadd.remote.s32 $0x1  }
0xbf: {  	_ =	sfence.sel $0xFFFF  }
0xc0: {  	[dreg:$0x0] =	wrdreg $0xFFFFFFFF;
	(pc) =	sbr.abs _section_cstart, $3  }
0xc1: {  	[dreg:$0x1] =	wrdreg $0xFFFFFFFF  }
0xc2: {  	_ =	task.clear_ibuf [dreg:s7], $0x2FFFF;
	_ =	strace $0x9FFFFFFF  }
0xc3: {  	(tm) =	ssettm $0x7FFFFFFF  }
tec
execute0_lowered:
.L_overlay_start_1:
0x0: {  	(tag) =	ssettag $0x1  }
0x1: {  	s0 =	rddreg [dreg:$0x1]  }
0x2: {  	s2 =	rddreg [dreg:$0x2];
	s11 =	simm.s32 $0x0  }
0x3: {  	s1 =	srdreg.scid;
	s13 =	stileid.u32;
	s28 =	simm.s32 $0x1040  }
0x4: {  	s29 =	simm.s32 $0x68;
	s30 =	simm.s32 $0x3C00;
	s31 =	simm.s32 $0x888  }
0x5: {  	[smem:$0x7FF] =	sst s11;
	s5 =	sadd.s32 $0x81200, s0;
	s6 =	sadd.s32 $0x2000, s0  }
0x6: {  	s7 =	sadd.s32 $0x1A800, s0;
	s1 =	sand.u32 $0x1, s1;
	s4 =	smul.u32 $0x30C00, s13  }
0x7: {  	s3 =	sadd.s32 $0x1F800, s0;
	s0 =	sadd.s32 $0x1FA00, s0;
	s10 =	smul.u32 $0xC300, s13  }
0x8: {  	s16 =	sadd.s32 $0xC3000, s2;
	p0 =	sne.s32 s13, $0xF;
	_ =	strace $0x8000004A  }
0x9: {  	[dreg:$0x5] =	wrdreg s3;
	s12 =	ssub.s32 $0x2, s1;
	s9 =	smul.u32 $0xC3500, s1  }
0xa: {  	s1 =	sshll.u32 s1, $0x4;
	[dreg:$0x8] =	wrdreg s16;
	s8 =	sshrl.u32 s12, $0x1  }
0xb: {  	s4 =	sshrl.u32 s4, $0x2;
	s1 =	sor.u32 s13, s1;
	s19 =	sadd.s32 s10, s2  }
0xc: {  	s13 =	simm.s32 $0x6180;
	s3 =	ssub.s32 s12, s8;
	s14 =	sadd.s32 s4, s2  }
0xd: {  	s15 =	sadd.s32 s10, s9;
	s12 =	smul.u32 $0x514, s1;
	s18 =	sshrl.u32 s9, $0x3  }
0xe: {  	s26 =	sshrl.u32 s19, $0x3;
	s8 =	simm.s32 $0x5B40;
	[dreg:$0x6] =	wrdreg s14  }
0xf: {  	s10 =	simm.s32 $0x8700;
	s4 =	sadd.s32 $0xB400, s14;
	[dreg:$0x11] =	wrdreg s26  }
0x10: {  	s17 =	sshrl.u32 s15, $0x3;
	s20 =	smax.u32 s3, $0x1;
	[dreg:$0x7] =	wrdreg s4  }
0x11: {  	s21 =	sadd.s32 $0x1E00, s14;
	s22 =	sadd.s32 $0x3C00, s14;
	[dreg:$0xb] =	wrdreg s20  }
0x12: {  	s23 =	sadd.s32 $0x5A00, s14;
	s24 =	sadd.s32 $0x7800, s14;
	[dreg:$0xc] =	wrdreg s21  }
0x13: {  	s25 =	sadd.s32 $0x9600, s14;
	s26 =	simm.s32 $0x64;
	[dreg:$0xd] =	wrdreg s22  }
0x14: {  	s14 =	simm.s32 $0x2;
	s15 =	simm.s32 $0x3;
	[dreg:$0xe] =	wrdreg s23  }
.Ltmp0:
0x15: {  	s1 =	sadd.s32 s0, s17;
	[dreg:$0xf] =	wrdreg s24;
	(pc) =	sbr.rel .LBB2_1-.Ltmp0, $4  }
0x16: {  	s0 =	sadd.s32 s0, s18;
	[dreg:$0x10] =	wrdreg s25;
	s21 =	simm.s32 $0x1CC0  }
0x17: {  	s22 =	simm.s32 $0x5;
	s24 =	simm.s32 $0x820;
	s23 =	simm.s32 $0x1  }
0x18: {  	s4 =	simm.s32 $0x67C0;
	[dreg:$0x9] =	wrdreg s1;
	s0 =	sadd.s32 $0x18600, s0  }
0x19: {  	v0 =	vimm.f32 $0.0e+00;
	v1 =	vimm.s32 $0x0;
	s17 =	simm.s32 $0x0;
	[dreg:$0xa] =	wrdreg s0;
	s0 =	simm.s32 $0x1680  }
.LBB2_12:
0x1a: {  	s1 =	simm.s32 $0x4  }
0x1b: {  	_ =	swait.ge [sflag:s1], $0x3E80  }
0x1c: {  	[sflag:s1] =	ssyncset.done $0x0  }
0x1d: {  	[sflag:s1] =	ssyncadd.s32 $0xFFFFC180  }
0x1e: {  	s20 =	stileid.u32;
	[bflag:$0x0] =	sbarrier.arrive $0xFFFF  }
0x1f: {  	s1 =	sshll.u32 s20, $0x6;
	s3 =	rddreg [dreg:$0x9]  }
0x20: {  	s1 =	sor.u32 $0x1C05, s1;
	s9 =	rddreg [dreg:$0x11]  }
0x21: {  	[hbm:s3], [sflag:s1] =	dma.local [spmem:s9], $0x1860  }
0x22: {  	_ =	swait.ge [sflag:s22], $0x1860  }
0x23: {  	[sflag:s22] =	ssyncset.done $0x0;
	s16 =	rddreg [dreg:$0x8]  }
0x24: {  	s9 =	rddreg [dreg:$0xa];
	[sflag:s22] =	ssyncadd.s32 $0xFFFFE7A0;
	s3 =	sshrl.u32 @!p0 s16, $0x3  }
0x25: {  	[hbm:s9], [sflag:s1] =	dma.local @!p0 [spmem:s3], $0xA0  }
0x26: {  	s1 =	simm.s32 @!p0 $0x5  }
0x27: {  	_ =	swait.ge @!p0 [sflag:s1], $0xA0  }
0x28: {  	s11 =	rddreg [dreg:$0x4]  }
0x29: {  	s25 =	rddreg [dreg:$0xb];
	s11 =	sadd.s32 $0x1, s11  }
0x2a: {  	p1 =	sne.s32 s11, s25  }
.Ltmp1:
0x2b: {  	_ = 	snop;
	(pc) =	sbr.rel @!p1 .LBB2_13-.Ltmp1, $3  }
0x2c: {  	_ =	sdelay $0x1  }
0x2d: {  	[sflag:s1] =	ssyncset.done @!p0 $0x0  }
0x2e: {  	[sflag:s1] =	ssyncadd.s32 @!p0 $0xFFFFFF60  }
.LBB2_1:
0x2f: {  	[dreg:$0x4] =	wrdreg s11;
	s9 =	simm.s32 $0x140;
	s3 =	simm.s32 $0x0  }
.LBB2_2:
0x30: {  	p1 =	sne.s32 s9, $0xF8C0;
	[tilespmem:s3+$0x1D00] =	vst v0;
	s1 =	smov.u32 s9;
	s9 =	sadd.s32 $0x140, s9  }
.Ltmp2:
0x31: {  	[tilespmem:s3+$0x1CF0] =	vst v0;
	(pc) =	sbr.rel @p1 .LBB2_2-.Ltmp2, $4  }
0x32: {  	[tilespmem:s3+$0x1CE0] =	vst v0  }
0x33: {  	[tilespmem:s3+$0x1CC0] =	vst v0  }
0x34: {  	[tilespmem:s3+$0x1CD0] =	vst v0  }
0x35: {  	s3 =	sshra.s32 s1, $0x2  }
0x36: {  	[tilespmem:s3+$0x1D00] =	vst v0  }
0x37: {  	[tilespmem:s3+$0x1CF0] =	vst v0  }
0x38: {  	[tilespmem:s3+$0x1CE0] =	vst v0  }
0x39: {  	[tilespmem:s3+$0x1CC0] =	vst v0  }
0x3a: {  	[tilespmem:s3+$0x1CD0] =	vst v0;
	s1 =	rddreg [dreg:$0x6]  }
0x3b: {  	[spmem:s1] =	stream.linear.scatter [tilespmem:s21], [sflag:$0x5], $0x1E00, $0x38;
	[tilespmem:$0x169A0] =	vst v63  }
0x3c: {  	_ =	swait.ge [sflag:s22], $0x1E00  }
0x3d: {  	[sflag:s22] =	ssyncset.done $0x0  }
0x3e: {  	s25 =	rddreg [dreg:$0xc];
	[sflag:s22] =	ssyncadd.s32 $0xFFFFE200  }
0x3f: {  	[spmem:s25] =	stream.linear.scatter [tilespmem:s21], [sflag:$0x5], $0x1E00, $0x38;
	[tilespmem:$0x169A0] =	vst v63  }
0x40: {  	_ =	swait.ge [sflag:s22], $0x1E00  }
0x41: {  	[sflag:s22] =	ssyncset.done $0x0  }
0x42: {  	s3 =	rddreg [dreg:$0xd];
	[sflag:s22] =	ssyncadd.s32 $0xFFFFE200  }
0x43: {  	[spmem:s3] =	stream.linear.scatter [tilespmem:s21], [sflag:$0x5], $0x1E00, $0x38;
	[tilespmem:$0x169A0] =	vst v63  }
0x44: {  	_ =	swait.ge [sflag:s22], $0x1E00  }
0x45: {  	[sflag:s22] =	ssyncset.done $0x0  }
0x46: {  	s9 =	rddreg [dreg:$0xe];
	[sflag:s22] =	ssyncadd.s32 $0xFFFFE200  }
0x47: {  	[spmem:s9] =	stream.linear.scatter [tilespmem:s21], [sflag:$0x5], $0x1E00, $0x38;
	[tilespmem:$0x169A0] =	vst v63  }
0x48: {  	_ =	swait.ge [sflag:s22], $0x1E00  }
0x49: {  	[sflag:s22] =	ssyncset.done $0x0  }
0x4a: {  	s11 =	rddreg [dreg:$0xf];
	[sflag:s22] =	ssyncadd.s32 $0xFFFFE200  }
0x4b: {  	[spmem:s11] =	stream.linear.scatter [tilespmem:s21], [sflag:$0x5], $0x1E00, $0x38;
	[tilespmem:$0x169A0] =	vst v63  }
0x4c: {  	_ =	swait.ge [sflag:s22], $0x1E00  }
0x4d: {  	[sflag:s22] =	ssyncset.done $0x0  }
0x4e: {  	s18 =	rddreg [dreg:$0x10];
	[sflag:s22] =	ssyncadd.s32 $0xFFFFE200  }
0x4f: {  	[spmem:s18] =	stream.linear.scatter [tilespmem:s21], [sflag:$0x5], $0x1E00, $0x38;
	[tilespmem:$0x169A0] =	vst v63  }
0x50: {  	_ =	swait.ge [sflag:s22], $0x1E00  }
0x51: {  	[sflag:s22] =	ssyncset.done $0x0  }
0x52: {  	s19 =	rddreg [dreg:$0x7];
	[sflag:s22] =	ssyncadd.s32 $0xFFFFE200  }
0x53: {  	[spmem:s19] =	stream.linear.scatter [tilespmem:s21], [sflag:$0x5], $0xF00, $0x38;
	[tilespmem:$0x169A0] =	vst v63  }
0x54: {  	_ =	swait.ge [sflag:s22], $0xF00  }
0x55: {  	[sflag:s22] =	ssyncset.done $0x0  }
0x56: {  	s1 =	simm.s32 @!p0 $0x1CC0;
	[sflag:s22] =	ssyncadd.s32 $0xFFFFF100  }
0x57: {  	[spmem:s16] =	stream.linear.scatter @!p0 [tilespmem:s1], [sflag:$0x5], $0x500, $0x38;
	[tilespmem:$0x169A0] =	vst v63  }
0x58: {  	s1 =	simm.s32 @!p0 $0x5  }
0x59: {  	_ =	swait.ge @!p0 [sflag:s1], $0x500  }
0x5a: {  	[sflag:s1] =	ssyncset.done @!p0 $0x0  }
0x5b: {  	s25 =	simm.s32 $0xA640;
	s20 =	rddreg [dreg:$0x5];
	[sflag:s1] =	ssyncadd.s32 @!p0 $0xFFFFFB00  }
0x5c: {  	[tilespmem:s25], [sflag:$0x5] =	stream.linear.gather [hbm4b:s20+s17], $0x10, $0x38;
	[tilespmem:$0x169A0] =	vst v63  }
.Ltmp3:
0x5d: {  	_ =	swait.ge [sflag:s22], $0x10;
	(pc) =	sbr.rel .LBB2_4-.Ltmp3, $4  }
0x5e: {  	[sflag:s22] =	ssyncset.done $0x0  }
0x5f: {  	[sflag:s22] =	ssyncadd.s32 $0xFFFFFFF0  }
0x60: {  	[bflag:$0x0] =	sbarrier.arrive $0xFFFF  }
0x61: {  	s18 =	simm.s32 $0x0;
	v2 =	vld [tilespmem:$0xA640]  }
.LBB2_11:
0x62: {  	s18 =	sadd.s32 $0x1, s18  }
0x63: {  	p1 =	sne.s32 s18, $0x5  }
.Ltmp4:
0x64: {  	_ = 	snop;
	(pc) =	sbr.rel @!p1 .LBB2_12-.Ltmp4, $4  }
0x65: {  	_ = 	snop  }
0x66: {  	[spmem:s2] =	stream.indirect.scatter.add.f32 [tilespmem:s4], [sflag:$0x4], $0x50, s25, s26, $0xb8;
	[tilespmem:$0x169A0] =	vst v63  }
0x67: {  	_ = 	snop  }
0x68: {  	[spmem:s2] =	stream.indirect.scatter.add.f32 [tilespmem:s10], [sflag:$0x4], $0x50, s9, s26, $0xb8;
	[tilespmem:$0x169A0] =	vst v63  }
.LBB2_4:
0x69: {  	p1 =	seq.s32 s18, $0x0  }
0x6a: {  	s1 =	simm.s32 @!p1 $0x4  }
0x6b: {  	_ =	swait.ge @!p1 [sflag:s1], $0x3E80  }
0x6c: {  	s3 =	smul.u32 $0x104, s18;
	[sflag:s1] =	ssyncset.done @!p1 $0x0  }
0x6d: {  	[sflag:s1] =	ssyncadd.s32 @!p1 $0xFFFFC180  }
0x6e: {  	s3 =	sadd.s32 s12, s3;
	s1 =	rddreg [dreg:$0x0]  }
0x6f: {  	s1 =	sadd.s32 s1, s3  }
0x70: {  	[tilespmem:s17], [sflag:$0x5] =	stream.linear.gather [hbm4b:s1+s17], $0x820, $0x38;
	[tilespmem:$0x169A0] =	vst v63  }
0x71: {  	_ =	swait.ge [sflag:s22], $0x820  }
0x72: {  	[sflag:s22] =	ssyncset.done $0x0  }
0x73: {  	s25 =	sadd.s32 s5, s3;
	[sflag:s22] =	ssyncadd.s32 $0xFFFFF7E0  }
0x74: {  	[tilespmem:s24], [sflag:$0x5] =	stream.linear.gather [hbm4b:s25+s17], $0x820, $0x38;
	[tilespmem:$0x169A0] =	vst v63  }
0x75: {  	_ =	swait.ge [sflag:s22], $0x820  }
0x76: {  	[sflag:s22] =	ssyncset.done $0x0  }
0x77: {  	[sflag:s22] =	ssyncadd.s32 $0xFFFFF7E0  }
0x78: {  	[tilespmem:s21], [sflag:$0x1] =	stream.indirect.gather [hbm4b:s6+s26], $0x50, s17, s26, $0xb8;
	[tilespmem:$0x169A0] =	vst v63  }
0x79: {  	_ = 	snop  }
0x7a: {  	[tilespmem:s28], [sflag:$0x1] =	stream.indirect.gather [hbm4b:s7+s26], $0x10, s24, s26, $0xb8;
	[tilespmem:$0x169A0] =	vst v63  }
0x7b: {  	_ = 	snop  }
0x7c: {  	[tilespmem:s30], [sflag:$0x1] =	stream.indirect.gather [hbm4b:s6+s26], $0x50, s29, s26, $0xb8;
	[tilespmem:$0x169A0] =	vst v63  }
0x7d: {  	s19 =	simm.s32 $0x0  }
0x7e: {  	[tilespmem:s0], [sflag:$0x1] =	stream.indirect.gather [hbm4b:s7+s26], $0x10, s31, s26, $0xb8;
	[tilespmem:$0x169A0] =	vst v63  }
.LBB2_5:
0x7f: {  	_ =	swait.ge [sflag:s23], $0x3E80  }
0x80: {  	[sflag:s23] =	ssyncset.done $0x0  }
0x81: {  	[sflag:s23] =	ssyncadd.s32 $0xFFFFC180  }
0x82: {  	_ =	swait.ge [sflag:s23], $0xC80  }
0x83: {  	p1 =	seq.s32 s19, $0x0;
	[sflag:s23] =	ssyncset.done $0x0  }
0x84: {  	s1 =	simm.s32 @!p1 $0x4;
	[sflag:s23] =	ssyncadd.s32 $0xFFFFF380  }
0x85: {  	s20 =	smul.u32 $0x1A0, s19;
	_ =	swait.ge @!p1 [sflag:s1], $0x3E80  }
0x86: {  	[sflag:s1] =	ssyncset.done @!p1 $0x0  }
0x87: {  	s11 =	sadd.s32 $0xD0, s20;
	[sflag:s1] =	ssyncadd.s32 @!p1 $0xFFFFC180  }
0x88: {  	[tilespmem:s4], [sflag:$0x2] =	stream.indirect.gather [hbm4b:s6+s26], $0x50, s11, s26, $0xb8;
	[tilespmem:$0x169A0] =	vst v63  }
0x89: {  	s25 =	sadd.s32 $0x8F0, s20  }
0x8a: {  	[tilespmem:s8], [sflag:$0x2] =	stream.indirect.gather [hbm4b:s7+s26], $0x10, s25, s26, $0xb8;
	[tilespmem:$0x169A0] =	vst v63  }
0x8b: {  	s16 =	sadd.s32 $0x138, s20  }
0x8c: {  	[tilespmem:s10], [sflag:$0x2] =	stream.indirect.gather [hbm4b:s6+s26], $0x50, s16, s26, $0xb8;
	[tilespmem:$0x169A0] =	vst v63  }
0x8d: {  	s9 =	sadd.s32 $0x958, s20;
	s16 =	simm.s32 $0x1CE0  }
0x8e: {  	[tilespmem:s13], [sflag:$0x2] =	stream.indirect.gather [hbm4b:s7+s26], $0x10, s9, s26, $0xb8;
	[tilespmem:$0x169A0] =	vst v63  }
0x8f: {  	s3 =	simm.s32 $0x40;
	s1 =	simm.s32 $0x0;
	s11 =	simm.s32 $0x1CE0;
	v3 =	vld [tilespmem:s16+$0x20]  }
.LBB2_6:
0x90: {  	p1 =	sne.s32 s3, $0x31C0;
	v4 =	vld [tilespmem:s1+$0x1040];
	_ =	sdelay $0x4  }
0x91: {  	v3 =	vadd.f32 v4, v3;
	_ =	sdelay $0x1  }
0x92: {  	v4 =	vmul.f32 $2.000000030e-01, v3;
	_ =	sdelay $0x1  }
0x93: {  	v3 =	vmax.f32 v3, v4  }
0x94: {  	v3 =	vsub.f32 v3, v2;
	_ =	sdelay $0x1  }
0x95: {  	v3 =	vmul.f32 $1.442695020e+00, v3;
	_ =	sdelay $0x1  }
0x96: {  	(erf) = vpow2.f32 v3;
	_ =	sdelay $0x4  }
0x97: {  	v3 =	vld [tilespmem:s16+$0xFFFFFFF0]  }
0x98: {  	v4 =	vld [tilespmem:s16+$0x10]  }
0x99: {  	v5 =	vld [tilespmem:s16+$0xFFFFFFE0]  }
0x9a: {  	v6 =	vld [tilespmem:s16+$0x0]  }
0x9b: {  	v7 =	vpop (erf)  }
0x9c: {  	[tilespmem:s16+$0x20] =	vst v7;
	v7 =	vperm.xlane v7, v1;
	_ =	sdelay $0x1  }
0x9d: {  	v5 =	vmul.f32 v5, v7;
	v3 =	vmul.f32 v3, v7  }
.Ltmp5:
0x9e: {  	v4 =	vmul.f32 v4, v7;
	v6 =	vmul.f32 v6, v7;
	(pc) =	sbr.rel @p1 .LBB2_6-.Ltmp5, $4  }
0x9f: {  	[tilespmem:s16+$0xFFFFFFE0] =	vst v5  }
0xa0: {  	[tilespmem:s16+$0xFFFFFFF0] =	vst v3  }
0xa1: {  	s16 =	sadd.s32 $0x50, s16;
	[tilespmem:s11+$0x0] =	vst v6  }
0xa2: {  	s1 =	sshra.s32 s3, $0x2;
	s3 =	sadd.s32 $0x40, s3;
	v3 =	vld [tilespmem:s16+$0x20];
	[tilespmem:s11+$0x10] =	vst v4;
	s11 =	smov.u32 s16  }
0xa3: {  	v4 =	vld [tilespmem:s1+$0x1040];
	_ =	sdelay $0x4  }
0xa4: {  	v3 =	vadd.f32 v4, v3;
	_ =	sdelay $0x1  }
0xa5: {  	v4 =	vmul.f32 $2.000000030e-01, v3;
	_ =	sdelay $0x1  }
0xa6: {  	v3 =	vmax.f32 v3, v4  }
0xa7: {  	v3 =	vsub.f32 v3, v2;
	_ =	sdelay $0x1  }
0xa8: {  	v3 =	vmul.f32 $1.442695020e+00, v3;
	_ =	sdelay $0x1  }
0xa9: {  	(erf) = vpow2.f32 v3;
	_ =	sdelay $0x6  }
0xaa: {  	v3 =	vld [tilespmem:s16+$0xFFFFFFE0]  }
0xab: {  	v4 =	vld [tilespmem:s16+$0xFFFFFFF0]  }
0xac: {  	v5 =	vld [tilespmem:s16+$0x0];
	v6 =	vpop (erf)  }
0xad: {  	v7 =	vld [tilespmem:s16+$0x10];
	v8 =	vperm.xlane v6, v1;
	_ =	sdelay $0x1  }
0xae: {  	v3 =	vmul.f32 v3, v8  }
0xaf: {  	[tilespmem:s16+$0x20] =	vst v6;
	v4 =	vmul.f32 v4, v8  }
0xb0: {  	s3 =	smul.u32 $0x680, s19;
	v5 =	vmul.f32 v5, v8;
	[tilespmem:s16+$0xFFFFFFE0] =	vst v3  }
0xb1: {  	v3 =	vmul.f32 v7, v8;
	[tilespmem:s16+$0xFFFFFFF0] =	vst v4  }
0xb2: {  	s1 =	sshra.s32 s3, $0x2;
	[tilespmem:s11+$0x0] =	vst v5  }
0xb3: {  	s3 =	sadd.s32 $0x820, s1;
	[tilespmem:s11+$0x10] =	vst v3  }
0xb4: {  	[spmem:s2] =	stream.indirect.scatter.add.f32 [tilespmem:s21], [sflag:$0x3], $0x50, s3, s26, $0xb8;
	[tilespmem:$0x169A0] =	vst v63  }
0xb5: {  	s1 =	sadd.s32 $0x888, s1  }
0xb6: {  	[spmem:s2] =	stream.indirect.scatter.add.f32 [tilespmem:s30], [sflag:$0x3], $0x50, s1, s26, $0xb8;
	[tilespmem:$0x169A0] =	vst v63  }
0xb7: {  	_ =	swait.ge [sflag:s14], $0x3E80  }
0xb8: {  	[sflag:s14] =	ssyncset.done $0x0  }
0xb9: {  	[sflag:s14] =	ssyncadd.s32 $0xFFFFC180  }
0xba: {  	_ =	swait.ge [sflag:s14], $0xC80  }
0xbb: {  	[sflag:s14] =	ssyncset.done $0x0  }
0xbc: {  	s16 =	simm.s32 $0x67E0;
	[sflag:s14] =	ssyncadd.s32 $0xFFFFF380  }
0xbd: {  	s11 =	simm.s32 $0x67E0;
	s3 =	simm.s32 $0x40;
	s1 =	simm.s32 $0x0;
	v3 =	vld [tilespmem:s16+$0x20]  }
.LBB2_8:
0xbe: {  	p1 =	sne.s32 s3, $0x31C0;
	v4 =	vld [tilespmem:s1+$0x5B40];
	_ =	sdelay $0x4  }
0xbf: {  	v3 =	vadd.f32 v4, v3;
	_ =	sdelay $0x1  }
0xc0: {  	v4 =	vmul.f32 $2.000000030e-01, v3;
	_ =	sdelay $0x1  }
0xc1: {  	v3 =	vmax.f32 v3, v4  }
0xc2: {  	v3 =	vsub.f32 v3, v2;
	_ =	sdelay $0x1  }
0xc3: {  	v3 =	vmul.f32 $1.442695020e+00, v3;
	_ =	sdelay $0x1  }
0xc4: {  	(erf) = vpow2.f32 v3;
	_ =	sdelay $0x4  }
0xc5: {  	v3 =	vld [tilespmem:s16+$0xFFFFFFF0]  }
0xc6: {  	v4 =	vld [tilespmem:s16+$0x10]  }
0xc7: {  	v5 =	vld [tilespmem:s16+$0xFFFFFFE0]  }
0xc8: {  	v6 =	vld [tilespmem:s16+$0x0]  }
0xc9: {  	v7 =	vpop (erf)  }
0xca: {  	[tilespmem:s16+$0x20] =	vst v7;
	v7 =	vperm.xlane v7, v1;
	_ =	sdelay $0x1  }
0xcb: {  	v5 =	vmul.f32 v5, v7;
	v3 =	vmul.f32 v3, v7  }
.Ltmp6:
0xcc: {  	v4 =	vmul.f32 v4, v7;
	v6 =	vmul.f32 v6, v7;
	(pc) =	sbr.rel @p1 .LBB2_8-.Ltmp6, $4  }
0xcd: {  	[tilespmem:s16+$0xFFFFFFE0] =	vst v5  }
0xce: {  	[tilespmem:s16+$0xFFFFFFF0] =	vst v3  }
0xcf: {  	s16 =	sadd.s32 $0x50, s16;
	[tilespmem:s11+$0x0] =	vst v6  }
0xd0: {  	s1 =	sshra.s32 s3, $0x2;
	s3 =	sadd.s32 $0x40, s3;
	v3 =	vld [tilespmem:s16+$0x20];
	[tilespmem:s11+$0x10] =	vst v4;
	s11 =	smov.u32 s16  }
0xd1: {  	v4 =	vld [tilespmem:s1+$0x5B40];
	_ =	sdelay $0x4  }
0xd2: {  	v3 =	vadd.f32 v4, v3;
	_ =	sdelay $0x1  }
0xd3: {  	v4 =	vmul.f32 $2.000000030e-01, v3;
	_ =	sdelay $0x1  }
0xd4: {  	v3 =	vmax.f32 v3, v4  }
0xd5: {  	v3 =	vsub.f32 v3, v2;
	_ =	sdelay $0x1  }
0xd6: {  	v3 =	vmul.f32 $1.442695020e+00, v3;
	_ =	sdelay $0x1  }
0xd7: {  	(erf) = vpow2.f32 v3;
	_ =	sdelay $0x6  }
0xd8: {  	v3 =	vld [tilespmem:s16+$0xFFFFFFE0]  }
0xd9: {  	v63 =	vld [tilespmem:s16+$0xFFFFFFF0]  }
0xda: {  	v5 =	vld [tilespmem:s16+$0x0];
	v6 =	vpop (erf)  }
0xdb: {  	v7 =	vld [tilespmem:s16+$0x10];
	v8 =	vperm.xlane v6, v1;
	_ =	sdelay $0x1  }
0xdc: {  	v3 =	vmul.f32 v3, v8  }
0xdd: {  	[tilespmem:s16+$0x20] =	vst v6;
	v4 =	vmul.f32 v63, v8  }
0xde: {  	v5 =	vmul.f32 v5, v8;
	[tilespmem:s16+$0xFFFFFFE0] =	vst v3  }
0xdf: {  	p1 =	seq.s32 s19, $0x4;
	v3 =	vmul.f32 v7, v8;
	[tilespmem:s16+$0xFFFFFFF0] =	vst v4  }
.Ltmp7:
0xe0: {  	[tilespmem:s11+$0x0] =	vst v5;
	(pc) =	sbr.rel @p1 .LBB2_11-.Ltmp7, $4  }
0xe1: {  	[tilespmem:s11+$0x10] =	vst v3  }
0xe2: {  	_ =	swait.ge [sflag:s15], $0x3E80  }
0xe3: {  	[sflag:s15] =	ssyncset.done $0x0  }
0xe4: {  	[sflag:s15] =	ssyncadd.s32 $0xFFFFC180  }
0xe5: {  	s1 =	sadd.s32 $0x1A0, s20  }
0xe6: {  	[tilespmem:s21], [sflag:$0x1] =	stream.indirect.gather [hbm4b:s6+s26], $0x50, s1, s26, $0xb8;
	[tilespmem:$0x169A0] =	vst v63  }
0xe7: {  	s11 =	sadd.s32 $0x9C0, s20  }
0xe8: {  	[tilespmem:s28], [sflag:$0x1] =	stream.indirect.gather [hbm4b:s7+s26], $0x10, s11, s26, $0xb8;
	[tilespmem:$0x169A0] =	vst v63  }
0xe9: {  	s16 =	sadd.s32 $0x208, s20  }
0xea: {  	[tilespmem:s30], [sflag:$0x1] =	stream.indirect.gather [hbm4b:s6+s26], $0x50, s16, s26, $0xb8;
	[tilespmem:$0x169A0] =	vst v63  }
0xeb: {  	s20 =	sadd.s32 $0xA28, s20  }
0xec: {  	[tilespmem:s0], [sflag:$0x1] =	stream.indirect.gather [hbm4b:s7+s26], $0x10, s20, s26, $0xb8;
	[tilespmem:$0x169A0] =	vst v63  }
.Ltmp8:
0xed: {  	_ = 	snop;
	(pc) =	sbr.rel .LBB2_5-.Ltmp8, $4  }
0xee: {  	_ = 	snop  }
0xef: {  	[spmem:s2] =	stream.indirect.scatter.add.f32 [tilespmem:s4], [sflag:$0x4], $0x50, s25, s26, $0xb8;
	[tilespmem:$0x169A0] =	vst v63  }
0xf0: {  	s19 =	sadd.s32 $0x1, s19  }
0xf1: {  	[spmem:s2] =	stream.indirect.scatter.add.f32 [tilespmem:s10], [sflag:$0x4], $0x50, s9, s26, $0xb8;
	[tilespmem:$0x169A0] =	vst v63  }
.LBB2_13:
0xf2: {  	_ =	sfence.sel $0x180000  }
0xf3: {  	[bflag:$0x0] =	sbarrier.arrive $0xFFFF  }
0xf4: {  	_ =	strace $0x9000004A  }
0xf5: {  	s0 =	stileid.u32;
	[bflag:$0x2] =	sbarrier.arrive $0xFFFF  }
0xf6: {  	p0 =	sne.s32 s0, $0x0;
	s0 =	rddreg [dreg:$0x3]  }
0xf7: {  	s0 =	sadd.s32 @!p0 $0x100000, s0  }
0xf8: {  	[sflag:s0] =	ssyncadd.tile.s32 @!p0 $0x1;
	_ =	shalt  }
.Lfunc_end2:
_tile_overlayer_lowered:
.L_overlay_start_2:
0xf9: {  	(tag) =	ssettag $0x2  }
0xfa: {  	s0 =	rddreg [dreg:$0x0];
	s2 =	stileid.u32  }
0xfb: {  	s1 =	rddreg [dreg:$0x1];
	p0 =	sne.s32 s2, $0x0  }
0xfc: {  	s3 =	rddreg [dreg:$0x2];
	[bflag:$0x3] =	sbarrier.arrive $0xFFFF;
	s2 =	simm.s32 @!p0 $0x1C05  }
0xfd: {  	[timem:s3], [sflag:s2] =	dma.local @!p0 [hbm:s0], s1  }
0xfe: {  	s0 =	simm.s32 @!p0 $0x5  }
0xff: {  	_ =	swait.ge @!p0 [sflag:s0], s1  }
0x100: {  	s1 =	ssub.s32 @!p0 $0x0, s1;
	[sflag:s0] =	ssyncset.done @!p0 $0x0  }
0x101: {  	[sflag:s0] =	ssyncadd.s32 @!p0 s1  }
0x102: {  	[bflag:$0x3] =	sbarrier.arrive $0xFFFF  }
0x103: {  	_ =	shalt  }

// kernel: kernel.7.cloned.1.call-start
scs
__scs_entry_jumppad:
0x0: {  	(pc) =	sbr.rel $0x88, $3  }
0x1: {  	(tag) =	ssettag $0x0;
	lr =	simm.s32 $0x1  }
0x2: {  	[smem:$0x3F97] =	sst lr;
	_ =	strace $0xD0000000  }
0x3: {  	_ = 	snop  }
0x4: {  	_ = 	snop  }
0x5: {  	_ = 	snop  }
0x6: {  	_ = 	snop  }
0x7: {  	_ = 	snop  }
__scs_overlays_trampoline_lowered:
0x8: {  	[smem:$0x3FA6] =	sst s0  }
0x9: {  	[smem:$0x3FA7] =	sst s1  }
0xa: {  	[smem:$0x3FA8] =	sst s2  }
0xb: {  	[smem:$0x3FA9] =	sst s3  }
0xc: {  	[smem:$0x3FAA] =	sst s4  }
0xd: {  	[smem:$0x3FAB] =	sst s5  }
0xe: {  	[smem:$0x3FAC] =	sst s6  }
0xf: {  	[smem:$0x3FAD] =	sst s7  }
0x10: {  	[smem:$0x3FAE] =	sst s8  }
0x11: {  	[smem:$0x3FAF] =	sst s9;
	s0 =	simm.s32 @!p0 $0x0  }
0x12: {  	s1 =	sld [smem:$0x3F95];
	s0 =	simm.s32 @p0 $0x1  }
0x13: {  	[smem:$0x3FB0] =	sst s0;
	s0 =	simm.s32 @!p1 $0x0  }
0x14: {  	s2 =	sld [smem:$0x3F94];
	s0 =	simm.s32 @p1 $0x1  }
0x15: {  	[smem:$0x3FB1] =	sst s0;
	s0 =	simm.s32 @!p2 $0x0  }
0x16: {  	s3 =	sld [smem:$0x3FDB];
	s0 =	simm.s32 @p2 $0x1  }
0x17: {  	s4 =	simm.s32 $0x1BF5;
	[smem:$0x3FB3] =	sst s0  }
0x18: {  	s0 =	sld [smem:$0x3F96];
	_ =	swait.ge [sflag:s4], $0x0  }
0x19: {  	s7 =	sld [smem:$0x3F97]  }
0x1a: {  	s8 =	sadd.s32 $0xFFFFE003, lr  }
0x1b: {  	s9 =	sadd.s32 $0xFFFFFEF7, lr;
	s5 =	simm.s32 $0xFFFFFFFF;
	p2 =	slt.u32 s8, $0xFFFFF086  }
0x1c: {  	p1 =	slt.u32 s9, $0xF7A;
	s5 =	simm.s32 @!p2 $0x0  }
0x1d: {  	s5 =	simm.s32 @p1 $0x1;
	p0 =	seq.s32 s7, s2  }
0x1e: {  	s7 =	smul.u32 @!p0 $0xF7A, s2;
	p2 =	seq.s32 @!p0 s5, $0x0  }
0x1f: {  	s9 =	smul.u32 $0xF7A, s1;
	s8 =	simm.s32 @!p0 $0x1BF5;
	p2 =	por !p2, p0  }
0x20: {  	[sflag:s8] =	ssyncset.s32 @!p0 $0xFFFFF086;
	s6 =	sadd.s32 @!p0 s3, s7;
	s7 =	simm.s32 @!p0 $0x108  }
0x21: {  	s3 =	sadd.s32 s3, s9;
	s6 =	sadd.s32 @!p0 $0x88, s6;
	s7 =	simm.s32 @p2 $0x1082  }
0x22: {  	[simem:s7], [sflag:s8] =	dma.local @!p0 [hbm:s6], $0xF7A  }
0x23: {  	s9 =	sor.u32 $0xD0000000, s2;
	s6 =	simm.s32 $0x108;
	_ =	swait.ge @!p0 [sflag:s8], $0x0  }
0x24: {  	s3 =	sadd.s32 $0x88, s3;
	s6 =	simm.s32 @!p1 $0x1082;
	[sflag:s4] =	ssyncset.s32 $0xFFFFF086  }
0x25: {  	[simem:s6], [sflag:s4] =	dma.local [hbm:s3], $0xF7A  }
0x26: {  	[smem:$0x3F97] =	sst s1;
	(tag) =	ssettag s2;
	_ =	strace s9  }
0x27: {  	s1 =	sld [smem:$0x3FA7]  }
0x28: {  	s2 =	sld [smem:$0x3FA8]  }
0x29: {  	s4 =	sld [smem:$0x3FAA]  }
0x2a: {  	p0 =	seq.s32 s5, $0x0;
	s5 =	sld [smem:$0x3FAB]  }
0x2b: {  	s6 =	sld [smem:$0x3FAC]  }
0x2c: {  	s7 =	sld [smem:$0x3FAD]  }
0x2d: {  	s3 =	simm.s32 $0x108;
	s8 =	sld [smem:$0x3FAE]  }
0x2e: {  	s3 =	simm.s32 @!p0 $0x1082;
	s9 =	sld [smem:$0x3FAF]  }
0x2f: {  	lr =	sadd.s32 s0, s3;
	s0 =	sld [smem:$0x3FA6]  }
0x30: {  	s3 =	sld [smem:$0x3FA9]  }
0x31: {  	[smem:$0x3FB2] =	sst s10  }
0x32: {  	s10 =	sld [smem:$0x3FB0];
	_ =	sdelay $0x3  }
0x33: {  	p0 =	seq.s32 s10, $0x1;
	s10 =	sld [smem:$0x3FB2];
	_ =	sdelay $0x3  }
0x34: {  	[smem:$0x3FB2] =	sst s10  }
0x35: {  	s10 =	sld [smem:$0x3FB1];
	_ =	sdelay $0x3  }
0x36: {  	p1 =	seq.s32 s10, $0x1;
	s10 =	sld [smem:$0x3FB2];
	_ =	sdelay $0x3  }
0x37: {  	[smem:$0x3FB2] =	sst s10  }
0x38: {  	s10 =	sld [smem:$0x3FB3]  }
0x39: {  	_ = 	snop;
	(pc) =	sbr.ind lr, $3  }
0x3a: {  	_ = 	snop  }
0x3b: {  	_ = 	snop  }
0x3c: {  	p2 =	seq.s32 s10, $0x1;
	s10 =	sld [smem:$0x3FB2]  }
0x3d: {  	_ =	shalt  }
0x3e: {  	_ =	shalt  }
0x3f: {  	_ =	shalt  }
0x40: {  	_ =	shalt  }
0x41: {  	_ =	shalt  }
0x42: {  	_ =	shalt  }
0x43: {  	_ =	shalt  }
0x44: {  	_ =	shalt  }
0x45: {  	_ =	shalt  }
0x46: {  	_ =	shalt  }
0x47: {  	_ =	shalt  }
0x48: {  	_ =	shalt  }
0x49: {  	_ =	shalt  }
0x4a: {  	_ =	shalt  }
0x4b: {  	_ =	shalt  }
0x4c: {  	_ =	shalt  }
0x4d: {  	_ =	shalt  }
0x4e: {  	_ =	shalt  }
0x4f: {  	_ =	shalt  }
0x50: {  	_ =	shalt  }
0x51: {  	_ =	shalt  }
0x52: {  	_ =	shalt  }
0x53: {  	_ =	shalt  }
0x54: {  	_ =	shalt  }
0x55: {  	_ =	shalt  }
0x56: {  	_ =	shalt  }
0x57: {  	_ =	shalt  }
0x58: {  	_ =	shalt  }
0x59: {  	_ =	shalt  }
0x5a: {  	_ =	shalt  }
0x5b: {  	_ =	shalt  }
0x5c: {  	_ =	shalt  }
0x5d: {  	_ =	shalt  }
0x5e: {  	_ =	shalt  }
0x5f: {  	_ =	shalt  }
0x60: {  	_ =	shalt  }
0x61: {  	_ =	shalt  }
0x62: {  	_ =	shalt  }
0x63: {  	_ =	shalt  }
0x64: {  	_ =	shalt  }
0x65: {  	_ =	shalt  }
0x66: {  	_ =	shalt  }
0x67: {  	_ =	shalt  }
0x68: {  	_ =	shalt  }
0x69: {  	_ =	shalt  }
0x6a: {  	_ =	shalt  }
0x6b: {  	_ =	shalt  }
0x6c: {  	_ =	shalt  }
0x6d: {  	_ =	shalt  }
0x6e: {  	_ =	shalt  }
0x6f: {  	_ =	shalt  }
0x70: {  	_ =	shalt  }
0x71: {  	_ =	shalt  }
0x72: {  	_ =	shalt  }
0x73: {  	_ =	shalt  }
0x74: {  	_ =	shalt  }
0x75: {  	_ =	shalt  }
0x76: {  	_ =	shalt  }
0x77: {  	_ =	shalt  }
0x78: {  	_ =	shalt  }
0x79: {  	_ =	shalt  }
0x7a: {  	_ =	shalt  }
0x7b: {  	_ =	shalt  }
0x7c: {  	_ =	shalt  }
0x7d: {  	_ =	shalt  }
0x7e: {  	_ =	shalt  }
0x7f: {  	_ =	shalt  }
0x80: {  	_ =	shalt  }
0x81: {  	_ =	shalt  }
0x82: {  	_ =	shalt  }
0x83: {  	_ =	shalt  }
0x84: {  	_ =	shalt  }
0x85: {  	_ =	shalt  }
0x86: {  	_ =	shalt  }
0x87: {  	_ =	shalt  }
.Lfunc_end0:
.L_simem_size_0:
called_computation_lowered:
.L_overlay_start_0:
0x88: {  	s2 =	sld [smem:$0x3FD9]  }
0x89: {  	s3 =	sld [smem:$0x3FFE];
	_ =	sdelay $0x1  }
0x8a: {  	s1 =	srdreg.scid  }
0x8b: {  	s0 =	sand.u32 $0x1, s1  }
0x8c: {  	s17 =	sshll.u32 s0, $0xA;
	s2 =	sadd.s32 s3, s2  }
0x8d: {  	s2 =	sadd.s32 s2, s17  }
0x8e: {  	[smem:$0x3FBE] =	sst s2  }
0x8f: {  	_ = 	snop  }
0x90: {  	s2 =	sld [smem:$0x3FD0];
	(tm) =	ssettm $0x1  }
0x91: {  	s18 =	sld [smem:$0x3FFB];
	_ =	sdelay $0x3  }
0x92: {  	_ =	strace s18  }
0x93: {  	s3 =	sld [smem:$0x3FFC];
	_ =	sdelay $0x3  }
0x94: {  	_ =	strace s3  }
0x95: {  	s3 =	sld [smem:$0x3FFD];
	_ =	sdelay $0x3  }
0x96: {  	_ =	strace s3  }
0x97: {  	_ =	strace $0x8FFFFFFF  }
0x98: {  	s19 =	sld [smem:$0x3FDB];
	_ =	sdelay $0x1  }
0x99: {  	s4 =	simm.s32 $_scs_section_size  }
0x9a: {  	s5 =	simm.s32 $_size__tile_overlayer_lowered;
	s6 =	simm.s32 $_tile_overlayer_lowered  }
0x9b: {  	s22 =	simm.s32 $0x1BFF;
	s21 =	sshll.u32 s6, $0x1;
	s3 =	sadd.s32 s4, s19  }
0x9c: {  	s7 =	simm.s32 $0x0;
	s20 =	sshll.u32 s5, $0x1;
	s5 =	sadd.s32 s21, s3  }
0x9d: {  	[timem:s7], [sflag:s22] =	dma.local [hbm:s5], s20  }
0x9e: {  	_ =	swait.ge [sflag:s22], s20  }
0x9f: {  	s4 =	ssub.s32 $0x0, s20;
	[sflag:s22] =	ssyncset.done $0x0  }
0xa0: {  	[sflag:s22] =	ssyncadd.s32 s4;
	_ =	sdelay $0x1  }
0xa1: {  	s23 =	simm.s32 $0x1B8B  }
0xa2: {  	_ =	swait.ge [sflag:s23], $0x1  }
0xa3: {  	[sflag:s23] =	ssyncset.done $0x0  }
0xa4: {  	s25 =	simm.s32 $0x1B8E;
	s24 =	sld [smem:$0x3FFE];
	[sflag:s23] =	ssyncadd.s32 $0xFFFFFFFF  }
0xa5: {  	s26 =	simm.s32 $execute0_lowered;
	[smem:$0x3FD2] =	sst s25  }
0xa6: {  	s5 =	sshll.u32 s26, $0x1;
	_ =	strace $0x80000046;
	[dreg:$0x1] =	wrdreg $0xFFFFFFFF  }
0xa7: {  	s28 =	simm.s32 $_size_execute0_lowered;
	s3 =	sadd.s32 s3, s5;
	[dreg:$0x0] =	wrdreg $0x0  }
0xa8: {  	s5 =	sshll.u32 s28, $0x1;
	[dreg:$0x2] =	wrdreg s3  }
0xa9: {  	[dreg:$0x3] =	wrdreg s5  }
0xaa: {  	[dreg:$0x4] =	wrdreg $0xC0  }
0xab: {  	_ =	task [dreg:s7], $0x5FFFF  }
0xac: {  	[dreg:$0x1] =	wrdreg $0xFFFFFFFF  }
0xad: {  	[dreg:$0x0] =	wrdreg $0x60  }
0xae: {  	[dreg:$0x2] =	wrdreg s2  }
0xaf: {  	[dreg:$0x3] =	wrdreg s24  }
0xb0: {  	[dreg:$0x4] =	wrdreg $0x8D500  }
0xb1: {  	[dreg:$0x5] =	wrdreg $0x9  }
0xb2: {  	_ =	task.clear_ibuf [dreg:s7], $0x6FFFF;
	_ =	strace $0x90000046  }
0xb3: {  	s29 =	simm.s32 $0x9;
	_ =	strace $0x80000048  }
0xb4: {  	_ =	swait.ge [sflag:s29], $0x1  }
0xb5: {  	[sflag:s29] =	ssyncadd.s32 $0xFFFFFFFF  }
0xb6: {  	_ =	strace $0x90000048  }
0xb7: {  	_ =	sfence  }
0xb8: {  	s30 =	sld [smem:$0x0];
	_ =	sdelay $0x2  }
0xb9: {  	s31 =	sshll.u32 s1, $0xD;
	s1 =	sshrl.u32 s1, $0x2  }
0xba: {  	s3 =	sand.u32 $0x4000, s31;
	s1 =	sadd.s32 s1, s30  }
0xbb: {  	s0 =	sor.u32 s3, s0;
	s1 =	sshll.u32 s1, $0x11  }
0xbc: {  	s0 =	sor.u32 s1, s0  }
0xbd: {  	s0 =	sadd.s32 $0x8F2B, s0  }
0xbe: {  	[sflag:s0] =	ssyncadd.remote.s32 $0x1  }
0xbf: {  	_ =	sfence.sel $0xFFFF  }
0xc0: {  	[dreg:$0x0] =	wrdreg $0xFFFFFFFF;
	(pc) =	sbr.abs _section_cstart, $3  }
0xc1: {  	[dreg:$0x1] =	wrdreg $0xFFFFFFFF  }
0xc2: {  	_ =	task.clear_ibuf [dreg:s7], $0x2FFFF;
	_ =	strace $0x9FFFFFFF  }
0xc3: {  	(tm) =	ssettm $0x7FFFFFFF  }
tec
execute0_lowered:
.L_overlay_start_1:
0x0: {  	(tag) =	ssettag $0x1  }
0x1: {  	s1 =	rddreg [dreg:$0x0]  }
0x2: {  	s0 =	rddreg [dreg:$0x1]  }
0x3: {  	s2 =	rddreg [dreg:$0x2]  }
0x4: {  	s3 =	simm.s32 $0x0;
	s4 =	srdreg.scid;
	s15 =	stileid.u32  }
0x5: {  	s21 =	simm.s32 $0x1680;
	s28 =	simm.s32 $0x1040;
	s29 =	simm.s32 $0x1  }
0x6: {  	s30 =	simm.s32 $0x5500;
	s31 =	simm.s32 $0x4EC0;
	[smem:$0x7FF] =	sst s3  }
0x7: {  	s5 =	sadd.s32 $0x81200, s0;
	s6 =	sadd.s32 $0x50200, s0;
	s7 =	sadd.s32 $0x7C200, s0  }
0x8: {  	s4 =	sand.u32 $0x1, s4;
	s8 =	sadd.s32 $0x8B600, s0;
	s9 =	smul.u32 $0x57C00, s15  }
0x9: {  	s0 =	sadd.s32 $0x8B800, s0;
	s14 =	smul.u32 $0x15F00, s15;
	p0 =	sne.s32 s15, $0xF  }
0xa: {  	_ =	strace $0x80000047;
	[dreg:$0x4] =	wrdreg s8;
	s11 =	ssub.s32 $0x2, s4  }
0xb: {  	s13 =	smul.u32 $0x15F900, s4;
	s4 =	sshll.u32 s4, $0x4;
	s10 =	sshrl.u32 s11, $0x1  }
0xc: {  	s9 =	sshrl.u32 s9, $0x2;
	s4 =	sor.u32 s15, s4;
	s19 =	sadd.s32 s14, s2  }
0xd: {  	s8 =	ssub.s32 s11, s10;
	s9 =	sadd.s32 s9, s2;
	s11 =	sadd.s32 $0x15F000, s2  }
0xe: {  	s16 =	sadd.s32 s14, s13;
	s18 =	sshrl.u32 s13, $0x3;
	s12 =	sadd.s32 $0x14400, s9  }
0xf: {  	s17 =	sshrl.u32 s16, $0x3;
	s22 =	smax.u32 s8, $0x1;
	[dreg:$0x5] =	wrdreg s12  }
0x10: {  	s23 =	sadd.s32 $0x3600, s9;
	s24 =	sadd.s32 $0x6C00, s9;
	[dreg:$0x8] =	wrdreg s22  }
0x11: {  	s25 =	sadd.s32 $0xA200, s9;
	s26 =	sadd.s32 $0xD800, s9;
	[dreg:$0x9] =	wrdreg s23  }
0x12: {  	s20 =	sadd.s32 $0x10E00, s9;
	s12 =	smul.u32 $0x514, s4;
	[dreg:$0xa] =	wrdreg s24  }
.Ltmp0:
0x13: {  	s4 =	sadd.s32 s0, s17;
	[dreg:$0xb] =	wrdreg s25;
	(pc) =	sbr.rel .LBB2_1-.Ltmp0, $4  }
0x14: {  	s0 =	sadd.s32 s0, s18;
	[dreg:$0xc] =	wrdreg s26;
	s22 =	simm.s32 $0x5  }
0x15: {  	v0 =	vimm.f32 $0.0e+00;
	v1 =	vimm.s32 $0x0;
	v2 =	vimm.s32 $0x1;
	s24 =	simm.s32 $0x820;
	s25 =	sshrl.u32 s19, $0x3;
	s26 =	simm.s32 $0x64  }
0x16: {  	v3 =	vimm.s32 $0x2;
	v4 =	vimm.s32 $0x3;
	v5 =	vimm.s32 $0x4;
	s23 =	simm.s32 $0x3;
	[dreg:$0x6] =	wrdreg s4;
	s0 =	sadd.s32 $0x2BE00, s0  }
0x17: {  	v6 =	vimm.s32 $0x5;
	v7 =	vimm.s32 $0x6;
	v8 =	vimm.s32 $0x7;
	s4 =	simm.s32 $0x4;
	[dreg:$0x7] =	wrdreg s0;
	s0 =	simm.s32 $0x2  }
.LBB2_12:
0x18: {  	_ =	swait.ge [sflag:s4], $0x3840  }
0x19: {  	[sflag:s4] =	ssyncset.done $0x0  }
0x1a: {  	s8 =	stileid.u32;
	[sflag:s4] =	ssyncadd.s32 $0xFFFFC7C0  }
0x1b: {  	s8 =	sshll.u32 s8, $0x6;
	[bflag:$0x0] =	sbarrier.arrive $0xFFFF  }
0x1c: {  	s8 =	sor.u32 $0x1C05, s8;
	s10 =	rddreg [dreg:$0x6]  }
0x1d: {  	[hbm:s10], [sflag:s8] =	dma.local [spmem:s25], $0x2BE0  }
0x1e: {  	_ =	swait.ge [sflag:s22], $0x2BE0  }
0x1f: {  	[sflag:s22] =	ssyncset.done $0x0  }
0x20: {  	s10 =	sshrl.u32 @!p0 s11, $0x3;
	s13 =	rddreg [dreg:$0x7];
	[sflag:s22] =	ssyncadd.s32 $0xFFFFD420  }
0x21: {  	[hbm:s13], [sflag:s8] =	dma.local @!p0 [spmem:s10], $0x120  }
0x22: {  	s8 =	simm.s32 @!p0 $0x5  }
0x23: {  	_ =	swait.ge @!p0 [sflag:s8], $0x120  }
0x24: {  	s3 =	sadd.s32 $0x1, s3;
	s19 =	rddreg [dreg:$0x8]  }
0x25: {  	p1 =	sne.s32 s3, s19  }
.Ltmp1:
0x26: {  	_ = 	snop;
	(pc) =	sbr.rel @!p1 .LBB2_13-.Ltmp1, $3  }
0x27: {  	_ =	sdelay $0x1  }
0x28: {  	[sflag:s8] =	ssyncset.done @!p0 $0x0  }
0x29: {  	[sflag:s8] =	ssyncadd.s32 @!p0 $0xFFFFFEE0  }
.LBB2_1:
0x2a: {  	s8 =	simm.s32 $0x0;
	s10 =	simm.s32 $0x240  }
.LBB2_2:
0x2b: {  	p1 =	sne.s32 s10, $0xDEC0;
	[tilespmem:s8+$0x1700] =	vst v0  }
0x2c: {  	[tilespmem:s8+$0x1680] =	vst v0  }
0x2d: {  	[tilespmem:s8+$0x1690] =	vst v0  }
0x2e: {  	[tilespmem:s8+$0x16A0] =	vst v0  }
.Ltmp2:
0x2f: {  	[tilespmem:s8+$0x16B0] =	vst v0;
	(pc) =	sbr.rel @p1 .LBB2_2-.Ltmp2, $4  }
0x30: {  	[tilespmem:s8+$0x16C0] =	vst v0  }
0x31: {  	[tilespmem:s8+$0x16D0] =	vst v0  }
0x32: {  	[tilespmem:s8+$0x16E0] =	vst v0  }
0x33: {  	[tilespmem:s8+$0x16F0] =	vst v0;
	s8 =	sshra.s32 s10, $0x2;
	s10 =	sadd.s32 $0x240, s10  }
0x34: {  	[tilespmem:s8+$0x1700] =	vst v0  }
0x35: {  	[tilespmem:s8+$0x1680] =	vst v0  }
0x36: {  	[tilespmem:s8+$0x1690] =	vst v0  }
0x37: {  	[tilespmem:s8+$0x16A0] =	vst v0  }
0x38: {  	[tilespmem:s8+$0x16B0] =	vst v0  }
0x39: {  	[tilespmem:s8+$0x16C0] =	vst v0  }
0x3a: {  	[tilespmem:s8+$0x16D0] =	vst v0  }
0x3b: {  	[tilespmem:s8+$0x16E0] =	vst v0  }
0x3c: {  	[tilespmem:s8+$0x16F0] =	vst v0  }
0x3d: {  	[spmem:s9] =	stream.linear.scatter [tilespmem:s21], [sflag:$0x5], $0x3600, $0x38;
	[tilespmem:$0x1ECE0] =	vst v63  }
0x3e: {  	_ =	swait.ge [sflag:s22], $0x3600  }
0x3f: {  	[sflag:s22] =	ssyncset.done $0x0  }
0x40: {  	s15 =	rddreg [dreg:$0x9];
	[sflag:s22] =	ssyncadd.s32 $0xFFFFCA00  }
0x41: {  	[spmem:s15] =	stream.linear.scatter [tilespmem:s21], [sflag:$0x5], $0x3600, $0x38;
	[tilespmem:$0x1ECE0] =	vst v63  }
0x42: {  	_ =	swait.ge [sflag:s22], $0x3600  }
0x43: {  	[sflag:s22] =	ssyncset.done $0x0  }
0x44: {  	s16 =	rddreg [dreg:$0xa];
	[sflag:s22] =	ssyncadd.s32 $0xFFFFCA00  }
0x45: {  	[spmem:s16] =	stream.linear.scatter [tilespmem:s21], [sflag:$0x5], $0x3600, $0x38;
	[tilespmem:$0x1ECE0] =	vst v63  }
0x46: {  	_ =	swait.ge [sflag:s22], $0x3600  }
0x47: {  	[sflag:s22] =	ssyncset.done $0x0  }
0x48: {  	s17 =	rddreg [dreg:$0xb];
	[sflag:s22] =	ssyncadd.s32 $0xFFFFCA00  }
0x49: {  	[spmem:s17] =	stream.linear.scatter [tilespmem:s21], [sflag:$0x5], $0x3600, $0x38;
	[tilespmem:$0x1ECE0] =	vst v63  }
0x4a: {  	_ =	swait.ge [sflag:s22], $0x3600  }
0x4b: {  	[sflag:s22] =	ssyncset.done $0x0  }
0x4c: {  	s18 =	rddreg [dreg:$0xc];
	[sflag:s22] =	ssyncadd.s32 $0xFFFFCA00  }
0x4d: {  	[spmem:s18] =	stream.linear.scatter [tilespmem:s21], [sflag:$0x5], $0x3600, $0x38;
	[tilespmem:$0x1ECE0] =	vst v63  }
0x4e: {  	_ =	swait.ge [sflag:s22], $0x3600  }
0x4f: {  	[sflag:s22] =	ssyncset.done $0x0  }
0x50: {  	[sflag:s22] =	ssyncadd.s32 $0xFFFFCA00  }
0x51: {  	[spmem:s20] =	stream.linear.scatter [tilespmem:s21], [sflag:$0x5], $0x3600, $0x38;
	[tilespmem:$0x1ECE0] =	vst v63  }
0x52: {  	_ =	swait.ge [sflag:s22], $0x3600  }
0x53: {  	[sflag:s22] =	ssyncset.done $0x0  }
0x54: {  	s19 =	rddreg [dreg:$0x5];
	[sflag:s22] =	ssyncadd.s32 $0xFFFFCA00  }
0x55: {  	[spmem:s19] =	stream.linear.scatter [tilespmem:s21], [sflag:$0x5], $0x1B00, $0x38;
	[tilespmem:$0x1ECE0] =	vst v63  }
0x56: {  	_ =	swait.ge [sflag:s22], $0x1B00  }
0x57: {  	[sflag:s22] =	ssyncset.done $0x0  }
0x58: {  	s8 =	simm.s32 @!p0 $0x1680;
	[sflag:s22] =	ssyncadd.s32 $0xFFFFE500  }
0x59: {  	[spmem:s11] =	stream.linear.scatter @!p0 [tilespmem:s8], [sflag:$0x5], $0x900, $0x38;
	[tilespmem:$0x1ECE0] =	vst v63  }
0x5a: {  	s8 =	simm.s32 @!p0 $0x5  }
0x5b: {  	_ =	swait.ge @!p0 [sflag:s8], $0x900  }
0x5c: {  	s13 =	simm.s32 $0x8D40;
	[sflag:s8] =	ssyncset.done @!p0 $0x0  }
0x5d: {  	s10 =	rddreg [dreg:$0x4];
	[sflag:s8] =	ssyncadd.s32 @!p0 $0xFFFFF700;
	s8 =	simm.s32 $0x0  }
0x5e: {  	[tilespmem:s13], [sflag:$0x5] =	stream.linear.gather [hbm4b:s10+s8], $0x10, $0x38;
	[tilespmem:$0x1ECE0] =	vst v63  }
.Ltmp3:
0x5f: {  	_ =	swait.ge [sflag:s22], $0x10;
	(pc) =	sbr.rel .LBB2_4-.Ltmp3, $4  }
0x60: {  	[sflag:s22] =	ssyncset.done $0x0  }
0x61: {  	[sflag:s22] =	ssyncadd.s32 $0xFFFFFFF0  }
0x62: {  	[bflag:$0x0] =	sbarrier.arrive $0xFFFF  }
0x63: {  	s10 =	simm.s32 $0x0;
	v9 =	vld [tilespmem:$0x8D40]  }
.LBB2_11:
0x64: {  	s10 =	sadd.s32 $0x1, s10  }
0x65: {  	p1 =	sne.s32 s10, $0x5  }
.Ltmp4:
0x66: {  	_ = 	snop;
	(pc) =	sbr.rel @!p1 .LBB2_12-.Ltmp4, $2  }
0x67: {  	_ =	sdelay $0x2  }
0x68: {  	[spmem:s2] =	stream.indirect.scatter.add.f32 [tilespmem:s30], [sflag:$0x4], $0x90, s15, s26, $0xb8;
	[tilespmem:$0x1ECE0] =	vst v63  }
.LBB2_4:
0x69: {  	p1 =	seq.s32 s10, $0x0  }
0x6a: {  	s14 =	smul.u32 $0x104, s10;
	s13 =	simm.s32 @!p1 $0x4  }
0x6b: {  	_ =	swait.ge @!p1 [sflag:s13], $0x3840  }
0x6c: {  	s14 =	sadd.s32 s12, s14;
	[sflag:s13] =	ssyncset.done @!p1 $0x0  }
0x6d: {  	s18 =	sadd.s32 s1, s14;
	[sflag:s13] =	ssyncadd.s32 @!p1 $0xFFFFC7C0  }
0x6e: {  	[tilespmem:s8], [sflag:$0x5] =	stream.linear.gather [hbm4b:s18+s8], $0x820, $0x38;
	[tilespmem:$0x1ECE0] =	vst v63  }
0x6f: {  	_ =	swait.ge [sflag:s22], $0x820  }
0x70: {  	[sflag:s22] =	ssyncset.done $0x0  }
0x71: {  	s19 =	sadd.s32 s5, s14;
	[sflag:s22] =	ssyncadd.s32 $0xFFFFF7E0  }
0x72: {  	[tilespmem:s24], [sflag:$0x5] =	stream.linear.gather [hbm4b:s19+s8], $0x820, $0x38;
	[tilespmem:$0x1ECE0] =	vst v63  }
0x73: {  	_ =	swait.ge [sflag:s22], $0x820  }
0x74: {  	[sflag:s22] =	ssyncset.done $0x0  }
0x75: {  	[sflag:s22] =	ssyncadd.s32 $0xFFFFF7E0  }
0x76: {  	[tilespmem:s21], [sflag:$0x1] =	stream.indirect.gather [hbm4b:s6+s26], $0x90, s8, s26, $0xb8;
	[tilespmem:$0x1ECE0] =	vst v63  }
0x77: {  	s13 =	simm.s32 $0x0  }
0x78: {  	[tilespmem:s28], [sflag:$0x1] =	stream.indirect.gather [hbm4b:s7+s26], $0x10, s24, s26, $0xb8;
	[tilespmem:$0x1ECE0] =	vst v63  }
.LBB2_5:
0x79: {  	_ =	swait.ge [sflag:s29], $0x3840  }
0x7a: {  	[sflag:s29] =	ssyncset.done $0x0  }
0x7b: {  	[sflag:s29] =	ssyncadd.s32 $0xFFFFC7C0  }
0x7c: {  	_ =	swait.ge [sflag:s29], $0x640  }
0x7d: {  	p1 =	seq.s32 s13, $0x0;
	[sflag:s29] =	ssyncset.done $0x0  }
0x7e: {  	s15 =	simm.s32 @!p1 $0x4;
	[sflag:s29] =	ssyncadd.s32 $0xFFFFF9C0  }
0x7f: {  	s14 =	smul.u32 $0xD0, s13;
	_ =	swait.ge @!p1 [sflag:s15], $0x3840  }
0x80: {  	[sflag:s15] =	ssyncset.done @!p1 $0x0  }
0x81: {  	s19 =	sadd.s32 $0x68, s14;
	[sflag:s15] =	ssyncadd.s32 @!p1 $0xFFFFC7C0  }
0x82: {  	[tilespmem:s30], [sflag:$0x2] =	stream.indirect.gather [hbm4b:s6+s26], $0x90, s19, s26, $0xb8;
	[tilespmem:$0x1ECE0] =	vst v63  }
0x83: {  	s16 =	simm.s32 $0x16C0;
	s15 =	sadd.s32 $0x888, s14  }
0x84: {  	[tilespmem:s31], [sflag:$0x2] =	stream.indirect.gather [hbm4b:s7+s26], $0x10, s15, s26, $0xb8;
	[tilespmem:$0x1ECE0] =	vst v63  }
0x85: {  	s18 =	simm.s32 $0x40;
	s17 =	simm.s32 $0x16C0;
	s19 =	simm.s32 $0x0;
	v10 =	vld [tilespmem:s16+$0x40]  }
.LBB2_6:
0x86: {  	p1 =	sne.s32 s18, $0x18C0;
	v11 =	vld [tilespmem:s19+$0x1040];
	_ =	sdelay $0x4  }
0x87: {  	v10 =	vadd.f32 v11, v10;
	_ =	sdelay $0x1  }
0x88: {  	v11 =	vmul.f32 $2.000000030e-01, v10;
	_ =	sdelay $0x1  }
0x89: {  	v10 =	vmax.f32 v10, v11  }
0x8a: {  	v10 =	vsub.f32 v10, v9;
	_ =	sdelay $0x1  }
0x8b: {  	v10 =	vmul.f32 $1.442695020e+00, v10;
	_ =	sdelay $0x1  }
0x8c: {  	(erf) = vpow2.f32 v10;
	_ =	sdelay $0x4  }
0x8d: {  	v10 =	vld [tilespmem:s16+$0xFFFFFFF0]  }
0x8e: {  	v11 =	vld [tilespmem:s16+$0xFFFFFFD0]  }
0x8f: {  	v12 =	vld [tilespmem:s16+$0xFFFFFFC0]  }
0x90: {  	v13 =	vld [tilespmem:s16+$0xFFFFFFE0]  }
0x91: {  	v14 =	vld [tilespmem:s16+$0x30];
	v15 =	vpop (erf)  }
0x92: {  	[tilespmem:s16+$0x40] =	vst v15;
	v16 =	vperm.xlane v15, v1;
	v17 =	vperm.xlane v15, v2;
	v18 =	vld [tilespmem:s16+$0x10]  }
0x93: {  	v19 =	vperm.xlane v15, v3;
	v20 =	vperm.xlane v15, v4;
	v21 =	vld [tilespmem:s16+$0x0]  }
0x94: {  	v12 =	vmul.f32 v12, v16;
	v11 =	vmul.f32 v11, v17;
	v16 =	vld [tilespmem:s16+$0x20]  }
0x95: {  	v10 =	vmul.f32 v10, v20;
	v13 =	vmul.f32 v13, v19  }
0x96: {  	v17 =	vperm.xlane v15, v6;
	[tilespmem:s16+$0xFFFFFFC0] =	vst v12;
	v12 =	vperm.xlane v15, v5  }
0x97: {  	[tilespmem:s16+$0xFFFFFFD0] =	vst v11;
	v11 =	vperm.xlane v15, v7;
	v15 =	vperm.xlane v15, v8  }
0x98: {  	[tilespmem:s16+$0xFFFFFFE0] =	vst v13;
	v12 =	vmul.f32 v21, v12;
	v13 =	vmul.f32 v18, v17  }
.Ltmp5:
0x99: {  	[tilespmem:s16+$0xFFFFFFF0] =	vst v10;
	v10 =	vmul.f32 v16, v11;
	v11 =	vmul.f32 v14, v15;
	(pc) =	sbr.rel @p1 .LBB2_6-.Ltmp5, $4  }
0x9a: {  	[tilespmem:s16+$0x0] =	vst v12  }
0x9b: {  	[tilespmem:s16+$0x10] =	vst v13  }
0x9c: {  	s16 =	sadd.s32 $0x90, s16;
	[tilespmem:s17+$0x20] =	vst v10  }
0x9d: {  	s19 =	sshra.s32 s18, $0x2;
	s18 =	sadd.s32 $0x40, s18;
	v10 =	vld [tilespmem:s16+$0x40];
	[tilespmem:s17+$0x30] =	vst v11;
	s17 =	smov.u32 s16  }
0x9e: {  	v11 =	vld [tilespmem:s19+$0x1040];
	_ =	sdelay $0x4  }
0x9f: {  	v10 =	vadd.f32 v11, v10;
	_ =	sdelay $0x1  }
0xa0: {  	v11 =	vmul.f32 $2.000000030e-01, v10;
	_ =	sdelay $0x1  }
0xa1: {  	v10 =	vmax.f32 v10, v11  }
0xa2: {  	v10 =	vsub.f32 v10, v9;
	_ =	sdelay $0x1  }
0xa3: {  	v10 =	vmul.f32 $1.442695020e+00, v10;
	_ =	sdelay $0x1  }
0xa4: {  	(erf) = vpow2.f32 v10;
	_ =	sdelay $0x6  }
0xa5: {  	v11 =	vld [tilespmem:s16+$0xFFFFFFC0]  }
0xa6: {  	v12 =	vld [tilespmem:s16+$0xFFFFFFD0]  }
0xa7: {  	v13 =	vld [tilespmem:s16+$0xFFFFFFE0];
	v14 =	vpop (erf)  }
0xa8: {  	v10 =	vld [tilespmem:s16+$0xFFFFFFF0];
	v16 =	vperm.xlane v14, v1  }
0xa9: {  	v19 =	vld [tilespmem:s16+$0x10];
	v17 =	vperm.xlane v14, v2  }
0xaa: {  	v18 =	vld [tilespmem:s16+$0x0];
	v20 =	vperm.xlane v14, v3;
	v11 =	vmul.f32 v11, v16  }
0xab: {  	v59 =	vld [tilespmem:s16+$0x20];
	[tilespmem:s16+$0x40] =	vst v14;
	v58 =	vperm.xlane v14, v4;
	v12 =	vmul.f32 v12, v17  }
0xac: {  	v15 =	vld [tilespmem:s16+$0x30];
	v60 =	vperm.xlane v14, v6;
	v13 =	vmul.f32 v13, v20;
	[tilespmem:s16+$0xFFFFFFC0] =	vst v11  }
0xad: {  	v10 =	vmul.f32 v10, v58;
	v11 =	vperm.xlane v14, v5;
	[tilespmem:s16+$0xFFFFFFD0] =	vst v12  }
0xae: {  	v61 =	vperm.xlane v14, v7;
	v63 =	vmul.f32 v19, v60;
	[tilespmem:s16+$0xFFFFFFE0] =	vst v13  }
0xaf: {  	v62 =	vperm.xlane v14, v8;
	[tilespmem:s16+$0xFFFFFFF0] =	vst v10;
	v11 =	vmul.f32 v18, v11  }
0xb0: {  	s18 =	smul.u32 $0x340, s13;
	v10 =	vmul.f32 v59, v61;
	[tilespmem:s16+$0x10] =	vst v63  }
0xb1: {  	[tilespmem:s16+$0x0] =	vst v11;
	v11 =	vmul.f32 v15, v62  }
0xb2: {  	s19 =	sshra.s32 s18, $0x2;
	[tilespmem:s17+$0x20] =	vst v10  }
0xb3: {  	s16 =	sadd.s32 $0x820, s19;
	[tilespmem:s17+$0x30] =	vst v11  }
0xb4: {  	[spmem:s2] =	stream.indirect.scatter.add.f32 [tilespmem:s21], [sflag:$0x3], $0x90, s16, s26, $0xb8;
	[tilespmem:$0x1ECE0] =	vst v63  }
0xb5: {  	_ =	swait.ge [sflag:s0], $0x3840  }
0xb6: {  	[sflag:s0] =	ssyncset.done $0x0  }
0xb7: {  	[sflag:s0] =	ssyncadd.s32 $0xFFFFC7C0  }
0xb8: {  	_ =	swait.ge [sflag:s0], $0x640  }
0xb9: {  	[sflag:s0] =	ssyncset.done $0x0  }
0xba: {  	s16 =	simm.s32 $0x5540;
	[sflag:s0] =	ssyncadd.s32 $0xFFFFF9C0  }
0xbb: {  	s18 =	simm.s32 $0x40;
	s19 =	simm.s32 $0x0;
	s17 =	simm.s32 $0x5540;
	v10 =	vld [tilespmem:s16+$0x40]  }
.LBB2_8:
0xbc: {  	p1 =	sne.s32 s18, $0x18C0;
	v11 =	vld [tilespmem:s19+$0x4EC0];
	_ =	sdelay $0x4  }
0xbd: {  	v10 =	vadd.f32 v11, v10;
	_ =	sdelay $0x1  }
0xbe: {  	v11 =	vmul.f32 $2.000000030e-01, v10;
	_ =	sdelay $0x1  }
0xbf: {  	v10 =	vmax.f32 v10, v11  }
0xc0: {  	v10 =	vsub.f32 v10, v9;
	_ =	sdelay $0x1  }
0xc1: {  	v10 =	vmul.f32 $1.442695020e+00, v10;
	_ =	sdelay $0x1  }
0xc2: {  	(erf) = vpow2.f32 v10;
	_ =	sdelay $0x4  }
0xc3: {  	v10 =	vld [tilespmem:s16+$0xFFFFFFF0]  }
0xc4: {  	v11 =	vld [tilespmem:s16+$0xFFFFFFD0]  }
0xc5: {  	v12 =	vld [tilespmem:s16+$0xFFFFFFC0]  }
0xc6: {  	v13 =	vld [tilespmem:s16+$0xFFFFFFE0]  }
0xc7: {  	v14 =	vld [tilespmem:s16+$0x30];
	v15 =	vpop (erf)  }
0xc8: {  	[tilespmem:s16+$0x40] =	vst v15;
	v16 =	vperm.xlane v15, v1;
	v17 =	vperm.xlane v15, v2;
	v18 =	vld [tilespmem:s16+$0x10]  }
0xc9: {  	v19 =	vperm.xlane v15, v3;
	v20 =	vperm.xlane v15, v4;
	v21 =	vld [tilespmem:s16+$0x0]  }
0xca: {  	v12 =	vmul.f32 v12, v16;
	v11 =	vmul.f32 v11, v17;
	v16 =	vld [tilespmem:s16+$0x20]  }
0xcb: {  	v10 =	vmul.f32 v10, v20;
	v13 =	vmul.f32 v13, v19  }
0xcc: {  	v17 =	vperm.xlane v15, v6;
	[tilespmem:s16+$0xFFFFFFC0] =	vst v12;
	v12 =	vperm.xlane v15, v5  }
0xcd: {  	[tilespmem:s16+$0xFFFFFFD0] =	vst v11;
	v11 =	vperm.xlane v15, v7;
	v15 =	vperm.xlane v15, v8  }
0xce: {  	[tilespmem:s16+$0xFFFFFFE0] =	vst v13;
	v12 =	vmul.f32 v21, v12;
	v13 =	vmul.f32 v18, v17  }
.Ltmp6:
0xcf: {  	[tilespmem:s16+$0xFFFFFFF0] =	vst v10;
	v10 =	vmul.f32 v16, v11;
	v11 =	vmul.f32 v14, v15;
	(pc) =	sbr.rel @p1 .LBB2_8-.Ltmp6, $4  }
0xd0: {  	[tilespmem:s16+$0x0] =	vst v12  }
0xd1: {  	[tilespmem:s16+$0x10] =	vst v13  }
0xd2: {  	s16 =	sadd.s32 $0x90, s16;
	[tilespmem:s17+$0x20] =	vst v10  }
0xd3: {  	s19 =	sshra.s32 s18, $0x2;
	s18 =	sadd.s32 $0x40, s18;
	v10 =	vld [tilespmem:s16+$0x40];
	[tilespmem:s17+$0x30] =	vst v11;
	s17 =	smov.u32 s16  }
0xd4: {  	v11 =	vld [tilespmem:s19+$0x4EC0];
	_ =	sdelay $0x4  }
0xd5: {  	v10 =	vadd.f32 v11, v10;
	_ =	sdelay $0x1  }
0xd6: {  	v11 =	vmul.f32 $2.000000030e-01, v10;
	_ =	sdelay $0x1  }
0xd7: {  	v10 =	vmax.f32 v10, v11  }
0xd8: {  	v10 =	vsub.f32 v10, v9;
	_ =	sdelay $0x1  }
0xd9: {  	v10 =	vmul.f32 $1.442695020e+00, v10;
	_ =	sdelay $0x1  }
0xda: {  	(erf) = vpow2.f32 v10;
	_ =	sdelay $0x6  }
0xdb: {  	v11 =	vld [tilespmem:s16+$0xFFFFFFC0]  }
0xdc: {  	v12 =	vld [tilespmem:s16+$0xFFFFFFD0]  }
0xdd: {  	v13 =	vld [tilespmem:s16+$0xFFFFFFE0];
	v14 =	vpop (erf)  }
0xde: {  	v10 =	vld [tilespmem:s16+$0xFFFFFFF0];
	v16 =	vperm.xlane v14, v1  }
0xdf: {  	v19 =	vld [tilespmem:s16+$0x10];
	v17 =	vperm.xlane v14, v2  }
0xe0: {  	v18 =	vld [tilespmem:s16+$0x0];
	v20 =	vperm.xlane v14, v3;
	v11 =	vmul.f32 v11, v16  }
0xe1: {  	v59 =	vld [tilespmem:s16+$0x20];
	[tilespmem:s16+$0x40] =	vst v14;
	v58 =	vperm.xlane v14, v4;
	v12 =	vmul.f32 v12, v17  }
0xe2: {  	v15 =	vld [tilespmem:s16+$0x30];
	v60 =	vperm.xlane v14, v6;
	v13 =	vmul.f32 v13, v20;
	[tilespmem:s16+$0xFFFFFFC0] =	vst v11  }
0xe3: {  	v10 =	vmul.f32 v10, v58;
	v11 =	vperm.xlane v14, v5;
	[tilespmem:s16+$0xFFFFFFD0] =	vst v12  }
0xe4: {  	v61 =	vperm.xlane v14, v7;
	v63 =	vmul.f32 v19, v60;
	[tilespmem:s16+$0xFFFFFFE0] =	vst v13  }
0xe5: {  	v62 =	vperm.xlane v14, v8;
	[tilespmem:s16+$0xFFFFFFF0] =	vst v10;
	v11 =	vmul.f32 v18, v11  }
0xe6: {  	v10 =	vmul.f32 v59, v61;
	[tilespmem:s16+$0x10] =	vst v63  }
0xe7: {  	p1 =	seq.s32 s13, $0x9;
	[tilespmem:s16+$0x0] =	vst v11;
	v11 =	vmul.f32 v15, v62  }
.Ltmp7:
0xe8: {  	[tilespmem:s17+$0x20] =	vst v10;
	(pc) =	sbr.rel @p1 .LBB2_11-.Ltmp7, $4  }
0xe9: {  	[tilespmem:s17+$0x30] =	vst v11  }
0xea: {  	_ =	swait.ge [sflag:s23], $0x3840  }
0xeb: {  	[sflag:s23] =	ssyncset.done $0x0  }
0xec: {  	[sflag:s23] =	ssyncadd.s32 $0xFFFFC7C0  }
0xed: {  	s16 =	sadd.s32 $0xD0, s14  }
0xee: {  	[tilespmem:s21], [sflag:$0x1] =	stream.indirect.gather [hbm4b:s6+s26], $0x90, s16, s26, $0xb8;
	[tilespmem:$0x1ECE0] =	vst v63  }
.Ltmp8:
0xef: {  	_ = 	snop;
	(pc) =	sbr.rel .LBB2_5-.Ltmp8, $4  }
0xf0: {  	s19 =	sadd.s32 $0x8F0, s14  }
0xf1: {  	[tilespmem:s28], [sflag:$0x1] =	stream.indirect.gather [hbm4b:s7+s26], $0x10, s19, s26, $0xb8;
	[tilespmem:$0x1ECE0] =	vst v63  }
0xf2: {  	s13 =	sadd.s32 $0x1, s13  }
0xf3: {  	[spmem:s2] =	stream.indirect.scatter.add.f32 [tilespmem:s30], [sflag:$0x4], $0x90, s15, s26, $0xb8;
	[tilespmem:$0x1ECE0] =	vst v63  }
.LBB2_13:
0xf4: {  	_ =	sfence.sel $0x180000  }
0xf5: {  	[bflag:$0x0] =	sbarrier.arrive $0xFFFF  }
0xf6: {  	_ =	strace $0x90000047  }
0xf7: {  	s0 =	stileid.u32;
	[bflag:$0x2] =	sbarrier.arrive $0xFFFF  }
0xf8: {  	p0 =	sne.s32 s0, $0x0;
	s0 =	rddreg [dreg:$0x3]  }
0xf9: {  	s0 =	sadd.s32 @!p0 $0x100000, s0  }
0xfa: {  	[sflag:s0] =	ssyncadd.tile.s32 @!p0 $0x1;
	_ =	shalt  }
.Lfunc_end2:
_tile_overlayer_lowered:
.L_overlay_start_2:
0xfb: {  	(tag) =	ssettag $0x2  }
0xfc: {  	s0 =	rddreg [dreg:$0x0];
	s2 =	stileid.u32  }
0xfd: {  	s1 =	rddreg [dreg:$0x1];
	p0 =	sne.s32 s2, $0x0  }
0xfe: {  	s3 =	rddreg [dreg:$0x2];
	[bflag:$0x3] =	sbarrier.arrive $0xFFFF;
	s2 =	simm.s32 @!p0 $0x1C05  }
0xff: {  	[timem:s3], [sflag:s2] =	dma.local @!p0 [hbm:s0], s1  }
0x100: {  	s0 =	simm.s32 @!p0 $0x5  }
0x101: {  	_ =	swait.ge @!p0 [sflag:s0], s1  }
0x102: {  	s1 =	ssub.s32 @!p0 $0x0, s1;
	[sflag:s0] =	ssyncset.done @!p0 $0x0  }
0x103: {  	[sflag:s0] =	ssyncadd.s32 @!p0 s1  }
0x104: {  	[bflag:$0x3] =	sbarrier.arrive $0xFFFF  }
0x105: {  	_ =	shalt  }

</sc_bundles>
